<compile_context>
chip_gen: v7x
topology: tpu7x:2x2x1
jax: 0.10.2.dev20260603
libtpu: 0.0.44.dev20260713+nightly
codegen_flags: <defaults>
</compile_context>

<pallas_src>
import functools

import jax
import jax.numpy as jnp
from jax import lax
from jax.experimental import pallas as pl
from jax.experimental.pallas import tpu as pltpu
from jax.experimental.pallas import tpu_sc as plsc

BATCH = 4096
HIST = 200
DIM = 32
NROWS = BATCH * HIST


def _build_gather():
    info = plsc.get_sparse_core_info()
    nc, ns = info.num_cores, info.num_subcores
    nw = nc * ns
    per_w = NROWS // nw
    chunk = 1280
    nbuf = 2
    sizes = [chunk] * 19 + [chunk // 4] * 4
    offs = [sum(sizes[:j]) for j in range(len(sizes))]
    n_chunks = len(sizes)
    assert sum(sizes) == per_w

    mesh = plsc.VectorSubcoreMesh(core_axis_name="c", subcore_axis_name="s")

    @functools.partial(
        pl.kernel,
        mesh=mesh,
        compiler_params=pltpu.CompilerParams(use_tc_tiling_on_sc=False),
        out_type=jax.ShapeDtypeStruct((NROWS, DIM), jnp.float32),
        scratch_types=[
            pltpu.VMEM((per_w,), jnp.int32),
            pltpu.VMEM((nbuf, chunk, DIM), jnp.float32),
            pltpu.SemaphoreType.DMA,
            pltpu.SemaphoreType.DMA((nbuf,)),
            pltpu.SemaphoreType.DMA((nbuf,)),
        ],
    )
    def gather(table_hbm, idx_hbm, out_hbm, idx_all, rows_v, idx_sem, gat_sem,
               out_sem):
        wid = lax.axis_index("s") * nc + lax.axis_index("c")
        base = wid * per_w

        pltpu.async_copy(idx_hbm.at[pl.ds(base, per_w)], idx_all,
                         idx_sem).wait()

        def gat_copy(i, b):
            return pltpu.async_copy(
                table_hbm.at[idx_all.at[pl.ds(offs[i], sizes[i])]],
                rows_v.at[b, pl.ds(0, sizes[i])], gat_sem.at[b])

        def out_copy(i, b):
            return pltpu.async_copy(
                rows_v.at[b, pl.ds(0, sizes[i])],
                out_hbm.at[pl.ds(base + offs[i], sizes[i])], out_sem.at[b])

        gat_h = {}
        out_h = {}
        for i in range(n_chunks):
            b = i % nbuf
            if i >= nbuf:
                out_h[i - nbuf].wait()
            gat_h[i] = gat_copy(i, b)
            if i >= 1:
                p = i - 1
                gat_h[p].wait()
                out_h[p] = out_copy(p, p % nbuf)
        last = n_chunks - 1
        gat_h[last].wait()
        out_h[last] = out_copy(last, last % nbuf)
        for i in range(max(0, n_chunks - nbuf), n_chunks):
            out_h[i].wait()

    return gather


_gather = _build_gather()


def kernel(x, table):
    idx = x.reshape(NROWS)
    out = _gather(table, idx)
    return out.reshape(BATCH, HIST, DIM)

# --- scband reference (transcript-rebuilt; emitter-appended) ---
"""Pipeline reference for scband-e-59940563583456 (READ-ONLY COPY).

The authoritative reference and input builder live on the scoring server;
editing this copy changes nothing except your own understanding.
"""

import jax, jax.numpy as jnp
import numpy as np

NUM_EMBEDDINGS = 1000000
EMBEDDING_DIM = 32
BATCH = 4096
HIST_LEN = 200


def setup_inputs(seed: int = 0) -> dict:
    key = jax.random.key(seed)
    k1, k2 = jax.random.split(key)
    x = jax.random.randint(k1, (BATCH, HIST_LEN), 0, NUM_EMBEDDINGS, dtype=jnp.int32)
    table = jax.random.normal(k2, (NUM_EMBEDDINGS, EMBEDDING_DIM), dtype=jnp.float32)
    # nn.Embedding(padding_idx=0) initializes the padding row to zeros
    table = table.at[0].set(0.0)
    return {"x": x, "table": table}


def reference(x, table):
    # Faithful translation of nn.Embedding forward: a row-gather from the table.
    # padding_idx only affects initialization (row 0 zeroed) and gradients;
    # the forward pass is a plain gather.
    return jnp.take(table, x, axis=0)

if __name__ == "__main__":
    import jax
    _d = setup_inputs()
    print(jax.jit(kernel)(*tuple(_d.values())))

</pallas_src>

<mosaic_0001>
#map = affine_map<(d0, d1) -> (0, 0)>
#map1 = affine_map<(d0, d1) -> (0)>
module attributes {stable_mosaic.version = 14 : i64} {
  func.func @gather(%arg0: i32, %arg1: i32, %arg2: memref<1000000x32xf32, #tpu.memory_space<hbm>>, %arg3: memref<819200xi32, #tpu.memory_space<hbm>>, %arg4: memref<819200x32xf32, #tpu.memory_space<hbm>>, %arg5: memref<25600xi32, #tpu.memory_space<vmem>>, %arg6: memref<2x1280x32xf32, #tpu.memory_space<vmem>>, %arg7: memref<!tpu.dma_semaphore, #tpu.memory_space<semaphore_mem>>, %arg8: memref<2x!tpu.dma_semaphore, #tpu.memory_space<semaphore_mem>>, %arg9: memref<2x!tpu.dma_semaphore, #tpu.memory_space<semaphore_mem>>) attributes {dimension_semantics = [#tpu.dimension_semantics<core_parallel>, #tpu.dimension_semantics<subcore_parallel>], iteration_bounds = array<i64: 2, 16>, scalar_prefetch = 0 : i64, scratch_operands = 5 : i64, tpu.core_type = #tpu.core_type<sc_vector_subcore>, window_params = [{transform_indices = #map}, {transform_indices = #map1}, {transform_indices = #map}]} {
    %mul3A = arith.constant 2 : i32
    %mul3A_0 = arith.muli %arg1, %mul3A : i32
    %add3A = arith.addi %mul3A_0, %arg0 : i32
    %mul3A_1 = arith.constant 25600 : i32
    %mul3A_2 = arith.muli %add3A, %mul3A_1 : i32
    %dma_start3A = tpu.memref_slice %arg3[%mul3A_2] : memref<819200xi32, #tpu.memory_space<hbm>> -> memref<25600xi32, #tpu.memory_space<hbm>>
    %dma_start3A_3 = tpu.memref_slice %arg3[%mul3A_2] : memref<819200xi32, #tpu.memory_space<hbm>> -> memref<25600xi32, #tpu.memory_space<hbm>>
    tpu.enqueue_dma source(%dma_start3A_3 : memref<25600xi32, #tpu.memory_space<hbm>>) target(%arg5 : memref<25600xi32, #tpu.memory_space<vmem>>) target_semaphore(%arg7 : memref<!tpu.dma_semaphore, #tpu.memory_space<semaphore_mem>>)
    %dma_wait3A = tpu.memref_slice %arg3[%mul3A_2] : memref<819200xi32, #tpu.memory_space<hbm>> -> memref<25600xi32, #tpu.memory_space<hbm>>
    %dma_wait3A_4 = tpu.memref_slice %arg3[%mul3A_2] : memref<819200xi32, #tpu.memory_space<hbm>> -> memref<25600xi32, #tpu.memory_space<hbm>>
    tpu.wait_dma2 semaphore(%arg7 : memref<!tpu.dma_semaphore, #tpu.memory_space<semaphore_mem>>) src(%dma_wait3A_4 : memref<25600xi32, #tpu.memory_space<hbm>>) dst(%arg5 : memref<25600xi32, #tpu.memory_space<vmem>>)
    %dma_start3A_5 = arith.constant 0 : i32
    %dma_start3A_6 = arith.constant 0 : i32
    %dma_start3A_7 = arith.constant 0 : i32
    %dma_start3A_8 = arith.constant 0 : i32
    %dma_start3A_9 = tpu.memref_slice %arg6[%dma_start3A_5, %dma_start3A_7, %dma_start3A_8] : memref<2x1280x32xf32, #tpu.memory_space<vmem>> -> memref<1x1280x32xf32, #tpu.memory_space<vmem>>
    %dma_start3A_10 = tpu.memref_squeeze %dma_start3A_9 : memref<1x1280x32xf32, #tpu.memory_space<vmem>> -> memref<1280x32xf32, #tpu.memory_space<vmem>>
    %dma_start3A_11 = arith.constant 0 : i32
    %dma_start3A_12 = tpu.memref_slice %arg5[%dma_start3A_11] : memref<25600xi32, #tpu.memory_space<vmem>> -> memref<1280xi32, #tpu.memory_space<vmem>>
    %dma_start3A_13 = arith.constant 0 : i32
    %dma_start3A_14 = arith.constant 0 : i32
    %dma_start3A_15 = tpu.memref_slice %arg2[%dma_start3A_13, %dma_start3A_14] : memref<1000000x32xf32, #tpu.memory_space<hbm>> -> memref<1000000x32xf32, #tpu.memory_space<hbm>>
    %dma_start3A_16 = tpu.memref_slice %arg8[%dma_start3A_6] : memref<2x!tpu.dma_semaphore, #tpu.memory_space<semaphore_mem>> -> memref<1x!tpu.dma_semaphore, #tpu.memory_space<semaphore_mem>>
    %dma_start3A_17 = tpu.memref_squeeze %dma_start3A_16 : memref<1x!tpu.dma_semaphore, #tpu.memory_space<semaphore_mem>> -> memref<!tpu.dma_semaphore, #tpu.memory_space<semaphore_mem>>
    tpu.enqueue_indirect_dma source(%dma_start3A_15 : memref<1000000x32xf32, #tpu.memory_space<hbm>>) target(%dma_start3A_10 : memref<1280x32xf32, #tpu.memory_space<vmem>>) offsets(%dma_start3A_12 : memref<1280xi32, #tpu.memory_space<vmem>>) semaphore(%dma_start3A_17 : memref<!tpu.dma_semaphore, #tpu.memory_space<semaphore_mem>>)
    %dma_start3A_18 = arith.constant 1 : i32
    %dma_start3A_19 = arith.constant 1 : i32
    %dma_start3A_20 = arith.constant 0 : i32
    %dma_start3A_21 = arith.constant 0 : i32
    %dma_start3A_22 = tpu.memref_slice %arg6[%dma_start3A_18, %dma_start3A_20, %dma_start3A_21] : memref<2x1280x32xf32, #tpu.memory_space<vmem>> -> memref<1x1280x32xf32, #tpu.memory_space<vmem>>
    %dma_start3A_23 = tpu.memref_squeeze %dma_start3A_22 : memref<1x1280x32xf32, #tpu.memory_space<vmem>> -> memref<1280x32xf32, #tpu.memory_space<vmem>>
    %dma_start3A_24 = arith.constant 1280 : i32
    %dma_start3A_25 = tpu.memref_slice %arg5[%dma_start3A_24] : memref<25600xi32, #tpu.memory_space<vmem>> -> memref<1280xi32, #tpu.memory_space<vmem>>
    %dma_start3A_26 = arith.constant 0 : i32
    %dma_start3A_27 = arith.constant 0 : i32
    %dma_start3A_28 = tpu.memref_slice %arg2[%dma_start3A_26, %dma_start3A_27] : memref<1000000x32xf32, #tpu.memory_space<hbm>> -> memref<1000000x32xf32, #tpu.memory_space<hbm>>
    %dma_start3A_29 = tpu.memref_slice %arg8[%dma_start3A_19] : memref<2x!tpu.dma_semaphore, #tpu.memory_space<semaphore_mem>> -> memref<1x!tpu.dma_semaphore, #tpu.memory_space<semaphore_mem>>
    %dma_start3A_30 = tpu.memref_squeeze %dma_start3A_29 : memref<1x!tpu.dma_semaphore, #tpu.memory_space<semaphore_mem>> -> memref<!tpu.dma_semaphore, #tpu.memory_space<semaphore_mem>>
    tpu.enqueue_indirect_dma source(%dma_start3A_28 : memref<1000000x32xf32, #tpu.memory_space<hbm>>) target(%dma_start3A_23 : memref<1280x32xf32, #tpu.memory_space<vmem>>) offsets(%dma_start3A_25 : memref<1280xi32, #tpu.memory_space<vmem>>) semaphore(%dma_start3A_30 : memref<!tpu.dma_semaphore, #tpu.memory_space<semaphore_mem>>)
    %dma_wait3A_31 = arith.constant 0 : i32
    %dma_wait3A_32 = arith.constant 0 : i32
    %dma_wait3A_33 = arith.constant 0 : i32
    %dma_wait3A_34 = arith.constant 0 : i32
    %dma_wait3A_35 = tpu.memref_slice %arg6[%dma_wait3A_31, %dma_wait3A_33, %dma_wait3A_34] : memref<2x1280x32xf32, #tpu.memory_space<vmem>> -> memref<1x1280x32xf32, #tpu.memory_space<vmem>>
    %dma_wait3A_36 = tpu.memref_squeeze %dma_wait3A_35 : memref<1x1280x32xf32, #tpu.memory_space<vmem>> -> memref<1280x32xf32, #tpu.memory_space<vmem>>
    %dma_wait3A_37 = arith.constant 0 : i32
    %dma_wait3A_38 = tpu.memref_slice %arg5[%dma_wait3A_37] : memref<25600xi32, #tpu.memory_space<vmem>> -> memref<1280xi32, #tpu.memory_space<vmem>>
    %dma_wait3A_39 = arith.constant 0 : i32
    %dma_wait3A_40 = arith.constant 0 : i32
    %dma_wait3A_41 = tpu.memref_slice %arg2[%dma_wait3A_39, %dma_wait3A_40] : memref<1000000x32xf32, #tpu.memory_space<hbm>> -> memref<1000000x32xf32, #tpu.memory_space<hbm>>
    %dma_wait3A_42 = tpu.memref_slice %arg8[%dma_wait3A_32] : memref<2x!tpu.dma_semaphore, #tpu.memory_space<semaphore_mem>> -> memref<1x!tpu.dma_semaphore, #tpu.memory_space<semaphore_mem>>
    %dma_wait3A_43 = tpu.memref_squeeze %dma_wait3A_42 : memref<1x!tpu.dma_semaphore, #tpu.memory_space<semaphore_mem>> -> memref<!tpu.dma_semaphore, #tpu.memory_space<semaphore_mem>>
    tpu.wait_indirect_dma semaphore(%dma_wait3A_43 : memref<!tpu.dma_semaphore, #tpu.memory_space<semaphore_mem>>) src(%dma_wait3A_41 : memref<1000000x32xf32, #tpu.memory_space<hbm>>) dst(%dma_wait3A_36 : memref<1280x32xf32, #tpu.memory_space<vmem>>)
    %add3A_44 = arith.constant 0 : i32
    %add3A_45 = arith.addi %mul3A_2, %add3A_44 : i32
    %dma_start3A_46 = arith.constant 0 : i32
    %dma_start3A_47 = arith.constant 0 : i32
    %dma_start3A_48 = arith.constant 0 : i32
    %dma_start3A_49 = arith.constant 0 : i32
    %dma_start3A_50 = tpu.memref_slice %arg6[%dma_start3A_46, %dma_start3A_48, %dma_start3A_49] : memref<2x1280x32xf32, #tpu.memory_space<vmem>> -> memref<1x1280x32xf32, #tpu.memory_space<vmem>>
    %dma_start3A_51 = tpu.memref_squeeze %dma_start3A_50 : memref<1x1280x32xf32, #tpu.memory_space<vmem>> -> memref<1280x32xf32, #tpu.memory_space<vmem>>
    %dma_start3A_52 = arith.constant 0 : i32
    %dma_start3A_53 = tpu.memref_slice %arg4[%add3A_45, %dma_start3A_52] : memref<819200x32xf32, #tpu.memory_space<hbm>> -> memref<1280x32xf32, #tpu.memory_space<hbm>>
    %dma_start3A_54 = tpu.memref_slice %arg9[%dma_start3A_47] : memref<2x!tpu.dma_semaphore, #tpu.memory_space<semaphore_mem>> -> memref<1x!tpu.dma_semaphore, #tpu.memory_space<semaphore_mem>>
    %dma_start3A_55 = tpu.memref_squeeze %dma_start3A_54 : memref<1x!tpu.dma_semaphore, #tpu.memory_space<semaphore_mem>> -> memref<!tpu.dma_semaphore, #tpu.memory_space<semaphore_mem>>
    %dma_start3A_56 = arith.constant 0 : i32
    %dma_start3A_57 = tpu.memref_slice %arg4[%add3A_45, %dma_start3A_56] : memref<819200x32xf32, #tpu.memory_space<hbm>> -> memref<1280x32xf32, #tpu.memory_space<hbm>>
    %dma_start3A_58 = arith.constant 0 : i32
    %dma_start3A_59 = arith.constant 0 : i32
    %dma_start3A_60 = tpu.memref_slice %arg6[%dma_start3A_46, %dma_start3A_58, %dma_start3A_59] : memref<2x1280x32xf32, #tpu.memory_space<vmem>> -> memref<1x1280x32xf32, #tpu.memory_space<vmem>>
    %dma_start3A_61 = tpu.memref_squeeze %dma_start3A_60 : memref<1x1280x32xf32, #tpu.memory_space<vmem>> -> memref<1280x32xf32, #tpu.memory_space<vmem>>
    tpu.enqueue_dma source(%dma_start3A_61 : memref<1280x32xf32, #tpu.memory_space<vmem>>) target(%dma_start3A_57 : memref<1280x32xf32, #tpu.memory_space<hbm>>) target_semaphore(%dma_start3A_55 : memref<!tpu.dma_semaphore, #tpu.memory_space<semaphore_mem>>)
    %dma_wait3A_62 = arith.constant 0 : i32
    %dma_wait3A_63 = arith.constant 0 : i32
    %dma_wait3A_64 = arith.constant 0 : i32
    %dma_wait3A_65 = arith.constant 0 : i32
    %dma_wait3A_66 = tpu.memref_slice %arg6[%dma_wait3A_62, %dma_wait3A_64, %dma_wait3A_65] : memref<2x1280x32xf32, #tpu.memory_space<vmem>> -> memref<1x1280x32xf32, #tpu.memory_space<vmem>>
    %dma_wait3A_67 = tpu.memref_squeeze %dma_wait3A_66 : memref<1x1280x32xf32, #tpu.memory_space<vmem>> -> memref<1280x32xf32, #tpu.memory_space<vmem>>
    %dma_wait3A_68 = arith.constant 0 : i32
    %dma_wait3A_69 = tpu.memref_slice %arg4[%add3A_45, %dma_wait3A_68] : memref<819200x32xf32, #tpu.memory_space<hbm>> -> memref<1280x32xf32, #tpu.memory_space<hbm>>
    %dma_wait3A_70 = tpu.memref_slice %arg9[%dma_wait3A_63] : memref<2x!tpu.dma_semaphore, #tpu.memory_space<semaphore_mem>> -> memref<1x!tpu.dma_semaphore, #tpu.memory_space<semaphore_mem>>
    %dma_wait3A_71 = tpu.memref_squeeze %dma_wait3A_70 : memref<1x!tpu.dma_semaphore, #tpu.memory_space<semaphore_mem>> -> memref<!tpu.dma_semaphore, #tpu.memory_space<semaphore_mem>>
    %dma_wait3A_72 = arith.constant 0 : i32
    %dma_wait3A_73 = tpu.memref_slice %arg4[%add3A_45, %dma_wait3A_72] : memref<819200x32xf32, #tpu.memory_space<hbm>> -> memref<1280x32xf32, #tpu.memory_space<hbm>>
    %dma_wait3A_74 = arith.constant 0 : i32
    %dma_wait3A_75 = arith.constant 0 : i32
    %dma_wait3A_76 = tpu.memref_slice %arg6[%dma_wait3A_62, %dma_wait3A_74, %dma_wait3A_75] : memref<2x1280x32xf32, #tpu.memory_space<vmem>> -> memref<1x1280x32xf32, #tpu.memory_space<vmem>>
    %dma_wait3A_77 = tpu.memref_squeeze %dma_wait3A_76 : memref<1x1280x32xf32, #tpu.memory_space<vmem>> -> memref<1280x32xf32, #tpu.memory_space<vmem>>
    tpu.wait_dma2 semaphore(%dma_wait3A_71 : memref<!tpu.dma_semaphore, #tpu.memory_space<semaphore_mem>>) src(%dma_wait3A_77 : memref<1280x32xf32, #tpu.memory_space<vmem>>) dst(%dma_wait3A_73 : memref<1280x32xf32, #tpu.memory_space<hbm>>)
    %dma_start3A_78 = arith.constant 0 : i32
    %dma_start3A_79 = arith.constant 0 : i32
    %dma_start3A_80 = arith.constant 0 : i32
    %dma_start3A_81 = arith.constant 0 : i32
    %dma_start3A_82 = tpu.memref_slice %arg6[%dma_start3A_78, %dma_start3A_80, %dma_start3A_81] : memref<2x1280x32xf32, #tpu.memory_space<vmem>> -> memref<1x1280x32xf32, #tpu.memory_space<vmem>>
    %dma_start3A_83 = tpu.memref_squeeze %dma_start3A_82 : memref<1x1280x32xf32, #tpu.memory_space<vmem>> -> memref<1280x32xf32, #tpu.memory_space<vmem>>
    %dma_start3A_84 = arith.constant 2560 : i32
    %dma_start3A_85 = tpu.memref_slice %arg5[%dma_start3A_84] : memref<25600xi32, #tpu.memory_space<vmem>> -> memref<1280xi32, #tpu.memory_space<vmem>>
    %dma_start3A_86 = arith.constant 0 : i32
    %dma_start3A_87 = arith.constant 0 : i32
    %dma_start3A_88 = tpu.memref_slice %arg2[%dma_start3A_86, %dma_start3A_87] : memref<1000000x32xf32, #tpu.memory_space<hbm>> -> memref<1000000x32xf32, #tpu.memory_space<hbm>>
    %dma_start3A_89 = tpu.memref_slice %arg8[%dma_start3A_79] : memref<2x!tpu.dma_semaphore, #tpu.memory_space<semaphore_mem>> -> memref<1x!tpu.dma_semaphore, #tpu.memory_space<semaphore_mem>>
    %dma_start3A_90 = tpu.memref_squeeze %dma_start3A_89 : memref<1x!tpu.dma_semaphore, #tpu.memory_space<semaphore_mem>> -> memref<!tpu.dma_semaphore, #tpu.memory_space<semaphore_mem>>
    tpu.enqueue_indirect_dma source(%dma_start3A_88 : memref<1000000x32xf32, #tpu.memory_space<hbm>>) target(%dma_start3A_83 : memref<1280x32xf32, #tpu.memory_space<vmem>>) offsets(%dma_start3A_85 : memref<1280xi32, #tpu.memory_space<vmem>>) semaphore(%dma_start3A_90 : memref<!tpu.dma_semaphore, #tpu.memory_space<semaphore_mem>>)
    %dma_wait3A_91 = arith.constant 1 : i32
    %dma_wait3A_92 = arith.constant 1 : i32
    %dma_wait3A_93 = arith.constant 0 : i32
    %dma_wait3A_94 = arith.constant 0 : i32
    %dma_wait3A_95 = tpu.memref_slice %arg6[%dma_wait3A_91, %dma_wait3A_93, %dma_wait3A_94] : memref<2x1280x32xf32, #tpu.memory_space<vmem>> -> memref<1x1280x32xf32, #tpu.memory_space<vmem>>
    %dma_wait3A_96 = tpu.memref_squeeze %dma_wait3A_95 : memref<1x1280x32xf32, #tpu.memory_space<vmem>> -> memref<1280x32xf32, #tpu.memory_space<vmem>>
    %dma_wait3A_97 = arith.constant 1280 : i32
    %dma_wait3A_98 = tpu.memref_slice %arg5[%dma_wait3A_97] : memref<25600xi32, #tpu.memory_space<vmem>> -> memref<1280xi32, #tpu.memory_space<vmem>>
    %dma_wait3A_99 = arith.constant 0 : i32
    %dma_wait3A_100 = arith.constant 0 : i32
    %dma_wait3A_101 = tpu.memref_slice %arg2[%dma_wait3A_99, %dma_wait3A_100] : memref<1000000x32xf32, #tpu.memory_space<hbm>> -> memref<1000000x32xf32, #tpu.memory_space<hbm>>
    %dma_wait3A_102 = tpu.memref_slice %arg8[%dma_wait3A_92] : memref<2x!tpu.dma_semaphore, #tpu.memory_space<semaphore_mem>> -> memref<1x!tpu.dma_semaphore, #tpu.memory_space<semaphore_mem>>
    %dma_wait3A_103 = tpu.memref_squeeze %dma_wait3A_102 : memref<1x!tpu.dma_semaphore, #tpu.memory_space<semaphore_mem>> -> memref<!tpu.dma_semaphore, #tpu.memory_space<semaphore_mem>>
    tpu.wait_indirect_dma semaphore(%dma_wait3A_103 : memref<!tpu.dma_semaphore, #tpu.memory_space<semaphore_mem>>) src(%dma_wait3A_101 : memref<1000000x32xf32, #tpu.memory_space<hbm>>) dst(%dma_wait3A_96 : memref<1280x32xf32, #tpu.memory_space<vmem>>)
    %add3A_104 = arith.constant 1280 : i32
    %add3A_105 = arith.addi %mul3A_2, %add3A_104 : i32
    %dma_start3A_106 = arith.constant 1 : i32
    %dma_start3A_107 = arith.constant 1 : i32
    %dma_start3A_108 = arith.constant 0 : i32
    %dma_start3A_109 = arith.constant 0 : i32
    %dma_start3A_110 = tpu.memref_slice %arg6[%dma_start3A_106, %dma_start3A_108, %dma_start3A_109] : memref<2x1280x32xf32, #tpu.memory_space<vmem>> -> memref<1x1280x32xf32, #tpu.memory_space<vmem>>
    %dma_start3A_111 = tpu.memref_squeeze %dma_start3A_110 : memref<1x1280x32xf32, #tpu.memory_space<vmem>> -> memref<1280x32xf32, #tpu.memory_space<vmem>>
    %dma_start3A_112 = arith.constant 0 : i32
    %dma_start3A_113 = tpu.memref_slice %arg4[%add3A_105, %dma_start3A_112] : memref<819200x32xf32, #tpu.memory_space<hbm>> -> memref<1280x32xf32, #tpu.memory_space<hbm>>
    %dma_start3A_114 = tpu.memref_slice %arg9[%dma_start3A_107] : memref<2x!tpu.dma_semaphore, #tpu.memory_space<semaphore_mem>> -> memref<1x!tpu.dma_semaphore, #tpu.memory_space<semaphore_mem>>
    %dma_start3A_115 = tpu.memref_squeeze %dma_start3A_114 : memref<1x!tpu.dma_semaphore, #tpu.memory_space<semaphore_mem>> -> memref<!tpu.dma_semaphore, #tpu.memory_space<semaphore_mem>>
    %dma_start3A_116 = arith.constant 0 : i32
    %dma_start3A_117 = tpu.memref_slice %arg4[%add3A_105, %dma_start3A_116] : memref<819200x32xf32, #tpu.memory_space<hbm>> -> memref<1280x32xf32, #tpu.memory_space<hbm>>
    %dma_start3A_118 = arith.constant 0 : i32
    %dma_start3A_119 = arith.constant 0 : i32
    %dma_start3A_120 = tpu.memref_slice %arg6[%dma_start3A_106, %dma_start3A_118, %dma_start3A_119] : memref<2x1280x32xf32, #tpu.memory_space<vmem>> -> memref<1x1280x32xf32, #tpu.memory_space<vmem>>
    %dma_start3A_121 = tpu.memref_squeeze %dma_start3A_120 : memref<1x1280x32xf32, #tpu.memory_space<vmem>> -> memref<1280x32xf32, #tpu.memory_space<vmem>>
    tpu.enqueue_dma source(%dma_start3A_121 : memref<1280x32xf32, #tpu.memory_space<vmem>>) target(%dma_start3A_117 : memref<1280x32xf32, #tpu.memory_space<hbm>>) target_semaphore(%dma_start3A_115 : memref<!tpu.dma_semaphore, #tpu.memory_space<semaphore_mem>>)
    %dma_wait3A_122 = arith.constant 1 : i32
    %dma_wait3A_123 = arith.constant 1 : i32
    %dma_wait3A_124 = arith.constant 0 : i32
    %dma_wait3A_125 = arith.constant 0 : i32
    %dma_wait3A_126 = tpu.memref_slice %arg6[%dma_wait3A_122, %dma_wait3A_124, %dma_wait3A_125] : memref<2x1280x32xf32, #tpu.memory_space<vmem>> -> memref<1x1280x32xf32, #tpu.memory_space<vmem>>
    %dma_wait3A_127 = tpu.memref_squeeze %dma_wait3A_126 : memref<1x1280x32xf32, #tpu.memory_space<vmem>> -> memref<1280x32xf32, #tpu.memory_space<vmem>>
    %dma_wait3A_128 = arith.constant 0 : i32
    %dma_wait3A_129 = tpu.memref_slice %arg4[%add3A_105, %dma_wait3A_128] : memref<819200x32xf32, #tpu.memory_space<hbm>> -> memref<1280x32xf32, #tpu.memory_space<hbm>>
    %dma_wait3A_130 = tpu.memref_slice %arg9[%dma_wait3A_123] : memref<2x!tpu.dma_semaphore, #tpu.memory_space<semaphore_mem>> -> memref<1x!tpu.dma_semaphore, #tpu.memory_space<semaphore_mem>>
    %dma_wait3A_131 = tpu.memref_squeeze %dma_wait3A_130 : memref<1x!tpu.dma_semaphore, #tpu.memory_space<semaphore_mem>> -> memref<!tpu.dma_semaphore, #tpu.memory_space<semaphore_mem>>
    %dma_wait3A_132 = arith.constant 0 : i32
    %dma_wait3A_133 = tpu.memref_slice %arg4[%add3A_105, %dma_wait3A_132] : memref<819200x32xf32, #tpu.memory_space<hbm>> -> memref<1280x32xf32, #tpu.memory_space<hbm>>
    %dma_wait3A_134 = arith.constant 0 : i32
    %dma_wait3A_135 = arith.constant 0 : i32
    %dma_wait3A_136 = tpu.memref_slice %arg6[%dma_wait3A_122, %dma_wait3A_134, %dma_wait3A_135] : memref<2x1280x32xf32, #tpu.memory_space<vmem>> -> memref<1x1280x32xf32, #tpu.memory_space<vmem>>
    %dma_wait3A_137 = tpu.memref_squeeze %dma_wait3A_136 : memref<1x1280x32xf32, #tpu.memory_space<vmem>> -> memref<1280x32xf32, #tpu.memory_space<vmem>>
    tpu.wait_dma2 semaphore(%dma_wait3A_131 : memref<!tpu.dma_semaphore, #tpu.memory_space<semaphore_mem>>) src(%dma_wait3A_137 : memref<1280x32xf32, #tpu.memory_space<vmem>>) dst(%dma_wait3A_133 : memref<1280x32xf32, #tpu.memory_space<hbm>>)
    %dma_start3A_138 = arith.constant 1 : i32
    %dma_start3A_139 = arith.constant 1 : i32
    %dma_start3A_140 = arith.constant 0 : i32
    %dma_start3A_141 = arith.constant 0 : i32
    %dma_start3A_142 = tpu.memref_slice %arg6[%dma_start3A_138, %dma_start3A_140, %dma_start3A_141] : memref<2x1280x32xf32, #tpu.memory_space<vmem>> -> memref<1x1280x32xf32, #tpu.memory_space<vmem>>
    %dma_start3A_143 = tpu.memref_squeeze %dma_start3A_142 : memref<1x1280x32xf32, #tpu.memory_space<vmem>> -> memref<1280x32xf32, #tpu.memory_space<vmem>>
    %dma_start3A_144 = arith.constant 3840 : i32
    %dma_start3A_145 = tpu.memref_slice %arg5[%dma_start3A_144] : memref<25600xi32, #tpu.memory_space<vmem>> -> memref<1280xi32, #tpu.memory_space<vmem>>
    %dma_start3A_146 = arith.constant 0 : i32
    %dma_start3A_147 = arith.constant 0 : i32
    %dma_start3A_148 = tpu.memref_slice %arg2[%dma_start3A_146, %dma_start3A_147] : memref<1000000x32xf32, #tpu.memory_space<hbm>> -> memref<1000000x32xf32, #tpu.memory_space<hbm>>
    %dma_start3A_149 = tpu.memref_slice %arg8[%dma_start3A_139] : memref<2x!tpu.dma_semaphore, #tpu.memory_space<semaphore_mem>> -> memref<1x!tpu.dma_semaphore, #tpu.memory_space<semaphore_mem>>
    %dma_start3A_150 = tpu.memref_squeeze %dma_start3A_149 : memref<1x!tpu.dma_semaphore, #tpu.memory_space<semaphore_mem>> -> memref<!tpu.dma_semaphore, #tpu.memory_space<semaphore_mem>>
    tpu.enqueue_indirect_dma source(%dma_start3A_148 : memref<1000000x32xf32, #tpu.memory_space<hbm>>) target(%dma_start3A_143 : memref<1280x32xf32, #tpu.memory_space<vmem>>) offsets(%dma_start3A_145 : memref<1280xi32, #tpu.memory_space<vmem>>) semaphore(%dma_start3A_150 : memref<!tpu.dma_semaphore, #tpu.memory_space<semaphore_mem>>)
    %dma_wait3A_151 = arith.constant 0 : i32
    %dma_wait3A_152 = arith.constant 0 : i32
    %dma_wait3A_153 = arith.constant 0 : i32
    %dma_wait3A_154 = arith.constant 0 : i32
    %dma_wait3A_155 = tpu.memref_slice %arg6[%dma_wait3A_151, %dma_wait3A_153, %dma_wait3A_154] : memref<2x1280x32xf32, #tpu.memory_space<vmem>> -> memref<1x1280x32xf32, #tpu.memory_space<vmem>>
    %dma_wait3A_156 = tpu.memref_squeeze %dma_wait3A_155 : memref<1x1280x32xf32, #tpu.memory_space<vmem>> -> memref<1280x32xf32, #tpu.memory_space<vmem>>
    %dma_wait3A_157 = arith.constant 2560 : i32
    %dma_wait3A_158 = tpu.memref_slice %arg5[%dma_wait3A_157] : memref<25600xi32, #tpu.memory_space<vmem>> -> memref<1280xi32, #tpu.memory_space<vmem>>
    %dma_wait3A_159 = arith.constant 0 : i32
    %dma_wait3A_160 = arith.constant 0 : i32
    %dma_wait3A_161 = tpu.memref_slice %arg2[%dma_wait3A_159, %dma_wait3A_160] : memref<1000000x32xf32, #tpu.memory_space<hbm>> -> memref<1000000x32xf32, #tpu.memory_space<hbm>>
    %dma_wait3A_162 = tpu.memref_slice %arg8[%dma_wait3A_152] : memref<2x!tpu.dma_semaphore, #tpu.memory_space<semaphore_mem>> -> memref<1x!tpu.dma_semaphore, #tpu.memory_space<semaphore_mem>>
    %dma_wait3A_163 = tpu.memref_squeeze %dma_wait3A_162 : memref<1x!tpu.dma_semaphore, #tpu.memory_space<semaphore_mem>> -> memref<!tpu.dma_semaphore, #tpu.memory_space<semaphore_mem>>
    tpu.wait_indirect_dma semaphore(%dma_wait3A_163 : memref<!tpu.dma_semaphore, #tpu.memory_space<semaphore_mem>>) src(%dma_wait3A_161 : memref<1000000x32xf32, #tpu.memory_space<hbm>>) dst(%dma_wait3A_156 : memref<1280x32xf32, #tpu.memory_space<vmem>>)
    %add3A_164 = arith.constant 2560 : i32
    %add3A_165 = arith.addi %mul3A_2, %add3A_164 : i32
    %dma_start3A_166 = arith.constant 0 : i32
    %dma_start3A_167 = arith.constant 0 : i32
    %dma_start3A_168 = arith.constant 0 : i32
    %dma_start3A_169 = arith.constant 0 : i32
    %dma_start3A_170 = tpu.memref_slice %arg6[%dma_start3A_166, %dma_start3A_168, %dma_start3A_169] : memref<2x1280x32xf32, #tpu.memory_space<vmem>> -> memref<1x1280x32xf32, #tpu.memory_space<vmem>>
    %dma_start3A_171 = tpu.memref_squeeze %dma_start3A_170 : memref<1x1280x32xf32, #tpu.memory_space<vmem>> -> memref<1280x32xf32, #tpu.memory_space<vmem>>
    %dma_start3A_172 = arith.constant 0 : i32
    %dma_start3A_173 = tpu.memref_slice %arg4[%add3A_165, %dma_start3A_172] : memref<819200x32xf32, #tpu.memory_space<hbm>> -> memref<1280x32xf32, #tpu.memory_space<hbm>>
    %dma_start3A_174 = tpu.memref_slice %arg9[%dma_start3A_167] : memref<2x!tpu.dma_semaphore, #tpu.memory_space<semaphore_mem>> -> memref<1x!tpu.dma_semaphore, #tpu.memory_space<semaphore_mem>>
    %dma_start3A_175 = tpu.memref_squeeze %dma_start3A_174 : memref<1x!tpu.dma_semaphore, #tpu.memory_space<semaphore_mem>> -> memref<!tpu.dma_semaphore, #tpu.memory_space<semaphore_mem>>
    %dma_start3A_176 = arith.constant 0 : i32
    %dma_start3A_177 = tpu.memref_slice %arg4[%add3A_165, %dma_start3A_176] : memref<819200x32xf32, #tpu.memory_space<hbm>> -> memref<1280x32xf32, #tpu.memory_space<hbm>>
    %dma_start3A_178 = arith.constant 0 : i32
    %dma_start3A_179 = arith.constant 0 : i32
    %dma_start3A_180 = tpu.memref_slice %arg6[%dma_start3A_166, %dma_start3A_178, %dma_start3A_179] : memref<2x1280x32xf32, #tpu.memory_space<vmem>> -> memref<1x1280x32xf32, #tpu.memory_space<vmem>>
    %dma_start3A_181 = tpu.memref_squeeze %dma_start3A_180 : memref<1x1280x32xf32, #tpu.memory_space<vmem>> -> memref<1280x32xf32, #tpu.memory_space<vmem>>
    tpu.enqueue_dma source(%dma_start3A_181 : memref<1280x32xf32, #tpu.memory_space<vmem>>) target(%dma_start3A_177 : memref<1280x32xf32, #tpu.memory_space<hbm>>) target_semaphore(%dma_start3A_175 : memref<!tpu.dma_semaphore, #tpu.memory_space<semaphore_mem>>)
    %dma_wait3A_182 = arith.constant 0 : i32
    %dma_wait3A_183 = arith.constant 0 : i32
    %dma_wait3A_184 = arith.constant 0 : i32
    %dma_wait3A_185 = arith.constant 0 : i32
    %dma_wait3A_186 = tpu.memref_slice %arg6[%dma_wait3A_182, %dma_wait3A_184, %dma_wait3A_185] : memref<2x1280x32xf32, #tpu.memory_space<vmem>> -> memref<1x1280x32xf32, #tpu.memory_space<vmem>>
    %dma_wait3A_187 = tpu.memref_squeeze %dma_wait3A_186 : memref<1x1280x32xf32, #tpu.memory_space<vmem>> -> memref<1280x32xf32, #tpu.memory_space<vmem>>
    %dma_wait3A_188 = arith.constant 0 : i32
    %dma_wait3A_189 = tpu.memref_slice %arg4[%add3A_165, %dma_wait3A_188] : memref<819200x32xf32, #tpu.memory_space<hbm>> -> memref<1280x32xf32, #tpu.memory_space<hbm>>
    %dma_wait3A_190 = tpu.memref_slice %arg9[%dma_wait3A_183] : memref<2x!tpu.dma_semaphore, #tpu.memory_space<semaphore_mem>> -> memref<1x!tpu.dma_semaphore, #tpu.memory_space<semaphore_mem>>
    %dma_wait3A_191 = tpu.memref_squeeze %dma_wait3A_190 : memref<1x!tpu.dma_semaphore, #tpu.memory_space<semaphore_mem>> -> memref<!tpu.dma_semaphore, #tpu.memory_space<semaphore_mem>>
    %dma_wait3A_192 = arith.constant 0 : i32
    %dma_wait3A_193 = tpu.memref_slice %arg4[%add3A_165, %dma_wait3A_192] : memref<819200x32xf32, #tpu.memory_space<hbm>> -> memref<1280x32xf32, #tpu.memory_space<hbm>>
    %dma_wait3A_194 = arith.constant 0 : i32
    %dma_wait3A_195 = arith.constant 0 : i32
    %dma_wait3A_196 = tpu.memref_slice %arg6[%dma_wait3A_182, %dma_wait3A_194, %dma_wait3A_195] : memref<2x1280x32xf32, #tpu.memory_space<vmem>> -> memref<1x1280x32xf32, #tpu.memory_space<vmem>>
    %dma_wait3A_197 = tpu.memref_squeeze %dma_wait3A_196 : memref<1x1280x32xf32, #tpu.memory_space<vmem>> -> memref<1280x32xf32, #tpu.memory_space<vmem>>
    tpu.wait_dma2 semaphore(%dma_wait3A_191 : memref<!tpu.dma_semaphore, #tpu.memory_space<semaphore_mem>>) src(%dma_wait3A_197 : memref<1280x32xf32, #tpu.memory_space<vmem>>) dst(%dma_wait3A_193 : memref<1280x32xf32, #tpu.memory_space<hbm>>)
    %dma_start3A_198 = arith.constant 0 : i32
    %dma_start3A_199 = arith.constant 0 : i32
    %dma_start3A_200 = arith.constant 0 : i32
    %dma_start3A_201 = arith.constant 0 : i32
    %dma_start3A_202 = tpu.memref_slice %arg6[%dma_start3A_198, %dma_start3A_200, %dma_start3A_201] : memref<2x1280x32xf32, #tpu.memory_space<vmem>> -> memref<1x1280x32xf32, #tpu.memory_space<vmem>>
    %dma_start3A_203 = tpu.memref_squeeze %dma_start3A_202 : memref<1x1280x32xf32, #tpu.memory_space<vmem>> -> memref<1280x32xf32, #tpu.memory_space<vmem>>
    %dma_start3A_204 = arith.constant 5120 : i32
    %dma_start3A_205 = tpu.memref_slice %arg5[%dma_start3A_204] : memref<25600xi32, #tpu.memory_space<vmem>> -> memref<1280xi32, #tpu.memory_space<vmem>>
    %dma_start3A_206 = arith.constant 0 : i32
    %dma_start3A_207 = arith.constant 0 : i32
    %dma_start3A_208 = tpu.memref_slice %arg2[%dma_start3A_206, %dma_start3A_207] : memref<1000000x32xf32, #tpu.memory_space<hbm>> -> memref<1000000x32xf32, #tpu.memory_space<hbm>>
    %dma_start3A_209 = tpu.memref_slice %arg8[%dma_start3A_199] : memref<2x!tpu.dma_semaphore, #tpu.memory_space<semaphore_mem>> -> memref<1x!tpu.dma_semaphore, #tpu.memory_space<semaphore_mem>>
    %dma_start3A_210 = tpu.memref_squeeze %dma_start3A_209 : memref<1x!tpu.dma_semaphore, #tpu.memory_space<semaphore_mem>> -> memref<!tpu.dma_semaphore, #tpu.memory_space<semaphore_mem>>
    tpu.enqueue_indirect_dma source(%dma_start3A_208 : memref<1000000x32xf32, #tpu.memory_space<hbm>>) target(%dma_start3A_203 : memref<1280x32xf32, #tpu.memory_space<vmem>>) offsets(%dma_start3A_205 : memref<1280xi32, #tpu.memory_space<vmem>>) semaphore(%dma_start3A_210 : memref<!tpu.dma_semaphore, #tpu.memory_space<semaphore_mem>>)
    %dma_wait3A_211 = arith.constant 1 : i32
    %dma_wait3A_212 = arith.constant 1 : i32
    %dma_wait3A_213 = arith.constant 0 : i32
    %dma_wait3A_214 = arith.constant 0 : i32
    %dma_wait3A_215 = tpu.memref_slice %arg6[%dma_wait3A_211, %dma_wait3A_213, %dma_wait3A_214] : memref<2x1280x32xf32, #tpu.memory_space<vmem>> -> memref<1x1280x32xf32, #tpu.memory_space<vmem>>
    %dma_wait3A_216 = tpu.memref_squeeze %dma_wait3A_215 : memref<1x1280x32xf32, #tpu.memory_space<vmem>> -> memref<1280x32xf32, #tpu.memory_space<vmem>>
    %dma_wait3A_217 = arith.constant 3840 : i32
    %dma_wait3A_218 = tpu.memref_slice %arg5[%dma_wait3A_217] : memref<25600xi32, #tpu.memory_space<vmem>> -> memref<1280xi32, #tpu.memory_space<vmem>>
    %dma_wait3A_219 = arith.constant 0 : i32
    %dma_wait3A_220 = arith.constant 0 : i32
    %dma_wait3A_221 = tpu.memref_slice %arg2[%dma_wait3A_219, %dma_wait3A_220] : memref<1000000x32xf32, #tpu.memory_space<hbm>> -> memref<1000000x32xf32, #tpu.memory_space<hbm>>
    %dma_wait3A_222 = tpu.memref_slice %arg8[%dma_wait3A_212] : memref<2x!tpu.dma_semaphore, #tpu.memory_space<semaphore_mem>> -> memref<1x!tpu.dma_semaphore, #tpu.memory_space<semaphore_mem>>
    %dma_wait3A_223 = tpu.memref_squeeze %dma_wait3A_222 : memref<1x!tpu.dma_semaphore, #tpu.memory_space<semaphore_mem>> -> memref<!tpu.dma_semaphore, #tpu.memory_space<semaphore_mem>>
    tpu.wait_indirect_dma semaphore(%dma_wait3A_223 : memref<!tpu.dma_semaphore, #tpu.memory_space<semaphore_mem>>) src(%dma_wait3A_221 : memref<1000000x32xf32, #tpu.memory_space<hbm>>) dst(%dma_wait3A_216 : memref<1280x32xf32, #tpu.memory_space<vmem>>)
    %add3A_224 = arith.constant 3840 : i32
    %add3A_225 = arith.addi %mul3A_2, %add3A_224 : i32
    %dma_start3A_226 = arith.constant 1 : i32
    %dma_start3A_227 = arith.constant 1 : i32
    %dma_start3A_228 = arith.constant 0 : i32
    %dma_start3A_229 = arith.constant 0 : i32
    %dma_start3A_230 = tpu.memref_slice %arg6[%dma_start3A_226, %dma_start3A_228, %dma_start3A_229] : memref<2x1280x32xf32, #tpu.memory_space<vmem>> -> memref<1x1280x32xf32, #tpu.memory_space<vmem>>
    %dma_start3A_231 = tpu.memref_squeeze %dma_start3A_230 : memref<1x1280x32xf32, #tpu.memory_space<vmem>> -> memref<1280x32xf32, #tpu.memory_space<vmem>>
    %dma_start3A_232 = arith.constant 0 : i32
    %dma_start3A_233 = tpu.memref_slice %arg4[%add3A_225, %dma_start3A_232] : memref<819200x32xf32, #tpu.memory_space<hbm>> -> memref<1280x32xf32, #tpu.memory_space<hbm>>
    %dma_start3A_234 = tpu.memref_slice %arg9[%dma_start3A_227] : memref<2x!tpu.dma_semaphore, #tpu.memory_space<semaphore_mem>> -> memref<1x!tpu.dma_semaphore, #tpu.memory_space<semaphore_mem>>
    %dma_start3A_235 = tpu.memref_squeeze %dma_start3A_234 : memref<1x!tpu.dma_semaphore, #tpu.memory_space<semaphore_mem>> -> memref<!tpu.dma_semaphore, #tpu.memory_space<semaphore_mem>>
    %dma_start3A_236 = arith.constant 0 : i32
    %dma_start3A_237 = tpu.memref_slice %arg4[%add3A_225, %dma_start3A_236] : memref<819200x32xf32, #tpu.memory_space<hbm>> -> memref<1280x32xf32, #tpu.memory_space<hbm>>
    %dma_start3A_238 = arith.constant 0 : i32
    %dma_start3A_239 = arith.constant 0 : i32
    %dma_start3A_240 = tpu.memref_slice %arg6[%dma_start3A_226, %dma_start3A_238, %dma_start3A_239] : memref<2x1280x32xf32, #tpu.memory_space<vmem>> -> memref<1x1280x32xf32, #tpu.memory_space<vmem>>
    %dma_start3A_241 = tpu.memref_squeeze %dma_start3A_240 : memref<1x1280x32xf32, #tpu.memory_space<vmem>> -> memref<1280x32xf32, #tpu.memory_space<vmem>>
    tpu.enqueue_dma source(%dma_start3A_241 : memref<1280x32xf32, #tpu.memory_space<vmem>>) target(%dma_start3A_237 : memref<1280x32xf32, #tpu.memory_space<hbm>>) target_semaphore(%dma_start3A_235 : memref<!tpu.dma_semaphore, #tpu.memory_space<semaphore_mem>>)
    %dma_wait3A_242 = arith.constant 1 : i32
    %dma_wait3A_243 = arith.constant 1 : i32
    %dma_wait3A_244 = arith.constant 0 : i32
    %dma_wait3A_245 = arith.constant 0 : i32
    %dma_wait3A_246 = tpu.memref_slice %arg6[%dma_wait3A_242, %dma_wait3A_244, %dma_wait3A_245] : memref<2x1280x32xf32, #tpu.memory_space<vmem>> -> memref<1x1280x32xf32, #tpu.memory_space<vmem>>
    %dma_wait3A_247 = tpu.memref_squeeze %dma_wait3A_246 : memref<1x1280x32xf32, #tpu.memory_space<vmem>> -> memref<1280x32xf32, #tpu.memory_space<vmem>>
    %dma_wait3A_248 = arith.constant 0 : i32
    %dma_wait3A_249 = tpu.memref_slice %arg4[%add3A_225, %dma_wait3A_248] : memref<819200x32xf32, #tpu.memory_space<hbm>> -> memref<1280x32xf32, #tpu.memory_space<hbm>>
    %dma_wait3A_250 = tpu.memref_slice %arg9[%dma_wait3A_243] : memref<2x!tpu.dma_semaphore, #tpu.memory_space<semaphore_mem>> -> memref<1x!tpu.dma_semaphore, #tpu.memory_space<semaphore_mem>>
    %dma_wait3A_251 = tpu.memref_squeeze %dma_wait3A_250 : memref<1x!tpu.dma_semaphore, #tpu.memory_space<semaphore_mem>> -> memref<!tpu.dma_semaphore, #tpu.memory_space<semaphore_mem>>
    %dma_wait3A_252 = arith.constant 0 : i32
    %dma_wait3A_253 = tpu.memref_slice %arg4[%add3A_225, %dma_wait3A_252] : memref<819200x32xf32, #tpu.memory_space<hbm>> -> memref<1280x32xf32, #tpu.memory_space<hbm>>
    %dma_wait3A_254 = arith.constant 0 : i32
    %dma_wait3A_255 = arith.constant 0 : i32
    %dma_wait3A_256 = tpu.memref_slice %arg6[%dma_wait3A_242, %dma_wait3A_254, %dma_wait3A_255] : memref<2x1280x32xf32, #tpu.memory_space<vmem>> -> memref<1x1280x32xf32, #tpu.memory_space<vmem>>
    %dma_wait3A_257 = tpu.memref_squeeze %dma_wait3A_256 : memref<1x1280x32xf32, #tpu.memory_space<vmem>> -> memref<1280x32xf32, #tpu.memory_space<vmem>>
    tpu.wait_dma2 semaphore(%dma_wait3A_251 : memref<!tpu.dma_semaphore, #tpu.memory_space<semaphore_mem>>) src(%dma_wait3A_257 : memref<1280x32xf32, #tpu.memory_space<vmem>>) dst(%dma_wait3A_253 : memref<1280x32xf32, #tpu.memory_space<hbm>>)
    %dma_start3A_258 = arith.constant 1 : i32
    %dma_start3A_259 = arith.constant 1 : i32
    %dma_start3A_260 = arith.constant 0 : i32
    %dma_start3A_261 = arith.constant 0 : i32
    %dma_start3A_262 = tpu.memref_slice %arg6[%dma_start3A_258, %dma_start3A_260, %dma_start3A_261] : memref<2x1280x32xf32, #tpu.memory_space<vmem>> -> memref<1x1280x32xf32, #tpu.memory_space<vmem>>
    %dma_start3A_263 = tpu.memref_squeeze %dma_start3A_262 : memref<1x1280x32xf32, #tpu.memory_space<vmem>> -> memref<1280x32xf32, #tpu.memory_space<vmem>>
    %dma_start3A_264 = arith.constant 6400 : i32
    %dma_start3A_265 = tpu.memref_slice %arg5[%dma_start3A_264] : memref<25600xi32, #tpu.memory_space<vmem>> -> memref<1280xi32, #tpu.memory_space<vmem>>
    %dma_start3A_266 = arith.constant 0 : i32
    %dma_start3A_267 = arith.constant 0 : i32
    %dma_start3A_268 = tpu.memref_slice %arg2[%dma_start3A_266, %dma_start3A_267] : memref<1000000x32xf32, #tpu.memory_space<hbm>> -> memref<1000000x32xf32, #tpu.memory_space<hbm>>
    %dma_start3A_269 = tpu.memref_slice %arg8[%dma_start3A_259] : memref<2x!tpu.dma_semaphore, #tpu.memory_space<semaphore_mem>> -> memref<1x!tpu.dma_semaphore, #tpu.memory_space<semaphore_mem>>
    %dma_start3A_270 = tpu.memref_squeeze %dma_start3A_269 : memref<1x!tpu.dma_semaphore, #tpu.memory_space<semaphore_mem>> -> memref<!tpu.dma_semaphore, #tpu.memory_space<semaphore_mem>>
    tpu.enqueue_indirect_dma source(%dma_start3A_268 : memref<1000000x32xf32, #tpu.memory_space<hbm>>) target(%dma_start3A_263 : memref<1280x32xf32, #tpu.memory_space<vmem>>) offsets(%dma_start3A_265 : memref<1280xi32, #tpu.memory_space<vmem>>) semaphore(%dma_start3A_270 : memref<!tpu.dma_semaphore, #tpu.memory_space<semaphore_mem>>)
    %dma_wait3A_271 = arith.constant 0 : i32
    %dma_wait3A_272 = arith.constant 0 : i32
    %dma_wait3A_273 = arith.constant 0 : i32
    %dma_wait3A_274 = arith.constant 0 : i32
    %dma_wait3A_275 = tpu.memref_slice %arg6[%dma_wait3A_271, %dma_wait3A_273, %dma_wait3A_274] : memref<2x1280x32xf32, #tpu.memory_space<vmem>> -> memref<1x1280x32xf32, #tpu.memory_space<vmem>>
    %dma_wait3A_276 = tpu.memref_squeeze %dma_wait3A_275 : memref<1x1280x32xf32, #tpu.memory_space<vmem>> -> memref<1280x32xf32, #tpu.memory_space<vmem>>
    %dma_wait3A_277 = arith.constant 5120 : i32
    %dma_wait3A_278 = tpu.memref_slice %arg5[%dma_wait3A_277] : memref<25600xi32, #tpu.memory_space<vmem>> -> memref<1280xi32, #tpu.memory_space<vmem>>
    %dma_wait3A_279 = arith.constant 0 : i32
    %dma_wait3A_280 = arith.constant 0 : i32
    %dma_wait3A_281 = tpu.memref_slice %arg2[%dma_wait3A_279, %dma_wait3A_280] : memref<1000000x32xf32, #tpu.memory_space<hbm>> -> memref<1000000x32xf32, #tpu.memory_space<hbm>>
    %dma_wait3A_282 = tpu.memref_slice %arg8[%dma_wait3A_272] : memref<2x!tpu.dma_semaphore, #tpu.memory_space<semaphore_mem>> -> memref<1x!tpu.dma_semaphore, #tpu.memory_space<semaphore_mem>>
    %dma_wait3A_283 = tpu.memref_squeeze %dma_wait3A_282 : memref<1x!tpu.dma_semaphore, #tpu.memory_space<semaphore_mem>> -> memref<!tpu.dma_semaphore, #tpu.memory_space<semaphore_mem>>
    tpu.wait_indirect_dma semaphore(%dma_wait3A_283 : memref<!tpu.dma_semaphore, #tpu.memory_space<semaphore_mem>>) src(%dma_wait3A_281 : memref<1000000x32xf32, #tpu.memory_space<hbm>>) dst(%dma_wait3A_276 : memref<1280x32xf32, #tpu.memory_space<vmem>>)
    %add3A_284 = arith.constant 5120 : i32
    %add3A_285 = arith.addi %mul3A_2, %add3A_284 : i32
    %dma_start3A_286 = arith.constant 0 : i32
    %dma_start3A_287 = arith.constant 0 : i32
    %dma_start3A_288 = arith.constant 0 : i32
    %dma_start3A_289 = arith.constant 0 : i32
    %dma_start3A_290 = tpu.memref_slice %arg6[%dma_start3A_286, %dma_start3A_288, %dma_start3A_289] : memref<2x1280x32xf32, #tpu.memory_space<vmem>> -> memref<1x1280x32xf32, #tpu.memory_space<vmem>>
    %dma_start3A_291 = tpu.memref_squeeze %dma_start3A_290 : memref<1x1280x32xf32, #tpu.memory_space<vmem>> -> memref<1280x32xf32, #tpu.memory_space<vmem>>
    %dma_start3A_292 = arith.constant 0 : i32
    %dma_start3A_293 = tpu.memref_slice %arg4[%add3A_285, %dma_start3A_292] : memref<819200x32xf32, #tpu.memory_space<hbm>> -> memref<1280x32xf32, #tpu.memory_space<hbm>>
    %dma_start3A_294 = tpu.memref_slice %arg9[%dma_start3A_287] : memref<2x!tpu.dma_semaphore, #tpu.memory_space<semaphore_mem>> -> memref<1x!tpu.dma_semaphore, #tpu.memory_space<semaphore_mem>>
    %dma_start3A_295 = tpu.memref_squeeze %dma_start3A_294 : memref<1x!tpu.dma_semaphore, #tpu.memory_space<semaphore_mem>> -> memref<!tpu.dma_semaphore, #tpu.memory_space<semaphore_mem>>
    %dma_start3A_296 = arith.constant 0 : i32
    %dma_start3A_297 = tpu.memref_slice %arg4[%add3A_285, %dma_start3A_296] : memref<819200x32xf32, #tpu.memory_space<hbm>> -> memref<1280x32xf32, #tpu.memory_space<hbm>>
    %dma_start3A_298 = arith.constant 0 : i32
    %dma_start3A_299 = arith.constant 0 : i32
    %dma_start3A_300 = tpu.memref_slice %arg6[%dma_start3A_286, %dma_start3A_298, %dma_start3A_299] : memref<2x1280x32xf32, #tpu.memory_space<vmem>> -> memref<1x1280x32xf32, #tpu.memory_space<vmem>>
    %dma_start3A_301 = tpu.memref_squeeze %dma_start3A_300 : memref<1x1280x32xf32, #tpu.memory_space<vmem>> -> memref<1280x32xf32, #tpu.memory_space<vmem>>
    tpu.enqueue_dma source(%dma_start3A_301 : memref<1280x32xf32, #tpu.memory_space<vmem>>) target(%dma_start3A_297 : memref<1280x32xf32, #tpu.memory_space<hbm>>) target_semaphore(%dma_start3A_295 : memref<!tpu.dma_semaphore, #tpu.memory_space<semaphore_mem>>)
    %dma_wait3A_302 = arith.constant 0 : i32
    %dma_wait3A_303 = arith.constant 0 : i32
    %dma_wait3A_304 = arith.constant 0 : i32
    %dma_wait3A_305 = arith.constant 0 : i32
    %dma_wait3A_306 = tpu.memref_slice %arg6[%dma_wait3A_302, %dma_wait3A_304, %dma_wait3A_305] : memref<2x1280x32xf32, #tpu.memory_space<vmem>> -> memref<1x1280x32xf32, #tpu.memory_space<vmem>>
    %dma_wait3A_307 = tpu.memref_squeeze %dma_wait3A_306 : memref<1x1280x32xf32, #tpu.memory_space<vmem>> -> memref<1280x32xf32, #tpu.memory_space<vmem>>
    %dma_wait3A_308 = arith.constant 0 : i32
    %dma_wait3A_309 = tpu.memref_slice %arg4[%add3A_285, %dma_wait3A_308] : memref<819200x32xf32, #tpu.memory_space<hbm>> -> memref<1280x32xf32, #tpu.memory_space<hbm>>
    %dma_wait3A_310 = tpu.memref_slice %arg9[%dma_wait3A_303] : memref<2x!tpu.dma_semaphore, #tpu.memory_space<semaphore_mem>> -> memref<1x!tpu.dma_semaphore, #tpu.memory_space<semaphore_mem>>
    %dma_wait3A_311 = tpu.memref_squeeze %dma_wait3A_310 : memref<1x!tpu.dma_semaphore, #tpu.memory_space<semaphore_mem>> -> memref<!tpu.dma_semaphore, #tpu.memory_space<semaphore_mem>>
    %dma_wait3A_312 = arith.constant 0 : i32
    %dma_wait3A_313 = tpu.memref_slice %arg4[%add3A_285, %dma_wait3A_312] : memref<819200x32xf32, #tpu.memory_space<hbm>> -> memref<1280x32xf32, #tpu.memory_space<hbm>>
    %dma_wait3A_314 = arith.constant 0 : i32
    %dma_wait3A_315 = arith.constant 0 : i32
    %dma_wait3A_316 = tpu.memref_slice %arg6[%dma_wait3A_302, %dma_wait3A_314, %dma_wait3A_315] : memref<2x1280x32xf32, #tpu.memory_space<vmem>> -> memref<1x1280x32xf32, #tpu.memory_space<vmem>>
    %dma_wait3A_317 = tpu.memref_squeeze %dma_wait3A_316 : memref<1x1280x32xf32, #tpu.memory_space<vmem>> -> memref<1280x32xf32, #tpu.memory_space<vmem>>
    tpu.wait_dma2 semaphore(%dma_wait3A_311 : memref<!tpu.dma_semaphore, #tpu.memory_space<semaphore_mem>>) src(%dma_wait3A_317 : memref<1280x32xf32, #tpu.memory_space<vmem>>) dst(%dma_wait3A_313 : memref<1280x32xf32, #tpu.memory_space<hbm>>)
    %dma_start3A_318 = arith.constant 0 : i32
    %dma_start3A_319 = arith.constant 0 : i32
    %dma_start3A_320 = arith.constant 0 : i32
    %dma_start3A_321 = arith.constant 0 : i32
    %dma_start3A_322 = tpu.memref_slice %arg6[%dma_start3A_318, %dma_start3A_320, %dma_start3A_321] : memref<2x1280x32xf32, #tpu.memory_space<vmem>> -> memref<1x1280x32xf32, #tpu.memory_space<vmem>>
    %dma_start3A_323 = tpu.memref_squeeze %dma_start3A_322 : memref<1x1280x32xf32, #tpu.memory_space<vmem>> -> memref<1280x32xf32, #tpu.memory_space<vmem>>
    %dma_start3A_324 = arith.constant 7680 : i32
    %dma_start3A_325 = tpu.memref_slice %arg5[%dma_start3A_324] : memref<25600xi32, #tpu.memory_space<vmem>> -> memref<1280xi32, #tpu.memory_space<vmem>>
    %dma_start3A_326 = arith.constant 0 : i32
    %dma_start3A_327 = arith.constant 0 : i32
    %dma_start3A_328 = tpu.memref_slice %arg2[%dma_start3A_326, %dma_start3A_327] : memref<1000000x32xf32, #tpu.memory_space<hbm>> -> memref<1000000x32xf32, #tpu.memory_space<hbm>>
    %dma_start3A_329 = tpu.memref_slice %arg8[%dma_start3A_319] : memref<2x!tpu.dma_semaphore, #tpu.memory_space<semaphore_mem>> -> memref<1x!tpu.dma_semaphore, #tpu.memory_space<semaphore_mem>>
    %dma_start3A_330 = tpu.memref_squeeze %dma_start3A_329 : memref<1x!tpu.dma_semaphore, #tpu.memory_space<semaphore_mem>> -> memref<!tpu.dma_semaphore, #tpu.memory_space<semaphore_mem>>
    tpu.enqueue_indirect_dma source(%dma_start3A_328 : memref<1000000x32xf32, #tpu.memory_space<hbm>>) target(%dma_start3A_323 : memref<1280x32xf32, #tpu.memory_space<vmem>>) offsets(%dma_start3A_325 : memref<1280xi32, #tpu.memory_space<vmem>>) semaphore(%dma_start3A_330 : memref<!tpu.dma_semaphore, #tpu.memory_space<semaphore_mem>>)
    %dma_wait3A_331 = arith.constant 1 : i32
    %dma_wait3A_332 = arith.constant 1 : i32
    %dma_wait3A_333 = arith.constant 0 : i32
    %dma_wait3A_334 = arith.constant 0 : i32
    %dma_wait3A_335 = tpu.memref_slice %arg6[%dma_wait3A_331, %dma_wait3A_333, %dma_wait3A_334] : memref<2x1280x32xf32, #tpu.memory_space<vmem>> -> memref<1x1280x32xf32, #tpu.memory_space<vmem>>
    %dma_wait3A_336 = tpu.memref_squeeze %dma_wait3A_335 : memref<1x1280x32xf32, #tpu.memory_space<vmem>> -> memref<1280x32xf32, #tpu.memory_space<vmem>>
    %dma_wait3A_337 = arith.constant 6400 : i32
    %dma_wait3A_338 = tpu.memref_slice %arg5[%dma_wait3A_337] : memref<25600xi32, #tpu.memory_space<vmem>> -> memref<1280xi32, #tpu.memory_space<vmem>>
    %dma_wait3A_339 = arith.constant 0 : i32
    %dma_wait3A_340 = arith.constant 0 : i32
    %dma_wait3A_341 = tpu.memref_slice %arg2[%dma_wait3A_339, %dma_wait3A_340] : memref<1000000x32xf32, #tpu.memory_space<hbm>> -> memref<1000000x32xf32, #tpu.memory_space<hbm>>
    %dma_wait3A_342 = tpu.memref_slice %arg8[%dma_wait3A_332] : memref<2x!tpu.dma_semaphore, #tpu.memory_space<semaphore_mem>> -> memref<1x!tpu.dma_semaphore, #tpu.memory_space<semaphore_mem>>
    %dma_wait3A_343 = tpu.memref_squeeze %dma_wait3A_342 : memref<1x!tpu.dma_semaphore, #tpu.memory_space<semaphore_mem>> -> memref<!tpu.dma_semaphore, #tpu.memory_space<semaphore_mem>>
    tpu.wait_indirect_dma semaphore(%dma_wait3A_343 : memref<!tpu.dma_semaphore, #tpu.memory_space<semaphore_mem>>) src(%dma_wait3A_341 : memref<1000000x32xf32, #tpu.memory_space<hbm>>) dst(%dma_wait3A_336 : memref<1280x32xf32, #tpu.memory_space<vmem>>)
    %add3A_344 = arith.constant 6400 : i32
    %add3A_345 = arith.addi %mul3A_2, %add3A_344 : i32
    %dma_start3A_346 = arith.constant 1 : i32
    %dma_start3A_347 = arith.constant 1 : i32
    %dma_start3A_348 = arith.constant 0 : i32
    %dma_start3A_349 = arith.constant 0 : i32
    %dma_start3A_350 = tpu.memref_slice %arg6[%dma_start3A_346, %dma_start3A_348, %dma_start3A_349] : memref<2x1280x32xf32, #tpu.memory_space<vmem>> -> memref<1x1280x32xf32, #tpu.memory_space<vmem>>
    %dma_start3A_351 = tpu.memref_squeeze %dma_start3A_350 : memref<1x1280x32xf32, #tpu.memory_space<vmem>> -> memref<1280x32xf32, #tpu.memory_space<vmem>>
    %dma_start3A_352 = arith.constant 0 : i32
    %dma_start3A_353 = tpu.memref_slice %arg4[%add3A_345, %dma_start3A_352] : memref<819200x32xf32, #tpu.memory_space<hbm>> -> memref<1280x32xf32, #tpu.memory_space<hbm>>
    %dma_start3A_354 = tpu.memref_slice %arg9[%dma_start3A_347] : memref<2x!tpu.dma_semaphore, #tpu.memory_space<semaphore_mem>> -> memref<1x!tpu.dma_semaphore, #tpu.memory_space<semaphore_mem>>
    %dma_start3A_355 = tpu.memref_squeeze %dma_start3A_354 : memref<1x!tpu.dma_semaphore, #tpu.memory_space<semaphore_mem>> -> memref<!tpu.dma_semaphore, #tpu.memory_space<semaphore_mem>>
    %dma_start3A_356 = arith.constant 0 : i32
    %dma_start3A_357 = tpu.memref_slice %arg4[%add3A_345, %dma_start3A_356] : memref<819200x32xf32, #tpu.memory_space<hbm>> -> memref<1280x32xf32, #tpu.memory_space<hbm>>
    %dma_start3A_358 = arith.constant 0 : i32
    %dma_start3A_359 = arith.constant 0 : i32
    %dma_start3A_360 = tpu.memref_slice %arg6[%dma_start3A_346, %dma_start3A_358, %dma_start3A_359] : memref<2x1280x32xf32, #tpu.memory_space<vmem>> -> memref<1x1280x32xf32, #tpu.memory_space<vmem>>
    %dma_start3A_361 = tpu.memref_squeeze %dma_start3A_360 : memref<1x1280x32xf32, #tpu.memory_space<vmem>> -> memref<1280x32xf32, #tpu.memory_space<vmem>>
    tpu.enqueue_dma source(%dma_start3A_361 : memref<1280x32xf32, #tpu.memory_space<vmem>>) target(%dma_start3A_357 : memref<1280x32xf32, #tpu.memory_space<hbm>>) target_semaphore(%dma_start3A_355 : memref<!tpu.dma_semaphore, #tpu.memory_space<semaphore_mem>>)
    %dma_wait3A_362 = arith.constant 1 : i32
    %dma_wait3A_363 = arith.constant 1 : i32
    %dma_wait3A_364 = arith.constant 0 : i32
    %dma_wait3A_365 = arith.constant 0 : i32
    %dma_wait3A_366 = tpu.memref_slice %arg6[%dma_wait3A_362, %dma_wait3A_364, %dma_wait3A_365] : memref<2x1280x32xf32, #tpu.memory_space<vmem>> -> memref<1x1280x32xf32, #tpu.memory_space<vmem>>
    %dma_wait3A_367 = tpu.memref_squeeze %dma_wait3A_366 : memref<1x1280x32xf32, #tpu.memory_space<vmem>> -> memref<1280x32xf32, #tpu.memory_space<vmem>>
    %dma_wait3A_368 = arith.constant 0 : i32
    %dma_wait3A_369 = tpu.memref_slice %arg4[%add3A_345, %dma_wait3A_368] : memref<819200x32xf32, #tpu.memory_space<hbm>> -> memref<1280x32xf32, #tpu.memory_space<hbm>>
    %dma_wait3A_370 = tpu.memref_slice %arg9[%dma_wait3A_363] : memref<2x!tpu.dma_semaphore, #tpu.memory_space<semaphore_mem>> -> memref<1x!tpu.dma_semaphore, #tpu.memory_space<semaphore_mem>>
    %dma_wait3A_371 = tpu.memref_squeeze %dma_wait3A_370 : memref<1x!tpu.dma_semaphore, #tpu.memory_space<semaphore_mem>> -> memref<!tpu.dma_semaphore, #tpu.memory_space<semaphore_mem>>
    %dma_wait3A_372 = arith.constant 0 : i32
    %dma_wait3A_373 = tpu.memref_slice %arg4[%add3A_345, %dma_wait3A_372] : memref<819200x32xf32, #tpu.memory_space<hbm>> -> memref<1280x32xf32, #tpu.memory_space<hbm>>
    %dma_wait3A_374 = arith.constant 0 : i32
    %dma_wait3A_375 = arith.constant 0 : i32
    %dma_wait3A_376 = tpu.memref_slice %arg6[%dma_wait3A_362, %dma_wait3A_374, %dma_wait3A_375] : memref<2x1280x32xf32, #tpu.memory_space<vmem>> -> memref<1x1280x32xf32, #tpu.memory_space<vmem>>
    %dma_wait3A_377 = tpu.memref_squeeze %dma_wait3A_376 : memref<1x1280x32xf32, #tpu.memory_space<vmem>> -> memref<1280x32xf32, #tpu.memory_space<vmem>>
    tpu.wait_dma2 semaphore(%dma_wait3A_371 : memref<!tpu.dma_semaphore, #tpu.memory_space<semaphore_mem>>) src(%dma_wait3A_377 : memref<1280x32xf32, #tpu.memory_space<vmem>>) dst(%dma_wait3A_373 : memref<1280x32xf32, #tpu.memory_space<hbm>>)
    %dma_start3A_378 = arith.constant 1 : i32
    %dma_start3A_379 = arith.constant 1 : i32
    %dma_start3A_380 = arith.constant 0 : i32
    %dma_start3A_381 = arith.constant 0 : i32
    %dma_start3A_382 = tpu.memref_slice %arg6[%dma_start3A_378, %dma_start3A_380, %dma_start3A_381] : memref<2x1280x32xf32, #tpu.memory_space<vmem>> -> memref<1x1280x32xf32, #tpu.memory_space<vmem>>
    %dma_start3A_383 = tpu.memref_squeeze %dma_start3A_382 : memref<1x1280x32xf32, #tpu.memory_space<vmem>> -> memref<1280x32xf32, #tpu.memory_space<vmem>>
    %dma_start3A_384 = arith.constant 8960 : i32
    %dma_start3A_385 = tpu.memref_slice %arg5[%dma_start3A_384] : memref<25600xi32, #tpu.memory_space<vmem>> -> memref<1280xi32, #tpu.memory_space<vmem>>
    %dma_start3A_386 = arith.constant 0 : i32
    %dma_start3A_387 = arith.constant 0 : i32
    %dma_start3A_388 = tpu.memref_slice %arg2[%dma_start3A_386, %dma_start3A_387] : memref<1000000x32xf32, #tpu.memory_space<hbm>> -> memref<1000000x32xf32, #tpu.memory_space<hbm>>
    %dma_start3A_389 = tpu.memref_slice %arg8[%dma_start3A_379] : memref<2x!tpu.dma_semaphore, #tpu.memory_space<semaphore_mem>> -> memref<1x!tpu.dma_semaphore, #tpu.memory_space<semaphore_mem>>
    %dma_start3A_390 = tpu.memref_squeeze %dma_start3A_389 : memref<1x!tpu.dma_semaphore, #tpu.memory_space<semaphore_mem>> -> memref<!tpu.dma_semaphore, #tpu.memory_space<semaphore_mem>>
    tpu.enqueue_indirect_dma source(%dma_start3A_388 : memref<1000000x32xf32, #tpu.memory_space<hbm>>) target(%dma_start3A_383 : memref<1280x32xf32, #tpu.memory_space<vmem>>) offsets(%dma_start3A_385 : memref<1280xi32, #tpu.memory_space<vmem>>) semaphore(%dma_start3A_390 : memref<!tpu.dma_semaphore, #tpu.memory_space<semaphore_mem>>)
    %dma_wait3A_391 = arith.constant 0 : i32
    %dma_wait3A_392 = arith.constant 0 : i32
    %dma_wait3A_393 = arith.constant 0 : i32
    %dma_wait3A_394 = arith.constant 0 : i32
    %dma_wait3A_395 = tpu.memref_slice %arg6[%dma_wait3A_391, %dma_wait3A_393, %dma_wait3A_394] : memref<2x1280x32xf32, #tpu.memory_space<vmem>> -> memref<1x1280x32xf32, #tpu.memory_space<vmem>>
    %dma_wait3A_396 = tpu.memref_squeeze %dma_wait3A_395 : memref<1x1280x32xf32, #tpu.memory_space<vmem>> -> memref<1280x32xf32, #tpu.memory_space<vmem>>
    %dma_wait3A_397 = arith.constant 7680 : i32
    %dma_wait3A_398 = tpu.memref_slice %arg5[%dma_wait3A_397] : memref<25600xi32, #tpu.memory_space<vmem>> -> memref<1280xi32, #tpu.memory_space<vmem>>
    %dma_wait3A_399 = arith.constant 0 : i32
    %dma_wait3A_400 = arith.constant 0 : i32
    %dma_wait3A_401 = tpu.memref_slice %arg2[%dma_wait3A_399, %dma_wait3A_400] : memref<1000000x32xf32, #tpu.memory_space<hbm>> -> memref<1000000x32xf32, #tpu.memory_space<hbm>>
    %dma_wait3A_402 = tpu.memref_slice %arg8[%dma_wait3A_392] : memref<2x!tpu.dma_semaphore, #tpu.memory_space<semaphore_mem>> -> memref<1x!tpu.dma_semaphore, #tpu.memory_space<semaphore_mem>>
    %dma_wait3A_403 = tpu.memref_squeeze %dma_wait3A_402 : memref<1x!tpu.dma_semaphore, #tpu.memory_space<semaphore_mem>> -> memref<!tpu.dma_semaphore, #tpu.memory_space<semaphore_mem>>
    tpu.wait_indirect_dma semaphore(%dma_wait3A_403 : memref<!tpu.dma_semaphore, #tpu.memory_space<semaphore_mem>>) src(%dma_wait3A_401 : memref<1000000x32xf32, #tpu.memory_space<hbm>>) dst(%dma_wait3A_396 : memref<1280x32xf32, #tpu.memory_space<vmem>>)
    %add3A_404 = arith.constant 7680 : i32
    %add3A_405 = arith.addi %mul3A_2, %add3A_404 : i32
    %dma_start3A_406 = arith.constant 0 : i32
    %dma_start3A_407 = arith.constant 0 : i32
    %dma_start3A_408 = arith.constant 0 : i32
    %dma_start3A_409 = arith.constant 0 : i32
    %dma_start3A_410 = tpu.memref_slice %arg6[%dma_start3A_406, %dma_start3A_408, %dma_start3A_409] : memref<2x1280x32xf32, #tpu.memory_space<vmem>> -> memref<1x1280x32xf32, #tpu.memory_space<vmem>>
    %dma_start3A_411 = tpu.memref_squeeze %dma_start3A_410 : memref<1x1280x32xf32, #tpu.memory_space<vmem>> -> memref<1280x32xf32, #tpu.memory_space<vmem>>
    %dma_start3A_412 = arith.constant 0 : i32
    %dma_start3A_413 = tpu.memref_slice %arg4[%add3A_405, %dma_start3A_412] : memref<819200x32xf32, #tpu.memory_space<hbm>> -> memref<1280x32xf32, #tpu.memory_space<hbm>>
    %dma_start3A_414 = tpu.memref_slice %arg9[%dma_start3A_407] : memref<2x!tpu.dma_semaphore, #tpu.memory_space<semaphore_mem>> -> memref<1x!tpu.dma_semaphore, #tpu.memory_space<semaphore_mem>>
    %dma_start3A_415 = tpu.memref_squeeze %dma_start3A_414 : memref<1x!tpu.dma_semaphore, #tpu.memory_space<semaphore_mem>> -> memref<!tpu.dma_semaphore, #tpu.memory_space<semaphore_mem>>
    %dma_start3A_416 = arith.constant 0 : i32
    %dma_start3A_417 = tpu.memref_slice %arg4[%add3A_405, %dma_start3A_416] : memref<819200x32xf32, #tpu.memory_space<hbm>> -> memref<1280x32xf32, #tpu.memory_space<hbm>>
    %dma_start3A_418 = arith.constant 0 : i32
    %dma_start3A_419 = arith.constant 0 : i32
    %dma_start3A_420 = tpu.memref_slice %arg6[%dma_start3A_406, %dma_start3A_418, %dma_start3A_419] : memref<2x1280x32xf32, #tpu.memory_space<vmem>> -> memref<1x1280x32xf32, #tpu.memory_space<vmem>>
    %dma_start3A_421 = tpu.memref_squeeze %dma_start3A_420 : memref<1x1280x32xf32, #tpu.memory_space<vmem>> -> memref<1280x32xf32, #tpu.memory_space<vmem>>
    tpu.enqueue_dma source(%dma_start3A_421 : memref<1280x32xf32, #tpu.memory_space<vmem>>) target(%dma_start3A_417 : memref<1280x32xf32, #tpu.memory_space<hbm>>) target_semaphore(%dma_start3A_415 : memref<!tpu.dma_semaphore, #tpu.memory_space<semaphore_mem>>)
    %dma_wait3A_422 = arith.constant 0 : i32
    %dma_wait3A_423 = arith.constant 0 : i32
    %dma_wait3A_424 = arith.constant 0 : i32
    %dma_wait3A_425 = arith.constant 0 : i32
    %dma_wait3A_426 = tpu.memref_slice %arg6[%dma_wait3A_422, %dma_wait3A_424, %dma_wait3A_425] : memref<2x1280x32xf32, #tpu.memory_space<vmem>> -> memref<1x1280x32xf32, #tpu.memory_space<vmem>>
    %dma_wait3A_427 = tpu.memref_squeeze %dma_wait3A_426 : memref<1x1280x32xf32, #tpu.memory_space<vmem>> -> memref<1280x32xf32, #tpu.memory_space<vmem>>
    %dma_wait3A_428 = arith.constant 0 : i32
    %dma_wait3A_429 = tpu.memref_slice %arg4[%add3A_405, %dma_wait3A_428] : memref<819200x32xf32, #tpu.memory_space<hbm>> -> memref<1280x32xf32, #tpu.memory_space<hbm>>
    %dma_wait3A_430 = tpu.memref_slice %arg9[%dma_wait3A_423] : memref<2x!tpu.dma_semaphore, #tpu.memory_space<semaphore_mem>> -> memref<1x!tpu.dma_semaphore, #tpu.memory_space<semaphore_mem>>
    %dma_wait3A_431 = tpu.memref_squeeze %dma_wait3A_430 : memref<1x!tpu.dma_semaphore, #tpu.memory_space<semaphore_mem>> -> memref<!tpu.dma_semaphore, #tpu.memory_space<semaphore_mem>>
    %dma_wait3A_432 = arith.constant 0 : i32
    %dma_wait3A_433 = tpu.memref_slice %arg4[%add3A_405, %dma_wait3A_432] : memref<819200x32xf32, #tpu.memory_space<hbm>> -> memref<1280x32xf32, #tpu.memory_space<hbm>>
    %dma_wait3A_434 = arith.constant 0 : i32
    %dma_wait3A_435 = arith.constant 0 : i32
    %dma_wait3A_436 = tpu.memref_slice %arg6[%dma_wait3A_422, %dma_wait3A_434, %dma_wait3A_435] : memref<2x1280x32xf32, #tpu.memory_space<vmem>> -> memref<1x1280x32xf32, #tpu.memory_space<vmem>>
    %dma_wait3A_437 = tpu.memref_squeeze %dma_wait3A_436 : memref<1x1280x32xf32, #tpu.memory_space<vmem>> -> memref<1280x32xf32, #tpu.memory_space<vmem>>
    tpu.wait_dma2 semaphore(%dma_wait3A_431 : memref<!tpu.dma_semaphore, #tpu.memory_space<semaphore_mem>>) src(%dma_wait3A_437 : memref<1280x32xf32, #tpu.memory_space<vmem>>) dst(%dma_wait3A_433 : memref<1280x32xf32, #tpu.memory_space<hbm>>)
    %dma_start3A_438 = arith.constant 0 : i32
    %dma_start3A_439 = arith.constant 0 : i32
    %dma_start3A_440 = arith.constant 0 : i32
    %dma_start3A_441 = arith.constant 0 : i32
    %dma_start3A_442 = tpu.memref_slice %arg6[%dma_start3A_438, %dma_start3A_440, %dma_start3A_441] : memref<2x1280x32xf32, #tpu.memory_space<vmem>> -> memref<1x1280x32xf32, #tpu.memory_space<vmem>>
    %dma_start3A_443 = tpu.memref_squeeze %dma_start3A_442 : memref<1x1280x32xf32, #tpu.memory_space<vmem>> -> memref<1280x32xf32, #tpu.memory_space<vmem>>
    %dma_start3A_444 = arith.constant 10240 : i32
    %dma_start3A_445 = tpu.memref_slice %arg5[%dma_start3A_444] : memref<25600xi32, #tpu.memory_space<vmem>> -> memref<1280xi32, #tpu.memory_space<vmem>>
    %dma_start3A_446 = arith.constant 0 : i32
    %dma_start3A_447 = arith.constant 0 : i32
    %dma_start3A_448 = tpu.memref_slice %arg2[%dma_start3A_446, %dma_start3A_447] : memref<1000000x32xf32, #tpu.memory_space<hbm>> -> memref<1000000x32xf32, #tpu.memory_space<hbm>>
    %dma_start3A_449 = tpu.memref_slice %arg8[%dma_start3A_439] : memref<2x!tpu.dma_semaphore, #tpu.memory_space<semaphore_mem>> -> memref<1x!tpu.dma_semaphore, #tpu.memory_space<semaphore_mem>>
    %dma_start3A_450 = tpu.memref_squeeze %dma_start3A_449 : memref<1x!tpu.dma_semaphore, #tpu.memory_space<semaphore_mem>> -> memref<!tpu.dma_semaphore, #tpu.memory_space<semaphore_mem>>
    tpu.enqueue_indirect_dma source(%dma_start3A_448 : memref<1000000x32xf32, #tpu.memory_space<hbm>>) target(%dma_start3A_443 : memref<1280x32xf32, #tpu.memory_space<vmem>>) offsets(%dma_start3A_445 : memref<1280xi32, #tpu.memory_space<vmem>>) semaphore(%dma_start3A_450 : memref<!tpu.dma_semaphore, #tpu.memory_space<semaphore_mem>>)
    %dma_wait3A_451 = arith.constant 1 : i32
    %dma_wait3A_452 = arith.constant 1 : i32
    %dma_wait3A_453 = arith.constant 0 : i32
    %dma_wait3A_454 = arith.constant 0 : i32
    %dma_wait3A_455 = tpu.memref_slice %arg6[%dma_wait3A_451, %dma_wait3A_453, %dma_wait3A_454] : memref<2x1280x32xf32, #tpu.memory_space<vmem>> -> memref<1x1280x32xf32, #tpu.memory_space<vmem>>
    %dma_wait3A_456 = tpu.memref_squeeze %dma_wait3A_455 : memref<1x1280x32xf32, #tpu.memory_space<vmem>> -> memref<1280x32xf32, #tpu.memory_space<vmem>>
    %dma_wait3A_457 = arith.constant 8960 : i32
    %dma_wait3A_458 = tpu.memref_slice %arg5[%dma_wait3A_457] : memref<25600xi32, #tpu.memory_space<vmem>> -> memref<1280xi32, #tpu.memory_space<vmem>>
    %dma_wait3A_459 = arith.constant 0 : i32
    %dma_wait3A_460 = arith.constant 0 : i32
    %dma_wait3A_461 = tpu.memref_slice %arg2[%dma_wait3A_459, %dma_wait3A_460] : memref<1000000x32xf32, #tpu.memory_space<hbm>> -> memref<1000000x32xf32, #tpu.memory_space<hbm>>
    %dma_wait3A_462 = tpu.memref_slice %arg8[%dma_wait3A_452] : memref<2x!tpu.dma_semaphore, #tpu.memory_space<semaphore_mem>> -> memref<1x!tpu.dma_semaphore, #tpu.memory_space<semaphore_mem>>
    %dma_wait3A_463 = tpu.memref_squeeze %dma_wait3A_462 : memref<1x!tpu.dma_semaphore, #tpu.memory_space<semaphore_mem>> -> memref<!tpu.dma_semaphore, #tpu.memory_space<semaphore_mem>>
    tpu.wait_indirect_dma semaphore(%dma_wait3A_463 : memref<!tpu.dma_semaphore, #tpu.memory_space<semaphore_mem>>) src(%dma_wait3A_461 : memref<1000000x32xf32, #tpu.memory_space<hbm>>) dst(%dma_wait3A_456 : memref<1280x32xf32, #tpu.memory_space<vmem>>)
    %add3A_464 = arith.constant 8960 : i32
    %add3A_465 = arith.addi %mul3A_2, %add3A_464 : i32
    %dma_start3A_466 = arith.constant 1 : i32
    %dma_start3A_467 = arith.constant 1 : i32
    %dma_start3A_468 = arith.constant 0 : i32
    %dma_start3A_469 = arith.constant 0 : i32
    %dma_start3A_470 = tpu.memref_slice %arg6[%dma_start3A_466, %dma_start3A_468, %dma_start3A_469] : memref<2x1280x32xf32, #tpu.memory_space<vmem>> -> memref<1x1280x32xf32, #tpu.memory_space<vmem>>
    %dma_start3A_471 = tpu.memref_squeeze %dma_start3A_470 : memref<1x1280x32xf32, #tpu.memory_space<vmem>> -> memref<1280x32xf32, #tpu.memory_space<vmem>>
    %dma_start3A_472 = arith.constant 0 : i32
    %dma_start3A_473 = tpu.memref_slice %arg4[%add3A_465, %dma_start3A_472] : memref<819200x32xf32, #tpu.memory_space<hbm>> -> memref<1280x32xf32, #tpu.memory_space<hbm>>
    %dma_start3A_474 = tpu.memref_slice %arg9[%dma_start3A_467] : memref<2x!tpu.dma_semaphore, #tpu.memory_space<semaphore_mem>> -> memref<1x!tpu.dma_semaphore, #tpu.memory_space<semaphore_mem>>
    %dma_start3A_475 = tpu.memref_squeeze %dma_start3A_474 : memref<1x!tpu.dma_semaphore, #tpu.memory_space<semaphore_mem>> -> memref<!tpu.dma_semaphore, #tpu.memory_space<semaphore_mem>>
    %dma_start3A_476 = arith.constant 0 : i32
    %dma_start3A_477 = tpu.memref_slice %arg4[%add3A_465, %dma_start3A_476] : memref<819200x32xf32, #tpu.memory_space<hbm>> -> memref<1280x32xf32, #tpu.memory_space<hbm>>
    %dma_start3A_478 = arith.constant 0 : i32
    %dma_start3A_479 = arith.constant 0 : i32
    %dma_start3A_480 = tpu.memref_slice %arg6[%dma_start3A_466, %dma_start3A_478, %dma_start3A_479] : memref<2x1280x32xf32, #tpu.memory_space<vmem>> -> memref<1x1280x32xf32, #tpu.memory_space<vmem>>
    %dma_start3A_481 = tpu.memref_squeeze %dma_start3A_480 : memref<1x1280x32xf32, #tpu.memory_space<vmem>> -> memref<1280x32xf32, #tpu.memory_space<vmem>>
    tpu.enqueue_dma source(%dma_start3A_481 : memref<1280x32xf32, #tpu.memory_space<vmem>>) target(%dma_start3A_477 : memref<1280x32xf32, #tpu.memory_space<hbm>>) target_semaphore(%dma_start3A_475 : memref<!tpu.dma_semaphore, #tpu.memory_space<semaphore_mem>>)
    %dma_wait3A_482 = arith.constant 1 : i32
    %dma_wait3A_483 = arith.constant 1 : i32
    %dma_wait3A_484 = arith.constant 0 : i32
    %dma_wait3A_485 = arith.constant 0 : i32
    %dma_wait3A_486 = tpu.memref_slice %arg6[%dma_wait3A_482, %dma_wait3A_484, %dma_wait3A_485] : memref<2x1280x32xf32, #tpu.memory_space<vmem>> -> memref<1x1280x32xf32, #tpu.memory_space<vmem>>
    %dma_wait3A_487 = tpu.memref_squeeze %dma_wait3A_486 : memref<1x1280x32xf32, #tpu.memory_space<vmem>> -> memref<1280x32xf32, #tpu.memory_space<vmem>>
    %dma_wait3A_488 = arith.constant 0 : i32
    %dma_wait3A_489 = tpu.memref_slice %arg4[%add3A_465, %dma_wait3A_488] : memref<819200x32xf32, #tpu.memory_space<hbm>> -> memref<1280x32xf32, #tpu.memory_space<hbm>>
    %dma_wait3A_490 = tpu.memref_slice %arg9[%dma_wait3A_483] : memref<2x!tpu.dma_semaphore, #tpu.memory_space<semaphore_mem>> -> memref<1x!tpu.dma_semaphore, #tpu.memory_space<semaphore_mem>>
    %dma_wait3A_491 = tpu.memref_squeeze %dma_wait3A_490 : memref<1x!tpu.dma_semaphore, #tpu.memory_space<semaphore_mem>> -> memref<!tpu.dma_semaphore, #tpu.memory_space<semaphore_mem>>
    %dma_wait3A_492 = arith.constant 0 : i32
    %dma_wait3A_493 = tpu.memref_slice %arg4[%add3A_465, %dma_wait3A_492] : memref<819200x32xf32, #tpu.memory_space<hbm>> -> memref<1280x32xf32, #tpu.memory_space<hbm>>
    %dma_wait3A_494 = arith.constant 0 : i32
    %dma_wait3A_495 = arith.constant 0 : i32
    %dma_wait3A_496 = tpu.memref_slice %arg6[%dma_wait3A_482, %dma_wait3A_494, %dma_wait3A_495] : memref<2x1280x32xf32, #tpu.memory_space<vmem>> -> memref<1x1280x32xf32, #tpu.memory_space<vmem>>
    %dma_wait3A_497 = tpu.memref_squeeze %dma_wait3A_496 : memref<1x1280x32xf32, #tpu.memory_space<vmem>> -> memref<1280x32xf32, #tpu.memory_space<vmem>>
    tpu.wait_dma2 semaphore(%dma_wait3A_491 : memref<!tpu.dma_semaphore, #tpu.memory_space<semaphore_mem>>) src(%dma_wait3A_497 : memref<1280x32xf32, #tpu.memory_space<vmem>>) dst(%dma_wait3A_493 : memref<1280x32xf32, #tpu.memory_space<hbm>>)
    %dma_start3A_498 = arith.constant 1 : i32
    %dma_start3A_499 = arith.constant 1 : i32
    %dma_start3A_500 = arith.constant 0 : i32
    %dma_start3A_501 = arith.constant 0 : i32
    %dma_start3A_502 = tpu.memref_slice %arg6[%dma_start3A_498, %dma_start3A_500, %dma_start3A_501] : memref<2x1280x32xf32, #tpu.memory_space<vmem>> -> memref<1x1280x32xf32, #tpu.memory_space<vmem>>
    %dma_start3A_503 = tpu.memref_squeeze %dma_start3A_502 : memref<1x1280x32xf32, #tpu.memory_space<vmem>> -> memref<1280x32xf32, #tpu.memory_space<vmem>>
    %dma_start3A_504 = arith.constant 11520 : i32
    %dma_start3A_505 = tpu.memref_slice %arg5[%dma_start3A_504] : memref<25600xi32, #tpu.memory_space<vmem>> -> memref<1280xi32, #tpu.memory_space<vmem>>
    %dma_start3A_506 = arith.constant 0 : i32
    %dma_start3A_507 = arith.constant 0 : i32
    %dma_start3A_508 = tpu.memref_slice %arg2[%dma_start3A_506, %dma_start3A_507] : memref<1000000x32xf32, #tpu.memory_space<hbm>> -> memref<1000000x32xf32, #tpu.memory_space<hbm>>
    %dma_start3A_509 = tpu.memref_slice %arg8[%dma_start3A_499] : memref<2x!tpu.dma_semaphore, #tpu.memory_space<semaphore_mem>> -> memref<1x!tpu.dma_semaphore, #tpu.memory_space<semaphore_mem>>
    %dma_start3A_510 = tpu.memref_squeeze %dma_start3A_509 : memref<1x!tpu.dma_semaphore, #tpu.memory_space<semaphore_mem>> -> memref<!tpu.dma_semaphore, #tpu.memory_space<semaphore_mem>>
    tpu.enqueue_indirect_dma source(%dma_start3A_508 : memref<1000000x32xf32, #tpu.memory_space<hbm>>) target(%dma_start3A_503 : memref<1280x32xf32, #tpu.memory_space<vmem>>) offsets(%dma_start3A_505 : memref<1280xi32, #tpu.memory_space<vmem>>) semaphore(%dma_start3A_510 : memref<!tpu.dma_semaphore, #tpu.memory_space<semaphore_mem>>)
    %dma_wait3A_511 = arith.constant 0 : i32
    %dma_wait3A_512 = arith.constant 0 : i32
    %dma_wait3A_513 = arith.constant 0 : i32
    %dma_wait3A_514 = arith.constant 0 : i32
    %dma_wait3A_515 = tpu.memref_slice %arg6[%dma_wait3A_511, %dma_wait3A_513, %dma_wait3A_514] : memref<2x1280x32xf32, #tpu.memory_space<vmem>> -> memref<1x1280x32xf32, #tpu.memory_space<vmem>>
    %dma_wait3A_516 = tpu.memref_squeeze %dma_wait3A_515 : memref<1x1280x32xf32, #tpu.memory_space<vmem>> -> memref<1280x32xf32, #tpu.memory_space<vmem>>
    %dma_wait3A_517 = arith.constant 10240 : i32
    %dma_wait3A_518 = tpu.memref_slice %arg5[%dma_wait3A_517] : memref<25600xi32, #tpu.memory_space<vmem>> -> memref<1280xi32, #tpu.memory_space<vmem>>
    %dma_wait3A_519 = arith.constant 0 : i32
    %dma_wait3A_520 = arith.constant 0 : i32
    %dma_wait3A_521 = tpu.memref_slice %arg2[%dma_wait3A_519, %dma_wait3A_520] : memref<1000000x32xf32, #tpu.memory_space<hbm>> -> memref<1000000x32xf32, #tpu.memory_space<hbm>>
    %dma_wait3A_522 = tpu.memref_slice %arg8[%dma_wait3A_512] : memref<2x!tpu.dma_semaphore, #tpu.memory_space<semaphore_mem>> -> memref<1x!tpu.dma_semaphore, #tpu.memory_space<semaphore_mem>>
    %dma_wait3A_523 = tpu.memref_squeeze %dma_wait3A_522 : memref<1x!tpu.dma_semaphore, #tpu.memory_space<semaphore_mem>> -> memref<!tpu.dma_semaphore, #tpu.memory_space<semaphore_mem>>
    tpu.wait_indirect_dma semaphore(%dma_wait3A_523 : memref<!tpu.dma_semaphore, #tpu.memory_space<semaphore_mem>>) src(%dma_wait3A_521 : memref<1000000x32xf32, #tpu.memory_space<hbm>>) dst(%dma_wait3A_516 : memref<1280x32xf32, #tpu.memory_space<vmem>>)
    %add3A_524 = arith.constant 10240 : i32
    %add3A_525 = arith.addi %mul3A_2, %add3A_524 : i32
    %dma_start3A_526 = arith.constant 0 : i32
    %dma_start3A_527 = arith.constant 0 : i32
    %dma_start3A_528 = arith.constant 0 : i32
    %dma_start3A_529 = arith.constant 0 : i32
    %dma_start3A_530 = tpu.memref_slice %arg6[%dma_start3A_526, %dma_start3A_528, %dma_start3A_529] : memref<2x1280x32xf32, #tpu.memory_space<vmem>> -> memref<1x1280x32xf32, #tpu.memory_space<vmem>>
    %dma_start3A_531 = tpu.memref_squeeze %dma_start3A_530 : memref<1x1280x32xf32, #tpu.memory_space<vmem>> -> memref<1280x32xf32, #tpu.memory_space<vmem>>
    %dma_start3A_532 = arith.constant 0 : i32
    %dma_start3A_533 = tpu.memref_slice %arg4[%add3A_525, %dma_start3A_532] : memref<819200x32xf32, #tpu.memory_space<hbm>> -> memref<1280x32xf32, #tpu.memory_space<hbm>>
    %dma_start3A_534 = tpu.memref_slice %arg9[%dma_start3A_527] : memref<2x!tpu.dma_semaphore, #tpu.memory_space<semaphore_mem>> -> memref<1x!tpu.dma_semaphore, #tpu.memory_space<semaphore_mem>>
    %dma_start3A_535 = tpu.memref_squeeze %dma_start3A_534 : memref<1x!tpu.dma_semaphore, #tpu.memory_space<semaphore_mem>> -> memref<!tpu.dma_semaphore, #tpu.memory_space<semaphore_mem>>
    %dma_start3A_536 = arith.constant 0 : i32
    %dma_start3A_537 = tpu.memref_slice %arg4[%add3A_525, %dma_start3A_536] : memref<819200x32xf32, #tpu.memory_space<hbm>> -> memref<1280x32xf32, #tpu.memory_space<hbm>>
    %dma_start3A_538 = arith.constant 0 : i32
    %dma_start3A_539 = arith.constant 0 : i32
    %dma_start3A_540 = tpu.memref_slice %arg6[%dma_start3A_526, %dma_start3A_538, %dma_start3A_539] : memref<2x1280x32xf32, #tpu.memory_space<vmem>> -> memref<1x1280x32xf32, #tpu.memory_space<vmem>>
    %dma_start3A_541 = tpu.memref_squeeze %dma_start3A_540 : memref<1x1280x32xf32, #tpu.memory_space<vmem>> -> memref<1280x32xf32, #tpu.memory_space<vmem>>
    tpu.enqueue_dma source(%dma_start3A_541 : memref<1280x32xf32, #tpu.memory_space<vmem>>) target(%dma_start3A_537 : memref<1280x32xf32, #tpu.memory_space<hbm>>) target_semaphore(%dma_start3A_535 : memref<!tpu.dma_semaphore, #tpu.memory_space<semaphore_mem>>)
    %dma_wait3A_542 = arith.constant 0 : i32
    %dma_wait3A_543 = arith.constant 0 : i32
    %dma_wait3A_544 = arith.constant 0 : i32
    %dma_wait3A_545 = arith.constant 0 : i32
    %dma_wait3A_546 = tpu.memref_slice %arg6[%dma_wait3A_542, %dma_wait3A_544, %dma_wait3A_545] : memref<2x1280x32xf32, #tpu.memory_space<vmem>> -> memref<1x1280x32xf32, #tpu.memory_space<vmem>>
    %dma_wait3A_547 = tpu.memref_squeeze %dma_wait3A_546 : memref<1x1280x32xf32, #tpu.memory_space<vmem>> -> memref<1280x32xf32, #tpu.memory_space<vmem>>
    %dma_wait3A_548 = arith.constant 0 : i32
    %dma_wait3A_549 = tpu.memref_slice %arg4[%add3A_525, %dma_wait3A_548] : memref<819200x32xf32, #tpu.memory_space<hbm>> -> memref<1280x32xf32, #tpu.memory_space<hbm>>
    %dma_wait3A_550 = tpu.memref_slice %arg9[%dma_wait3A_543] : memref<2x!tpu.dma_semaphore, #tpu.memory_space<semaphore_mem>> -> memref<1x!tpu.dma_semaphore, #tpu.memory_space<semaphore_mem>>
    %dma_wait3A_551 = tpu.memref_squeeze %dma_wait3A_550 : memref<1x!tpu.dma_semaphore, #tpu.memory_space<semaphore_mem>> -> memref<!tpu.dma_semaphore, #tpu.memory_space<semaphore_mem>>
    %dma_wait3A_552 = arith.constant 0 : i32
    %dma_wait3A_553 = tpu.memref_slice %arg4[%add3A_525, %dma_wait3A_552] : memref<819200x32xf32, #tpu.memory_space<hbm>> -> memref<1280x32xf32, #tpu.memory_space<hbm>>
    %dma_wait3A_554 = arith.constant 0 : i32
    %dma_wait3A_555 = arith.constant 0 : i32
    %dma_wait3A_556 = tpu.memref_slice %arg6[%dma_wait3A_542, %dma_wait3A_554, %dma_wait3A_555] : memref<2x1280x32xf32, #tpu.memory_space<vmem>> -> memref<1x1280x32xf32, #tpu.memory_space<vmem>>
    %dma_wait3A_557 = tpu.memref_squeeze %dma_wait3A_556 : memref<1x1280x32xf32, #tpu.memory_space<vmem>> -> memref<1280x32xf32, #tpu.memory_space<vmem>>
    tpu.wait_dma2 semaphore(%dma_wait3A_551 : memref<!tpu.dma_semaphore, #tpu.memory_space<semaphore_mem>>) src(%dma_wait3A_557 : memref<1280x32xf32, #tpu.memory_space<vmem>>) dst(%dma_wait3A_553 : memref<1280x32xf32, #tpu.memory_space<hbm>>)
    %dma_start3A_558 = arith.constant 0 : i32
    %dma_start3A_559 = arith.constant 0 : i32
    %dma_start3A_560 = arith.constant 0 : i32
    %dma_start3A_561 = arith.constant 0 : i32
    %dma_start3A_562 = tpu.memref_slice %arg6[%dma_start3A_558, %dma_start3A_560, %dma_start3A_561] : memref<2x1280x32xf32, #tpu.memory_space<vmem>> -> memref<1x1280x32xf32, #tpu.memory_space<vmem>>
    %dma_start3A_563 = tpu.memref_squeeze %dma_start3A_562 : memref<1x1280x32xf32, #tpu.memory_space<vmem>> -> memref<1280x32xf32, #tpu.memory_space<vmem>>
    %dma_start3A_564 = arith.constant 12800 : i32
    %dma_start3A_565 = tpu.memref_slice %arg5[%dma_start3A_564] : memref<25600xi32, #tpu.memory_space<vmem>> -> memref<1280xi32, #tpu.memory_space<vmem>>
    %dma_start3A_566 = arith.constant 0 : i32
    %dma_start3A_567 = arith.constant 0 : i32
    %dma_start3A_568 = tpu.memref_slice %arg2[%dma_start3A_566, %dma_start3A_567] : memref<1000000x32xf32, #tpu.memory_space<hbm>> -> memref<1000000x32xf32, #tpu.memory_space<hbm>>
    %dma_start3A_569 = tpu.memref_slice %arg8[%dma_start3A_559] : memref<2x!tpu.dma_semaphore, #tpu.memory_space<semaphore_mem>> -> memref<1x!tpu.dma_semaphore, #tpu.memory_space<semaphore_mem>>
    %dma_start3A_570 = tpu.memref_squeeze %dma_start3A_569 : memref<1x!tpu.dma_semaphore, #tpu.memory_space<semaphore_mem>> -> memref<!tpu.dma_semaphore, #tpu.memory_space<semaphore_mem>>
    tpu.enqueue_indirect_dma source(%dma_start3A_568 : memref<1000000x32xf32, #tpu.memory_space<hbm>>) target(%dma_start3A_563 : memref<1280x32xf32, #tpu.memory_space<vmem>>) offsets(%dma_start3A_565 : memref<1280xi32, #tpu.memory_space<vmem>>) semaphore(%dma_start3A_570 : memref<!tpu.dma_semaphore, #tpu.memory_space<semaphore_mem>>)
    %dma_wait3A_571 = arith.constant 1 : i32
    %dma_wait3A_572 = arith.constant 1 : i32
    %dma_wait3A_573 = arith.constant 0 : i32
    %dma_wait3A_574 = arith.constant 0 : i32
    %dma_wait3A_575 = tpu.memref_slice %arg6[%dma_wait3A_571, %dma_wait3A_573, %dma_wait3A_574] : memref<2x1280x32xf32, #tpu.memory_space<vmem>> -> memref<1x1280x32xf32, #tpu.memory_space<vmem>>
    %dma_wait3A_576 = tpu.memref_squeeze %dma_wait3A_575 : memref<1x1280x32xf32, #tpu.memory_space<vmem>> -> memref<1280x32xf32, #tpu.memory_space<vmem>>
    %dma_wait3A_577 = arith.constant 11520 : i32
    %dma_wait3A_578 = tpu.memref_slice %arg5[%dma_wait3A_577] : memref<25600xi32, #tpu.memory_space<vmem>> -> memref<1280xi32, #tpu.memory_space<vmem>>
    %dma_wait3A_579 = arith.constant 0 : i32
    %dma_wait3A_580 = arith.constant 0 : i32
    %dma_wait3A_581 = tpu.memref_slice %arg2[%dma_wait3A_579, %dma_wait3A_580] : memref<1000000x32xf32, #tpu.memory_space<hbm>> -> memref<1000000x32xf32, #tpu.memory_space<hbm>>
    %dma_wait3A_582 = tpu.memref_slice %arg8[%dma_wait3A_572] : memref<2x!tpu.dma_semaphore, #tpu.memory_space<semaphore_mem>> -> memref<1x!tpu.dma_semaphore, #tpu.memory_space<semaphore_mem>>
    %dma_wait3A_583 = tpu.memref_squeeze %dma_wait3A_582 : memref<1x!tpu.dma_semaphore, #tpu.memory_space<semaphore_mem>> -> memref<!tpu.dma_semaphore, #tpu.memory_space<semaphore_mem>>
    tpu.wait_indirect_dma semaphore(%dma_wait3A_583 : memref<!tpu.dma_semaphore, #tpu.memory_space<semaphore_mem>>) src(%dma_wait3A_581 : memref<1000000x32xf32, #tpu.memory_space<hbm>>) dst(%dma_wait3A_576 : memref<1280x32xf32, #tpu.memory_space<vmem>>)
    %add3A_584 = arith.constant 11520 : i32
    %add3A_585 = arith.addi %mul3A_2, %add3A_584 : i32
    %dma_start3A_586 = arith.constant 1 : i32
    %dma_start3A_587 = arith.constant 1 : i32
    %dma_start3A_588 = arith.constant 0 : i32
    %dma_start3A_589 = arith.constant 0 : i32
    %dma_start3A_590 = tpu.memref_slice %arg6[%dma_start3A_586, %dma_start3A_588, %dma_start3A_589] : memref<2x1280x32xf32, #tpu.memory_space<vmem>> -> memref<1x1280x32xf32, #tpu.memory_space<vmem>>
    %dma_start3A_591 = tpu.memref_squeeze %dma_start3A_590 : memref<1x1280x32xf32, #tpu.memory_space<vmem>> -> memref<1280x32xf32, #tpu.memory_space<vmem>>
    %dma_start3A_592 = arith.constant 0 : i32
    %dma_start3A_593 = tpu.memref_slice %arg4[%add3A_585, %dma_start3A_592] : memref<819200x32xf32, #tpu.memory_space<hbm>> -> memref<1280x32xf32, #tpu.memory_space<hbm>>
    %dma_start3A_594 = tpu.memref_slice %arg9[%dma_start3A_587] : memref<2x!tpu.dma_semaphore, #tpu.memory_space<semaphore_mem>> -> memref<1x!tpu.dma_semaphore, #tpu.memory_space<semaphore_mem>>
    %dma_start3A_595 = tpu.memref_squeeze %dma_start3A_594 : memref<1x!tpu.dma_semaphore, #tpu.memory_space<semaphore_mem>> -> memref<!tpu.dma_semaphore, #tpu.memory_space<semaphore_mem>>
    %dma_start3A_596 = arith.constant 0 : i32
    %dma_start3A_597 = tpu.memref_slice %arg4[%add3A_585, %dma_start3A_596] : memref<819200x32xf32, #tpu.memory_space<hbm>> -> memref<1280x32xf32, #tpu.memory_space<hbm>>
    %dma_start3A_598 = arith.constant 0 : i32
    %dma_start3A_599 = arith.constant 0 : i32
    %dma_start3A_600 = tpu.memref_slice %arg6[%dma_start3A_586, %dma_start3A_598, %dma_start3A_599] : memref<2x1280x32xf32, #tpu.memory_space<vmem>> -> memref<1x1280x32xf32, #tpu.memory_space<vmem>>
    %dma_start3A_601 = tpu.memref_squeeze %dma_start3A_600 : memref<1x1280x32xf32, #tpu.memory_space<vmem>> -> memref<1280x32xf32, #tpu.memory_space<vmem>>
    tpu.enqueue_dma source(%dma_start3A_601 : memref<1280x32xf32, #tpu.memory_space<vmem>>) target(%dma_start3A_597 : memref<1280x32xf32, #tpu.memory_space<hbm>>) target_semaphore(%dma_start3A_595 : memref<!tpu.dma_semaphore, #tpu.memory_space<semaphore_mem>>)
    %dma_wait3A_602 = arith.constant 1 : i32
    %dma_wait3A_603 = arith.constant 1 : i32
    %dma_wait3A_604 = arith.constant 0 : i32
    %dma_wait3A_605 = arith.constant 0 : i32
    %dma_wait3A_606 = tpu.memref_slice %arg6[%dma_wait3A_602, %dma_wait3A_604, %dma_wait3A_605] : memref<2x1280x32xf32, #tpu.memory_space<vmem>> -> memref<1x1280x32xf32, #tpu.memory_space<vmem>>
    %dma_wait3A_607 = tpu.memref_squeeze %dma_wait3A_606 : memref<1x1280x32xf32, #tpu.memory_space<vmem>> -> memref<1280x32xf32, #tpu.memory_space<vmem>>
    %dma_wait3A_608 = arith.constant 0 : i32
    %dma_wait3A_609 = tpu.memref_slice %arg4[%add3A_585, %dma_wait3A_608] : memref<819200x32xf32, #tpu.memory_space<hbm>> -> memref<1280x32xf32, #tpu.memory_space<hbm>>
    %dma_wait3A_610 = tpu.memref_slice %arg9[%dma_wait3A_603] : memref<2x!tpu.dma_semaphore, #tpu.memory_space<semaphore_mem>> -> memref<1x!tpu.dma_semaphore, #tpu.memory_space<semaphore_mem>>
    %dma_wait3A_611 = tpu.memref_squeeze %dma_wait3A_610 : memref<1x!tpu.dma_semaphore, #tpu.memory_space<semaphore_mem>> -> memref<!tpu.dma_semaphore, #tpu.memory_space<semaphore_mem>>
    %dma_wait3A_612 = arith.constant 0 : i32
    %dma_wait3A_613 = tpu.memref_slice %arg4[%add3A_585, %dma_wait3A_612] : memref<819200x32xf32, #tpu.memory_space<hbm>> -> memref<1280x32xf32, #tpu.memory_space<hbm>>
    %dma_wait3A_614 = arith.constant 0 : i32
    %dma_wait3A_615 = arith.constant 0 : i32
    %dma_wait3A_616 = tpu.memref_slice %arg6[%dma_wait3A_602, %dma_wait3A_614, %dma_wait3A_615] : memref<2x1280x32xf32, #tpu.memory_space<vmem>> -> memref<1x1280x32xf32, #tpu.memory_space<vmem>>
    %dma_wait3A_617 = tpu.memref_squeeze %dma_wait3A_616 : memref<1x1280x32xf32, #tpu.memory_space<vmem>> -> memref<1280x32xf32, #tpu.memory_space<vmem>>
    tpu.wait_dma2 semaphore(%dma_wait3A_611 : memref<!tpu.dma_semaphore, #tpu.memory_space<semaphore_mem>>) src(%dma_wait3A_617 : memref<1280x32xf32, #tpu.memory_space<vmem>>) dst(%dma_wait3A_613 : memref<1280x32xf32, #tpu.memory_space<hbm>>)
    %dma_start3A_618 = arith.constant 1 : i32
    %dma_start3A_619 = arith.constant 1 : i32
    %dma_start3A_620 = arith.constant 0 : i32
    %dma_start3A_621 = arith.constant 0 : i32
    %dma_start3A_622 = tpu.memref_slice %arg6[%dma_start3A_618, %dma_start3A_620, %dma_start3A_621] : memref<2x1280x32xf32, #tpu.memory_space<vmem>> -> memref<1x1280x32xf32, #tpu.memory_space<vmem>>
    %dma_start3A_623 = tpu.memref_squeeze %dma_start3A_622 : memref<1x1280x32xf32, #tpu.memory_space<vmem>> -> memref<1280x32xf32, #tpu.memory_space<vmem>>
    %dma_start3A_624 = arith.constant 14080 : i32
    %dma_start3A_625 = tpu.memref_slice %arg5[%dma_start3A_624] : memref<25600xi32, #tpu.memory_space<vmem>> -> memref<1280xi32, #tpu.memory_space<vmem>>
    %dma_start3A_626 = arith.constant 0 : i32
    %dma_start3A_627 = arith.constant 0 : i32
    %dma_start3A_628 = tpu.memref_slice %arg2[%dma_start3A_626, %dma_start3A_627] : memref<1000000x32xf32, #tpu.memory_space<hbm>> -> memref<1000000x32xf32, #tpu.memory_space<hbm>>
    %dma_start3A_629 = tpu.memref_slice %arg8[%dma_start3A_619] : memref<2x!tpu.dma_semaphore, #tpu.memory_space<semaphore_mem>> -> memref<1x!tpu.dma_semaphore, #tpu.memory_space<semaphore_mem>>
    %dma_start3A_630 = tpu.memref_squeeze %dma_start3A_629 : memref<1x!tpu.dma_semaphore, #tpu.memory_space<semaphore_mem>> -> memref<!tpu.dma_semaphore, #tpu.memory_space<semaphore_mem>>
    tpu.enqueue_indirect_dma source(%dma_start3A_628 : memref<1000000x32xf32, #tpu.memory_space<hbm>>) target(%dma_start3A_623 : memref<1280x32xf32, #tpu.memory_space<vmem>>) offsets(%dma_start3A_625 : memref<1280xi32, #tpu.memory_space<vmem>>) semaphore(%dma_start3A_630 : memref<!tpu.dma_semaphore, #tpu.memory_space<semaphore_mem>>)
    %dma_wait3A_631 = arith.constant 0 : i32
    %dma_wait3A_632 = arith.constant 0 : i32
    %dma_wait3A_633 = arith.constant 0 : i32
    %dma_wait3A_634 = arith.constant 0 : i32
    %dma_wait3A_635 = tpu.memref_slice %arg6[%dma_wait3A_631, %dma_wait3A_633, %dma_wait3A_634] : memref<2x1280x32xf32, #tpu.memory_space<vmem>> -> memref<1x1280x32xf32, #tpu.memory_space<vmem>>
    %dma_wait3A_636 = tpu.memref_squeeze %dma_wait3A_635 : memref<1x1280x32xf32, #tpu.memory_space<vmem>> -> memref<1280x32xf32, #tpu.memory_space<vmem>>
    %dma_wait3A_637 = arith.constant 12800 : i32
    %dma_wait3A_638 = tpu.memref_slice %arg5[%dma_wait3A_637] : memref<25600xi32, #tpu.memory_space<vmem>> -> memref<1280xi32, #tpu.memory_space<vmem>>
    %dma_wait3A_639 = arith.constant 0 : i32
    %dma_wait3A_640 = arith.constant 0 : i32
    %dma_wait3A_641 = tpu.memref_slice %arg2[%dma_wait3A_639, %dma_wait3A_640] : memref<1000000x32xf32, #tpu.memory_space<hbm>> -> memref<1000000x32xf32, #tpu.memory_space<hbm>>
    %dma_wait3A_642 = tpu.memref_slice %arg8[%dma_wait3A_632] : memref<2x!tpu.dma_semaphore, #tpu.memory_space<semaphore_mem>> -> memref<1x!tpu.dma_semaphore, #tpu.memory_space<semaphore_mem>>
    %dma_wait3A_643 = tpu.memref_squeeze %dma_wait3A_642 : memref<1x!tpu.dma_semaphore, #tpu.memory_space<semaphore_mem>> -> memref<!tpu.dma_semaphore, #tpu.memory_space<semaphore_mem>>
    tpu.wait_indirect_dma semaphore(%dma_wait3A_643 : memref<!tpu.dma_semaphore, #tpu.memory_space<semaphore_mem>>) src(%dma_wait3A_641 : memref<1000000x32xf32, #tpu.memory_space<hbm>>) dst(%dma_wait3A_636 : memref<1280x32xf32, #tpu.memory_space<vmem>>)
    %add3A_644 = arith.constant 12800 : i32
    %add3A_645 = arith.addi %mul3A_2, %add3A_644 : i32
    %dma_start3A_646 = arith.constant 0 : i32
    %dma_start3A_647 = arith.constant 0 : i32
    %dma_start3A_648 = arith.constant 0 : i32
    %dma_start3A_649 = arith.constant 0 : i32
    %dma_start3A_650 = tpu.memref_slice %arg6[%dma_start3A_646, %dma_start3A_648, %dma_start3A_649] : memref<2x1280x32xf32, #tpu.memory_space<vmem>> -> memref<1x1280x32xf32, #tpu.memory_space<vmem>>
    %dma_start3A_651 = tpu.memref_squeeze %dma_start3A_650 : memref<1x1280x32xf32, #tpu.memory_space<vmem>> -> memref<1280x32xf32, #tpu.memory_space<vmem>>
    %dma_start3A_652 = arith.constant 0 : i32
    %dma_start3A_653 = tpu.memref_slice %arg4[%add3A_645, %dma_start3A_652] : memref<819200x32xf32, #tpu.memory_space<hbm>> -> memref<1280x32xf32, #tpu.memory_space<hbm>>
    %dma_start3A_654 = tpu.memref_slice %arg9[%dma_start3A_647] : memref<2x!tpu.dma_semaphore, #tpu.memory_space<semaphore_mem>> -> memref<1x!tpu.dma_semaphore, #tpu.memory_space<semaphore_mem>>
    %dma_start3A_655 = tpu.memref_squeeze %dma_start3A_654 : memref<1x!tpu.dma_semaphore, #tpu.memory_space<semaphore_mem>> -> memref<!tpu.dma_semaphore, #tpu.memory_space<semaphore_mem>>
    %dma_start3A_656 = arith.constant 0 : i32
    %dma_start3A_657 = tpu.memref_slice %arg4[%add3A_645, %dma_start3A_656] : memref<819200x32xf32, #tpu.memory_space<hbm>> -> memref<1280x32xf32, #tpu.memory_space<hbm>>
    %dma_start3A_658 = arith.constant 0 : i32
    %dma_start3A_659 = arith.constant 0 : i32
    %dma_start3A_660 = tpu.memref_slice %arg6[%dma_start3A_646, %dma_start3A_658, %dma_start3A_659] : memref<2x1280x32xf32, #tpu.memory_space<vmem>> -> memref<1x1280x32xf32, #tpu.memory_space<vmem>>
    %dma_start3A_661 = tpu.memref_squeeze %dma_start3A_660 : memref<1x1280x32xf32, #tpu.memory_space<vmem>> -> memref<1280x32xf32, #tpu.memory_space<vmem>>
    tpu.enqueue_dma source(%dma_start3A_661 : memref<1280x32xf32, #tpu.memory_space<vmem>>) target(%dma_start3A_657 : memref<1280x32xf32, #tpu.memory_space<hbm>>) target_semaphore(%dma_start3A_655 : memref<!tpu.dma_semaphore, #tpu.memory_space<semaphore_mem>>)
    %dma_wait3A_662 = arith.constant 0 : i32
    %dma_wait3A_663 = arith.constant 0 : i32
    %dma_wait3A_664 = arith.constant 0 : i32
    %dma_wait3A_665 = arith.constant 0 : i32
    %dma_wait3A_666 = tpu.memref_slice %arg6[%dma_wait3A_662, %dma_wait3A_664, %dma_wait3A_665] : memref<2x1280x32xf32, #tpu.memory_space<vmem>> -> memref<1x1280x32xf32, #tpu.memory_space<vmem>>
    %dma_wait3A_667 = tpu.memref_squeeze %dma_wait3A_666 : memref<1x1280x32xf32, #tpu.memory_space<vmem>> -> memref<1280x32xf32, #tpu.memory_space<vmem>>
    %dma_wait3A_668 = arith.constant 0 : i32
    %dma_wait3A_669 = tpu.memref_slice %arg4[%add3A_645, %dma_wait3A_668] : memref<819200x32xf32, #tpu.memory_space<hbm>> -> memref<1280x32xf32, #tpu.memory_space<hbm>>
    %dma_wait3A_670 = tpu.memref_slice %arg9[%dma_wait3A_663] : memref<2x!tpu.dma_semaphore, #tpu.memory_space<semaphore_mem>> -> memref<1x!tpu.dma_semaphore, #tpu.memory_space<semaphore_mem>>
    %dma_wait3A_671 = tpu.memref_squeeze %dma_wait3A_670 : memref<1x!tpu.dma_semaphore, #tpu.memory_space<semaphore_mem>> -> memref<!tpu.dma_semaphore, #tpu.memory_space<semaphore_mem>>
    %dma_wait3A_672 = arith.constant 0 : i32
    %dma_wait3A_673 = tpu.memref_slice %arg4[%add3A_645, %dma_wait3A_672] : memref<819200x32xf32, #tpu.memory_space<hbm>> -> memref<1280x32xf32, #tpu.memory_space<hbm>>
    %dma_wait3A_674 = arith.constant 0 : i32
    %dma_wait3A_675 = arith.constant 0 : i32
    %dma_wait3A_676 = tpu.memref_slice %arg6[%dma_wait3A_662, %dma_wait3A_674, %dma_wait3A_675] : memref<2x1280x32xf32, #tpu.memory_space<vmem>> -> memref<1x1280x32xf32, #tpu.memory_space<vmem>>
    %dma_wait3A_677 = tpu.memref_squeeze %dma_wait3A_676 : memref<1x1280x32xf32, #tpu.memory_space<vmem>> -> memref<1280x32xf32, #tpu.memory_space<vmem>>
    tpu.wait_dma2 semaphore(%dma_wait3A_671 : memref<!tpu.dma_semaphore, #tpu.memory_space<semaphore_mem>>) src(%dma_wait3A_677 : memref<1280x32xf32, #tpu.memory_space<vmem>>) dst(%dma_wait3A_673 : memref<1280x32xf32, #tpu.memory_space<hbm>>)
    %dma_start3A_678 = arith.constant 0 : i32
    %dma_start3A_679 = arith.constant 0 : i32
    %dma_start3A_680 = arith.constant 0 : i32
    %dma_start3A_681 = arith.constant 0 : i32
    %dma_start3A_682 = tpu.memref_slice %arg6[%dma_start3A_678, %dma_start3A_680, %dma_start3A_681] : memref<2x1280x32xf32, #tpu.memory_space<vmem>> -> memref<1x1280x32xf32, #tpu.memory_space<vmem>>
    %dma_start3A_683 = tpu.memref_squeeze %dma_start3A_682 : memref<1x1280x32xf32, #tpu.memory_space<vmem>> -> memref<1280x32xf32, #tpu.memory_space<vmem>>
    %dma_start3A_684 = arith.constant 15360 : i32
    %dma_start3A_685 = tpu.memref_slice %arg5[%dma_start3A_684] : memref<25600xi32, #tpu.memory_space<vmem>> -> memref<1280xi32, #tpu.memory_space<vmem>>
    %dma_start3A_686 = arith.constant 0 : i32
    %dma_start3A_687 = arith.constant 0 : i32
    %dma_start3A_688 = tpu.memref_slice %arg2[%dma_start3A_686, %dma_start3A_687] : memref<1000000x32xf32, #tpu.memory_space<hbm>> -> memref<1000000x32xf32, #tpu.memory_space<hbm>>
    %dma_start3A_689 = tpu.memref_slice %arg8[%dma_start3A_679] : memref<2x!tpu.dma_semaphore, #tpu.memory_space<semaphore_mem>> -> memref<1x!tpu.dma_semaphore, #tpu.memory_space<semaphore_mem>>
    %dma_start3A_690 = tpu.memref_squeeze %dma_start3A_689 : memref<1x!tpu.dma_semaphore, #tpu.memory_space<semaphore_mem>> -> memref<!tpu.dma_semaphore, #tpu.memory_space<semaphore_mem>>
    tpu.enqueue_indirect_dma source(%dma_start3A_688 : memref<1000000x32xf32, #tpu.memory_space<hbm>>) target(%dma_start3A_683 : memref<1280x32xf32, #tpu.memory_space<vmem>>) offsets(%dma_start3A_685 : memref<1280xi32, #tpu.memory_space<vmem>>) semaphore(%dma_start3A_690 : memref<!tpu.dma_semaphore, #tpu.memory_space<semaphore_mem>>)
    %dma_wait3A_691 = arith.constant 1 : i32
    %dma_wait3A_692 = arith.constant 1 : i32
    %dma_wait3A_693 = arith.constant 0 : i32
    %dma_wait3A_694 = arith.constant 0 : i32
    %dma_wait3A_695 = tpu.memref_slice %arg6[%dma_wait3A_691, %dma_wait3A_693, %dma_wait3A_694] : memref<2x1280x32xf32, #tpu.memory_space<vmem>> -> memref<1x1280x32xf32, #tpu.memory_space<vmem>>
    %dma_wait3A_696 = tpu.memref_squeeze %dma_wait3A_695 : memref<1x1280x32xf32, #tpu.memory_space<vmem>> -> memref<1280x32xf32, #tpu.memory_space<vmem>>
    %dma_wait3A_697 = arith.constant 14080 : i32
    %dma_wait3A_698 = tpu.memref_slice %arg5[%dma_wait3A_697] : memref<25600xi32, #tpu.memory_space<vmem>> -> memref<1280xi32, #tpu.memory_space<vmem>>
    %dma_wait3A_699 = arith.constant 0 : i32
    %dma_wait3A_700 = arith.constant 0 : i32
    %dma_wait3A_701 = tpu.memref_slice %arg2[%dma_wait3A_699, %dma_wait3A_700] : memref<1000000x32xf32, #tpu.memory_space<hbm>> -> memref<1000000x32xf32, #tpu.memory_space<hbm>>
    %dma_wait3A_702 = tpu.memref_slice %arg8[%dma_wait3A_692] : memref<2x!tpu.dma_semaphore, #tpu.memory_space<semaphore_mem>> -> memref<1x!tpu.dma_semaphore, #tpu.memory_space<semaphore_mem>>
    %dma_wait3A_703 = tpu.memref_squeeze %dma_wait3A_702 : memref<1x!tpu.dma_semaphore, #tpu.memory_space<semaphore_mem>> -> memref<!tpu.dma_semaphore, #tpu.memory_space<semaphore_mem>>
    tpu.wait_indirect_dma semaphore(%dma_wait3A_703 : memref<!tpu.dma_semaphore, #tpu.memory_space<semaphore_mem>>) src(%dma_wait3A_701 : memref<1000000x32xf32, #tpu.memory_space<hbm>>) dst(%dma_wait3A_696 : memref<1280x32xf32, #tpu.memory_space<vmem>>)
    %add3A_704 = arith.constant 14080 : i32
    %add3A_705 = arith.addi %mul3A_2, %add3A_704 : i32
    %dma_start3A_706 = arith.constant 1 : i32
    %dma_start3A_707 = arith.constant 1 : i32
    %dma_start3A_708 = arith.constant 0 : i32
    %dma_start3A_709 = arith.constant 0 : i32
    %dma_start3A_710 = tpu.memref_slice %arg6[%dma_start3A_706, %dma_start3A_708, %dma_start3A_709] : memref<2x1280x32xf32, #tpu.memory_space<vmem>> -> memref<1x1280x32xf32, #tpu.memory_space<vmem>>
    %dma_start3A_711 = tpu.memref_squeeze %dma_start3A_710 : memref<1x1280x32xf32, #tpu.memory_space<vmem>> -> memref<1280x32xf32, #tpu.memory_space<vmem>>
    %dma_start3A_712 = arith.constant 0 : i32
    %dma_start3A_713 = tpu.memref_slice %arg4[%add3A_705, %dma_start3A_712] : memref<819200x32xf32, #tpu.memory_space<hbm>> -> memref<1280x32xf32, #tpu.memory_space<hbm>>
    %dma_start3A_714 = tpu.memref_slice %arg9[%dma_start3A_707] : memref<2x!tpu.dma_semaphore, #tpu.memory_space<semaphore_mem>> -> memref<1x!tpu.dma_semaphore, #tpu.memory_space<semaphore_mem>>
    %dma_start3A_715 = tpu.memref_squeeze %dma_start3A_714 : memref<1x!tpu.dma_semaphore, #tpu.memory_space<semaphore_mem>> -> memref<!tpu.dma_semaphore, #tpu.memory_space<semaphore_mem>>
    %dma_start3A_716 = arith.constant 0 : i32
    %dma_start3A_717 = tpu.memref_slice %arg4[%add3A_705, %dma_start3A_716] : memref<819200x32xf32, #tpu.memory_space<hbm>> -> memref<1280x32xf32, #tpu.memory_space<hbm>>
    %dma_start3A_718 = arith.constant 0 : i32
    %dma_start3A_719 = arith.constant 0 : i32
    %dma_start3A_720 = tpu.memref_slice %arg6[%dma_start3A_706, %dma_start3A_718, %dma_start3A_719] : memref<2x1280x32xf32, #tpu.memory_space<vmem>> -> memref<1x1280x32xf32, #tpu.memory_space<vmem>>
    %dma_start3A_721 = tpu.memref_squeeze %dma_start3A_720 : memref<1x1280x32xf32, #tpu.memory_space<vmem>> -> memref<1280x32xf32, #tpu.memory_space<vmem>>
    tpu.enqueue_dma source(%dma_start3A_721 : memref<1280x32xf32, #tpu.memory_space<vmem>>) target(%dma_start3A_717 : memref<1280x32xf32, #tpu.memory_space<hbm>>) target_semaphore(%dma_start3A_715 : memref<!tpu.dma_semaphore, #tpu.memory_space<semaphore_mem>>)
    %dma_wait3A_722 = arith.constant 1 : i32
    %dma_wait3A_723 = arith.constant 1 : i32
    %dma_wait3A_724 = arith.constant 0 : i32
    %dma_wait3A_725 = arith.constant 0 : i32
    %dma_wait3A_726 = tpu.memref_slice %arg6[%dma_wait3A_722, %dma_wait3A_724, %dma_wait3A_725] : memref<2x1280x32xf32, #tpu.memory_space<vmem>> -> memref<1x1280x32xf32, #tpu.memory_space<vmem>>
    %dma_wait3A_727 = tpu.memref_squeeze %dma_wait3A_726 : memref<1x1280x32xf32, #tpu.memory_space<vmem>> -> memref<1280x32xf32, #tpu.memory_space<vmem>>
    %dma_wait3A_728 = arith.constant 0 : i32
    %dma_wait3A_729 = tpu.memref_slice %arg4[%add3A_705, %dma_wait3A_728] : memref<819200x32xf32, #tpu.memory_space<hbm>> -> memref<1280x32xf32, #tpu.memory_space<hbm>>
    %dma_wait3A_730 = tpu.memref_slice %arg9[%dma_wait3A_723] : memref<2x!tpu.dma_semaphore, #tpu.memory_space<semaphore_mem>> -> memref<1x!tpu.dma_semaphore, #tpu.memory_space<semaphore_mem>>
    %dma_wait3A_731 = tpu.memref_squeeze %dma_wait3A_730 : memref<1x!tpu.dma_semaphore, #tpu.memory_space<semaphore_mem>> -> memref<!tpu.dma_semaphore, #tpu.memory_space<semaphore_mem>>
    %dma_wait3A_732 = arith.constant 0 : i32
    %dma_wait3A_733 = tpu.memref_slice %arg4[%add3A_705, %dma_wait3A_732] : memref<819200x32xf32, #tpu.memory_space<hbm>> -> memref<1280x32xf32, #tpu.memory_space<hbm>>
    %dma_wait3A_734 = arith.constant 0 : i32
    %dma_wait3A_735 = arith.constant 0 : i32
    %dma_wait3A_736 = tpu.memref_slice %arg6[%dma_wait3A_722, %dma_wait3A_734, %dma_wait3A_735] : memref<2x1280x32xf32, #tpu.memory_space<vmem>> -> memref<1x1280x32xf32, #tpu.memory_space<vmem>>
    %dma_wait3A_737 = tpu.memref_squeeze %dma_wait3A_736 : memref<1x1280x32xf32, #tpu.memory_space<vmem>> -> memref<1280x32xf32, #tpu.memory_space<vmem>>
    tpu.wait_dma2 semaphore(%dma_wait3A_731 : memref<!tpu.dma_semaphore, #tpu.memory_space<semaphore_mem>>) src(%dma_wait3A_737 : memref<1280x32xf32, #tpu.memory_space<vmem>>) dst(%dma_wait3A_733 : memref<1280x32xf32, #tpu.memory_space<hbm>>)
    %dma_start3A_738 = arith.constant 1 : i32
    %dma_start3A_739 = arith.constant 1 : i32
    %dma_start3A_740 = arith.constant 0 : i32
    %dma_start3A_741 = arith.constant 0 : i32
    %dma_start3A_742 = tpu.memref_slice %arg6[%dma_start3A_738, %dma_start3A_740, %dma_start3A_741] : memref<2x1280x32xf32, #tpu.memory_space<vmem>> -> memref<1x1280x32xf32, #tpu.memory_space<vmem>>
    %dma_start3A_743 = tpu.memref_squeeze %dma_start3A_742 : memref<1x1280x32xf32, #tpu.memory_space<vmem>> -> memref<1280x32xf32, #tpu.memory_space<vmem>>
    %dma_start3A_744 = arith.constant 16640 : i32
    %dma_start3A_745 = tpu.memref_slice %arg5[%dma_start3A_744] : memref<25600xi32, #tpu.memory_space<vmem>> -> memref<1280xi32, #tpu.memory_space<vmem>>
    %dma_start3A_746 = arith.constant 0 : i32
    %dma_start3A_747 = arith.constant 0 : i32
    %dma_start3A_748 = tpu.memref_slice %arg2[%dma_start3A_746, %dma_start3A_747] : memref<1000000x32xf32, #tpu.memory_space<hbm>> -> memref<1000000x32xf32, #tpu.memory_space<hbm>>
    %dma_start3A_749 = tpu.memref_slice %arg8[%dma_start3A_739] : memref<2x!tpu.dma_semaphore, #tpu.memory_space<semaphore_mem>> -> memref<1x!tpu.dma_semaphore, #tpu.memory_space<semaphore_mem>>
    %dma_start3A_750 = tpu.memref_squeeze %dma_start3A_749 : memref<1x!tpu.dma_semaphore, #tpu.memory_space<semaphore_mem>> -> memref<!tpu.dma_semaphore, #tpu.memory_space<semaphore_mem>>
    tpu.enqueue_indirect_dma source(%dma_start3A_748 : memref<1000000x32xf32, #tpu.memory_space<hbm>>) target(%dma_start3A_743 : memref<1280x32xf32, #tpu.memory_space<vmem>>) offsets(%dma_start3A_745 : memref<1280xi32, #tpu.memory_space<vmem>>) semaphore(%dma_start3A_750 : memref<!tpu.dma_semaphore, #tpu.memory_space<semaphore_mem>>)
    %dma_wait3A_751 = arith.constant 0 : i32
    %dma_wait3A_752 = arith.constant 0 : i32
    %dma_wait3A_753 = arith.constant 0 : i32
    %dma_wait3A_754 = arith.constant 0 : i32
    %dma_wait3A_755 = tpu.memref_slice %arg6[%dma_wait3A_751, %dma_wait3A_753, %dma_wait3A_754] : memref<2x1280x32xf32, #tpu.memory_space<vmem>> -> memref<1x1280x32xf32, #tpu.memory_space<vmem>>
    %dma_wait3A_756 = tpu.memref_squeeze %dma_wait3A_755 : memref<1x1280x32xf32, #tpu.memory_space<vmem>> -> memref<1280x32xf32, #tpu.memory_space<vmem>>
    %dma_wait3A_757 = arith.constant 15360 : i32
    %dma_wait3A_758 = tpu.memref_slice %arg5[%dma_wait3A_757] : memref<25600xi32, #tpu.memory_space<vmem>> -> memref<1280xi32, #tpu.memory_space<vmem>>
    %dma_wait3A_759 = arith.constant 0 : i32
    %dma_wait3A_760 = arith.constant 0 : i32
    %dma_wait3A_761 = tpu.memref_slice %arg2[%dma_wait3A_759, %dma_wait3A_760] : memref<1000000x32xf32, #tpu.memory_space<hbm>> -> memref<1000000x32xf32, #tpu.memory_space<hbm>>
    %dma_wait3A_762 = tpu.memref_slice %arg8[%dma_wait3A_752] : memref<2x!tpu.dma_semaphore, #tpu.memory_space<semaphore_mem>> -> memref<1x!tpu.dma_semaphore, #tpu.memory_space<semaphore_mem>>
    %dma_wait3A_763 = tpu.memref_squeeze %dma_wait3A_762 : memref<1x!tpu.dma_semaphore, #tpu.memory_space<semaphore_mem>> -> memref<!tpu.dma_semaphore, #tpu.memory_space<semaphore_mem>>
    tpu.wait_indirect_dma semaphore(%dma_wait3A_763 : memref<!tpu.dma_semaphore, #tpu.memory_space<semaphore_mem>>) src(%dma_wait3A_761 : memref<1000000x32xf32, #tpu.memory_space<hbm>>) dst(%dma_wait3A_756 : memref<1280x32xf32, #tpu.memory_space<vmem>>)
    %add3A_764 = arith.constant 15360 : i32
    %add3A_765 = arith.addi %mul3A_2, %add3A_764 : i32
    %dma_start3A_766 = arith.constant 0 : i32
    %dma_start3A_767 = arith.constant 0 : i32
    %dma_start3A_768 = arith.constant 0 : i32
    %dma_start3A_769 = arith.constant 0 : i32
    %dma_start3A_770 = tpu.memref_slice %arg6[%dma_start3A_766, %dma_start3A_768, %dma_start3A_769] : memref<2x1280x32xf32, #tpu.memory_space<vmem>> -> memref<1x1280x32xf32, #tpu.memory_space<vmem>>
    %dma_start3A_771 = tpu.memref_squeeze %dma_start3A_770 : memref<1x1280x32xf32, #tpu.memory_space<vmem>> -> memref<1280x32xf32, #tpu.memory_space<vmem>>
    %dma_start3A_772 = arith.constant 0 : i32
    %dma_start3A_773 = tpu.memref_slice %arg4[%add3A_765, %dma_start3A_772] : memref<819200x32xf32, #tpu.memory_space<hbm>> -> memref<1280x32xf32, #tpu.memory_space<hbm>>
    %dma_start3A_774 = tpu.memref_slice %arg9[%dma_start3A_767] : memref<2x!tpu.dma_semaphore, #tpu.memory_space<semaphore_mem>> -> memref<1x!tpu.dma_semaphore, #tpu.memory_space<semaphore_mem>>
    %dma_start3A_775 = tpu.memref_squeeze %dma_start3A_774 : memref<1x!tpu.dma_semaphore, #tpu.memory_space<semaphore_mem>> -> memref<!tpu.dma_semaphore, #tpu.memory_space<semaphore_mem>>
    %dma_start3A_776 = arith.constant 0 : i32
    %dma_start3A_777 = tpu.memref_slice %arg4[%add3A_765, %dma_start3A_776] : memref<819200x32xf32, #tpu.memory_space<hbm>> -> memref<1280x32xf32, #tpu.memory_space<hbm>>
    %dma_start3A_778 = arith.constant 0 : i32
    %dma_start3A_779 = arith.constant 0 : i32
    %dma_start3A_780 = tpu.memref_slice %arg6[%dma_start3A_766, %dma_start3A_778, %dma_start3A_779] : memref<2x1280x32xf32, #tpu.memory_space<vmem>> -> memref<1x1280x32xf32, #tpu.memory_space<vmem>>
    %dma_start3A_781 = tpu.memref_squeeze %dma_start3A_780 : memref<1x1280x32xf32, #tpu.memory_space<vmem>> -> memref<1280x32xf32, #tpu.memory_space<vmem>>
    tpu.enqueue_dma source(%dma_start3A_781 : memref<1280x32xf32, #tpu.memory_space<vmem>>) target(%dma_start3A_777 : memref<1280x32xf32, #tpu.memory_space<hbm>>) target_semaphore(%dma_start3A_775 : memref<!tpu.dma_semaphore, #tpu.memory_space<semaphore_mem>>)
    %dma_wait3A_782 = arith.constant 0 : i32
    %dma_wait3A_783 = arith.constant 0 : i32
    %dma_wait3A_784 = arith.constant 0 : i32
    %dma_wait3A_785 = arith.constant 0 : i32
    %dma_wait3A_786 = tpu.memref_slice %arg6[%dma_wait3A_782, %dma_wait3A_784, %dma_wait3A_785] : memref<2x1280x32xf32, #tpu.memory_space<vmem>> -> memref<1x1280x32xf32, #tpu.memory_space<vmem>>
    %dma_wait3A_787 = tpu.memref_squeeze %dma_wait3A_786 : memref<1x1280x32xf32, #tpu.memory_space<vmem>> -> memref<1280x32xf32, #tpu.memory_space<vmem>>
    %dma_wait3A_788 = arith.constant 0 : i32
    %dma_wait3A_789 = tpu.memref_slice %arg4[%add3A_765, %dma_wait3A_788] : memref<819200x32xf32, #tpu.memory_space<hbm>> -> memref<1280x32xf32, #tpu.memory_space<hbm>>
    %dma_wait3A_790 = tpu.memref_slice %arg9[%dma_wait3A_783] : memref<2x!tpu.dma_semaphore, #tpu.memory_space<semaphore_mem>> -> memref<1x!tpu.dma_semaphore, #tpu.memory_space<semaphore_mem>>
    %dma_wait3A_791 = tpu.memref_squeeze %dma_wait3A_790 : memref<1x!tpu.dma_semaphore, #tpu.memory_space<semaphore_mem>> -> memref<!tpu.dma_semaphore, #tpu.memory_space<semaphore_mem>>
    %dma_wait3A_792 = arith.constant 0 : i32
    %dma_wait3A_793 = tpu.memref_slice %arg4[%add3A_765, %dma_wait3A_792] : memref<819200x32xf32, #tpu.memory_space<hbm>> -> memref<1280x32xf32, #tpu.memory_space<hbm>>
    %dma_wait3A_794 = arith.constant 0 : i32
    %dma_wait3A_795 = arith.constant 0 : i32
    %dma_wait3A_796 = tpu.memref_slice %arg6[%dma_wait3A_782, %dma_wait3A_794, %dma_wait3A_795] : memref<2x1280x32xf32, #tpu.memory_space<vmem>> -> memref<1x1280x32xf32, #tpu.memory_space<vmem>>
    %dma_wait3A_797 = tpu.memref_squeeze %dma_wait3A_796 : memref<1x1280x32xf32, #tpu.memory_space<vmem>> -> memref<1280x32xf32, #tpu.memory_space<vmem>>
    tpu.wait_dma2 semaphore(%dma_wait3A_791 : memref<!tpu.dma_semaphore, #tpu.memory_space<semaphore_mem>>) src(%dma_wait3A_797 : memref<1280x32xf32, #tpu.memory_space<vmem>>) dst(%dma_wait3A_793 : memref<1280x32xf32, #tpu.memory_space<hbm>>)
    %dma_start3A_798 = arith.constant 0 : i32
    %dma_start3A_799 = arith.constant 0 : i32
    %dma_start3A_800 = arith.constant 0 : i32
    %dma_start3A_801 = arith.constant 0 : i32
    %dma_start3A_802 = tpu.memref_slice %arg6[%dma_start3A_798, %dma_start3A_800, %dma_start3A_801] : memref<2x1280x32xf32, #tpu.memory_space<vmem>> -> memref<1x1280x32xf32, #tpu.memory_space<vmem>>
    %dma_start3A_803 = tpu.memref_squeeze %dma_start3A_802 : memref<1x1280x32xf32, #tpu.memory_space<vmem>> -> memref<1280x32xf32, #tpu.memory_space<vmem>>
    %dma_start3A_804 = arith.constant 17920 : i32
    %dma_start3A_805 = tpu.memref_slice %arg5[%dma_start3A_804] : memref<25600xi32, #tpu.memory_space<vmem>> -> memref<1280xi32, #tpu.memory_space<vmem>>
    %dma_start3A_806 = arith.constant 0 : i32
    %dma_start3A_807 = arith.constant 0 : i32
    %dma_start3A_808 = tpu.memref_slice %arg2[%dma_start3A_806, %dma_start3A_807] : memref<1000000x32xf32, #tpu.memory_space<hbm>> -> memref<1000000x32xf32, #tpu.memory_space<hbm>>
    %dma_start3A_809 = tpu.memref_slice %arg8[%dma_start3A_799] : memref<2x!tpu.dma_semaphore, #tpu.memory_space<semaphore_mem>> -> memref<1x!tpu.dma_semaphore, #tpu.memory_space<semaphore_mem>>
    %dma_start3A_810 = tpu.memref_squeeze %dma_start3A_809 : memref<1x!tpu.dma_semaphore, #tpu.memory_space<semaphore_mem>> -> memref<!tpu.dma_semaphore, #tpu.memory_space<semaphore_mem>>
    tpu.enqueue_indirect_dma source(%dma_start3A_808 : memref<1000000x32xf32, #tpu.memory_space<hbm>>) target(%dma_start3A_803 : memref<1280x32xf32, #tpu.memory_space<vmem>>) offsets(%dma_start3A_805 : memref<1280xi32, #tpu.memory_space<vmem>>) semaphore(%dma_start3A_810 : memref<!tpu.dma_semaphore, #tpu.memory_space<semaphore_mem>>)
    %dma_wait3A_811 = arith.constant 1 : i32
    %dma_wait3A_812 = arith.constant 1 : i32
    %dma_wait3A_813 = arith.constant 0 : i32
    %dma_wait3A_814 = arith.constant 0 : i32
    %dma_wait3A_815 = tpu.memref_slice %arg6[%dma_wait3A_811, %dma_wait3A_813, %dma_wait3A_814] : memref<2x1280x32xf32, #tpu.memory_space<vmem>> -> memref<1x1280x32xf32, #tpu.memory_space<vmem>>
    %dma_wait3A_816 = tpu.memref_squeeze %dma_wait3A_815 : memref<1x1280x32xf32, #tpu.memory_space<vmem>> -> memref<1280x32xf32, #tpu.memory_space<vmem>>
    %dma_wait3A_817 = arith.constant 16640 : i32
    %dma_wait3A_818 = tpu.memref_slice %arg5[%dma_wait3A_817] : memref<25600xi32, #tpu.memory_space<vmem>> -> memref<1280xi32, #tpu.memory_space<vmem>>
    %dma_wait3A_819 = arith.constant 0 : i32
    %dma_wait3A_820 = arith.constant 0 : i32
    %dma_wait3A_821 = tpu.memref_slice %arg2[%dma_wait3A_819, %dma_wait3A_820] : memref<1000000x32xf32, #tpu.memory_space<hbm>> -> memref<1000000x32xf32, #tpu.memory_space<hbm>>
    %dma_wait3A_822 = tpu.memref_slice %arg8[%dma_wait3A_812] : memref<2x!tpu.dma_semaphore, #tpu.memory_space<semaphore_mem>> -> memref<1x!tpu.dma_semaphore, #tpu.memory_space<semaphore_mem>>
    %dma_wait3A_823 = tpu.memref_squeeze %dma_wait3A_822 : memref<1x!tpu.dma_semaphore, #tpu.memory_space<semaphore_mem>> -> memref<!tpu.dma_semaphore, #tpu.memory_space<semaphore_mem>>
    tpu.wait_indirect_dma semaphore(%dma_wait3A_823 : memref<!tpu.dma_semaphore, #tpu.memory_space<semaphore_mem>>) src(%dma_wait3A_821 : memref<1000000x32xf32, #tpu.memory_space<hbm>>) dst(%dma_wait3A_816 : memref<1280x32xf32, #tpu.memory_space<vmem>>)
    %add3A_824 = arith.constant 16640 : i32
    %add3A_825 = arith.addi %mul3A_2, %add3A_824 : i32
    %dma_start3A_826 = arith.constant 1 : i32
    %dma_start3A_827 = arith.constant 1 : i32
    %dma_start3A_828 = arith.constant 0 : i32
    %dma_start3A_829 = arith.constant 0 : i32
    %dma_start3A_830 = tpu.memref_slice %arg6[%dma_start3A_826, %dma_start3A_828, %dma_start3A_829] : memref<2x1280x32xf32, #tpu.memory_space<vmem>> -> memref<1x1280x32xf32, #tpu.memory_space<vmem>>
    %dma_start3A_831 = tpu.memref_squeeze %dma_start3A_830 : memref<1x1280x32xf32, #tpu.memory_space<vmem>> -> memref<1280x32xf32, #tpu.memory_space<vmem>>
    %dma_start3A_832 = arith.constant 0 : i32
    %dma_start3A_833 = tpu.memref_slice %arg4[%add3A_825, %dma_start3A_832] : memref<819200x32xf32, #tpu.memory_space<hbm>> -> memref<1280x32xf32, #tpu.memory_space<hbm>>
    %dma_start3A_834 = tpu.memref_slice %arg9[%dma_start3A_827] : memref<2x!tpu.dma_semaphore, #tpu.memory_space<semaphore_mem>> -> memref<1x!tpu.dma_semaphore, #tpu.memory_space<semaphore_mem>>
    %dma_start3A_835 = tpu.memref_squeeze %dma_start3A_834 : memref<1x!tpu.dma_semaphore, #tpu.memory_space<semaphore_mem>> -> memref<!tpu.dma_semaphore, #tpu.memory_space<semaphore_mem>>
    %dma_start3A_836 = arith.constant 0 : i32
    %dma_start3A_837 = tpu.memref_slice %arg4[%add3A_825, %dma_start3A_836] : memref<819200x32xf32, #tpu.memory_space<hbm>> -> memref<1280x32xf32, #tpu.memory_space<hbm>>
    %dma_start3A_838 = arith.constant 0 : i32
    %dma_start3A_839 = arith.constant 0 : i32
    %dma_start3A_840 = tpu.memref_slice %arg6[%dma_start3A_826, %dma_start3A_838, %dma_start3A_839] : memref<2x1280x32xf32, #tpu.memory_space<vmem>> -> memref<1x1280x32xf32, #tpu.memory_space<vmem>>
    %dma_start3A_841 = tpu.memref_squeeze %dma_start3A_840 : memref<1x1280x32xf32, #tpu.memory_space<vmem>> -> memref<1280x32xf32, #tpu.memory_space<vmem>>
    tpu.enqueue_dma source(%dma_start3A_841 : memref<1280x32xf32, #tpu.memory_space<vmem>>) target(%dma_start3A_837 : memref<1280x32xf32, #tpu.memory_space<hbm>>) target_semaphore(%dma_start3A_835 : memref<!tpu.dma_semaphore, #tpu.memory_space<semaphore_mem>>)
    %dma_wait3A_842 = arith.constant 1 : i32
    %dma_wait3A_843 = arith.constant 1 : i32
    %dma_wait3A_844 = arith.constant 0 : i32
    %dma_wait3A_845 = arith.constant 0 : i32
    %dma_wait3A_846 = tpu.memref_slice %arg6[%dma_wait3A_842, %dma_wait3A_844, %dma_wait3A_845] : memref<2x1280x32xf32, #tpu.memory_space<vmem>> -> memref<1x1280x32xf32, #tpu.memory_space<vmem>>
    %dma_wait3A_847 = tpu.memref_squeeze %dma_wait3A_846 : memref<1x1280x32xf32, #tpu.memory_space<vmem>> -> memref<1280x32xf32, #tpu.memory_space<vmem>>
    %dma_wait3A_848 = arith.constant 0 : i32
    %dma_wait3A_849 = tpu.memref_slice %arg4[%add3A_825, %dma_wait3A_848] : memref<819200x32xf32, #tpu.memory_space<hbm>> -> memref<1280x32xf32, #tpu.memory_space<hbm>>
    %dma_wait3A_850 = tpu.memref_slice %arg9[%dma_wait3A_843] : memref<2x!tpu.dma_semaphore, #tpu.memory_space<semaphore_mem>> -> memref<1x!tpu.dma_semaphore, #tpu.memory_space<semaphore_mem>>
    %dma_wait3A_851 = tpu.memref_squeeze %dma_wait3A_850 : memref<1x!tpu.dma_semaphore, #tpu.memory_space<semaphore_mem>> -> memref<!tpu.dma_semaphore, #tpu.memory_space<semaphore_mem>>
    %dma_wait3A_852 = arith.constant 0 : i32
    %dma_wait3A_853 = tpu.memref_slice %arg4[%add3A_825, %dma_wait3A_852] : memref<819200x32xf32, #tpu.memory_space<hbm>> -> memref<1280x32xf32, #tpu.memory_space<hbm>>
    %dma_wait3A_854 = arith.constant 0 : i32
    %dma_wait3A_855 = arith.constant 0 : i32
    %dma_wait3A_856 = tpu.memref_slice %arg6[%dma_wait3A_842, %dma_wait3A_854, %dma_wait3A_855] : memref<2x1280x32xf32, #tpu.memory_space<vmem>> -> memref<1x1280x32xf32, #tpu.memory_space<vmem>>
    %dma_wait3A_857 = tpu.memref_squeeze %dma_wait3A_856 : memref<1x1280x32xf32, #tpu.memory_space<vmem>> -> memref<1280x32xf32, #tpu.memory_space<vmem>>
    tpu.wait_dma2 semaphore(%dma_wait3A_851 : memref<!tpu.dma_semaphore, #tpu.memory_space<semaphore_mem>>) src(%dma_wait3A_857 : memref<1280x32xf32, #tpu.memory_space<vmem>>) dst(%dma_wait3A_853 : memref<1280x32xf32, #tpu.memory_space<hbm>>)
    %dma_start3A_858 = arith.constant 1 : i32
    %dma_start3A_859 = arith.constant 1 : i32
    %dma_start3A_860 = arith.constant 0 : i32
    %dma_start3A_861 = arith.constant 0 : i32
    %dma_start3A_862 = tpu.memref_slice %arg6[%dma_start3A_858, %dma_start3A_860, %dma_start3A_861] : memref<2x1280x32xf32, #tpu.memory_space<vmem>> -> memref<1x1280x32xf32, #tpu.memory_space<vmem>>
    %dma_start3A_863 = tpu.memref_squeeze %dma_start3A_862 : memref<1x1280x32xf32, #tpu.memory_space<vmem>> -> memref<1280x32xf32, #tpu.memory_space<vmem>>
    %dma_start3A_864 = arith.constant 19200 : i32
    %dma_start3A_865 = tpu.memref_slice %arg5[%dma_start3A_864] : memref<25600xi32, #tpu.memory_space<vmem>> -> memref<1280xi32, #tpu.memory_space<vmem>>
    %dma_start3A_866 = arith.constant 0 : i32
    %dma_start3A_867 = arith.constant 0 : i32
    %dma_start3A_868 = tpu.memref_slice %arg2[%dma_start3A_866, %dma_start3A_867] : memref<1000000x32xf32, #tpu.memory_space<hbm>> -> memref<1000000x32xf32, #tpu.memory_space<hbm>>
    %dma_start3A_869 = tpu.memref_slice %arg8[%dma_start3A_859] : memref<2x!tpu.dma_semaphore, #tpu.memory_space<semaphore_mem>> -> memref<1x!tpu.dma_semaphore, #tpu.memory_space<semaphore_mem>>
    %dma_start3A_870 = tpu.memref_squeeze %dma_start3A_869 : memref<1x!tpu.dma_semaphore, #tpu.memory_space<semaphore_mem>> -> memref<!tpu.dma_semaphore, #tpu.memory_space<semaphore_mem>>
    tpu.enqueue_indirect_dma source(%dma_start3A_868 : memref<1000000x32xf32, #tpu.memory_space<hbm>>) target(%dma_start3A_863 : memref<1280x32xf32, #tpu.memory_space<vmem>>) offsets(%dma_start3A_865 : memref<1280xi32, #tpu.memory_space<vmem>>) semaphore(%dma_start3A_870 : memref<!tpu.dma_semaphore, #tpu.memory_space<semaphore_mem>>)
    %dma_wait3A_871 = arith.constant 0 : i32
    %dma_wait3A_872 = arith.constant 0 : i32
    %dma_wait3A_873 = arith.constant 0 : i32
    %dma_wait3A_874 = arith.constant 0 : i32
    %dma_wait3A_875 = tpu.memref_slice %arg6[%dma_wait3A_871, %dma_wait3A_873, %dma_wait3A_874] : memref<2x1280x32xf32, #tpu.memory_space<vmem>> -> memref<1x1280x32xf32, #tpu.memory_space<vmem>>
    %dma_wait3A_876 = tpu.memref_squeeze %dma_wait3A_875 : memref<1x1280x32xf32, #tpu.memory_space<vmem>> -> memref<1280x32xf32, #tpu.memory_space<vmem>>
    %dma_wait3A_877 = arith.constant 17920 : i32
    %dma_wait3A_878 = tpu.memref_slice %arg5[%dma_wait3A_877] : memref<25600xi32, #tpu.memory_space<vmem>> -> memref<1280xi32, #tpu.memory_space<vmem>>
    %dma_wait3A_879 = arith.constant 0 : i32
    %dma_wait3A_880 = arith.constant 0 : i32
    %dma_wait3A_881 = tpu.memref_slice %arg2[%dma_wait3A_879, %dma_wait3A_880] : memref<1000000x32xf32, #tpu.memory_space<hbm>> -> memref<1000000x32xf32, #tpu.memory_space<hbm>>
    %dma_wait3A_882 = tpu.memref_slice %arg8[%dma_wait3A_872] : memref<2x!tpu.dma_semaphore, #tpu.memory_space<semaphore_mem>> -> memref<1x!tpu.dma_semaphore, #tpu.memory_space<semaphore_mem>>
    %dma_wait3A_883 = tpu.memref_squeeze %dma_wait3A_882 : memref<1x!tpu.dma_semaphore, #tpu.memory_space<semaphore_mem>> -> memref<!tpu.dma_semaphore, #tpu.memory_space<semaphore_mem>>
    tpu.wait_indirect_dma semaphore(%dma_wait3A_883 : memref<!tpu.dma_semaphore, #tpu.memory_space<semaphore_mem>>) src(%dma_wait3A_881 : memref<1000000x32xf32, #tpu.memory_space<hbm>>) dst(%dma_wait3A_876 : memref<1280x32xf32, #tpu.memory_space<vmem>>)
    %add3A_884 = arith.constant 17920 : i32
    %add3A_885 = arith.addi %mul3A_2, %add3A_884 : i32
    %dma_start3A_886 = arith.constant 0 : i32
    %dma_start3A_887 = arith.constant 0 : i32
    %dma_start3A_888 = arith.constant 0 : i32
    %dma_start3A_889 = arith.constant 0 : i32
    %dma_start3A_890 = tpu.memref_slice %arg6[%dma_start3A_886, %dma_start3A_888, %dma_start3A_889] : memref<2x1280x32xf32, #tpu.memory_space<vmem>> -> memref<1x1280x32xf32, #tpu.memory_space<vmem>>
    %dma_start3A_891 = tpu.memref_squeeze %dma_start3A_890 : memref<1x1280x32xf32, #tpu.memory_space<vmem>> -> memref<1280x32xf32, #tpu.memory_space<vmem>>
    %dma_start3A_892 = arith.constant 0 : i32
    %dma_start3A_893 = tpu.memref_slice %arg4[%add3A_885, %dma_start3A_892] : memref<819200x32xf32, #tpu.memory_space<hbm>> -> memref<1280x32xf32, #tpu.memory_space<hbm>>
    %dma_start3A_894 = tpu.memref_slice %arg9[%dma_start3A_887] : memref<2x!tpu.dma_semaphore, #tpu.memory_space<semaphore_mem>> -> memref<1x!tpu.dma_semaphore, #tpu.memory_space<semaphore_mem>>
    %dma_start3A_895 = tpu.memref_squeeze %dma_start3A_894 : memref<1x!tpu.dma_semaphore, #tpu.memory_space<semaphore_mem>> -> memref<!tpu.dma_semaphore, #tpu.memory_space<semaphore_mem>>
    %dma_start3A_896 = arith.constant 0 : i32
    %dma_start3A_897 = tpu.memref_slice %arg4[%add3A_885, %dma_start3A_896] : memref<819200x32xf32, #tpu.memory_space<hbm>> -> memref<1280x32xf32, #tpu.memory_space<hbm>>
    %dma_start3A_898 = arith.constant 0 : i32
    %dma_start3A_899 = arith.constant 0 : i32
    %dma_start3A_900 = tpu.memref_slice %arg6[%dma_start3A_886, %dma_start3A_898, %dma_start3A_899] : memref<2x1280x32xf32, #tpu.memory_space<vmem>> -> memref<1x1280x32xf32, #tpu.memory_space<vmem>>
    %dma_start3A_901 = tpu.memref_squeeze %dma_start3A_900 : memref<1x1280x32xf32, #tpu.memory_space<vmem>> -> memref<1280x32xf32, #tpu.memory_space<vmem>>
    tpu.enqueue_dma source(%dma_start3A_901 : memref<1280x32xf32, #tpu.memory_space<vmem>>) target(%dma_start3A_897 : memref<1280x32xf32, #tpu.memory_space<hbm>>) target_semaphore(%dma_start3A_895 : memref<!tpu.dma_semaphore, #tpu.memory_space<semaphore_mem>>)
    %dma_wait3A_902 = arith.constant 0 : i32
    %dma_wait3A_903 = arith.constant 0 : i32
    %dma_wait3A_904 = arith.constant 0 : i32
    %dma_wait3A_905 = arith.constant 0 : i32
    %dma_wait3A_906 = tpu.memref_slice %arg6[%dma_wait3A_902, %dma_wait3A_904, %dma_wait3A_905] : memref<2x1280x32xf32, #tpu.memory_space<vmem>> -> memref<1x1280x32xf32, #tpu.memory_space<vmem>>
    %dma_wait3A_907 = tpu.memref_squeeze %dma_wait3A_906 : memref<1x1280x32xf32, #tpu.memory_space<vmem>> -> memref<1280x32xf32, #tpu.memory_space<vmem>>
    %dma_wait3A_908 = arith.constant 0 : i32
    %dma_wait3A_909 = tpu.memref_slice %arg4[%add3A_885, %dma_wait3A_908] : memref<819200x32xf32, #tpu.memory_space<hbm>> -> memref<1280x32xf32, #tpu.memory_space<hbm>>
    %dma_wait3A_910 = tpu.memref_slice %arg9[%dma_wait3A_903] : memref<2x!tpu.dma_semaphore, #tpu.memory_space<semaphore_mem>> -> memref<1x!tpu.dma_semaphore, #tpu.memory_space<semaphore_mem>>
    %dma_wait3A_911 = tpu.memref_squeeze %dma_wait3A_910 : memref<1x!tpu.dma_semaphore, #tpu.memory_space<semaphore_mem>> -> memref<!tpu.dma_semaphore, #tpu.memory_space<semaphore_mem>>
    %dma_wait3A_912 = arith.constant 0 : i32
    %dma_wait3A_913 = tpu.memref_slice %arg4[%add3A_885, %dma_wait3A_912] : memref<819200x32xf32, #tpu.memory_space<hbm>> -> memref<1280x32xf32, #tpu.memory_space<hbm>>
    %dma_wait3A_914 = arith.constant 0 : i32
    %dma_wait3A_915 = arith.constant 0 : i32
    %dma_wait3A_916 = tpu.memref_slice %arg6[%dma_wait3A_902, %dma_wait3A_914, %dma_wait3A_915] : memref<2x1280x32xf32, #tpu.memory_space<vmem>> -> memref<1x1280x32xf32, #tpu.memory_space<vmem>>
    %dma_wait3A_917 = tpu.memref_squeeze %dma_wait3A_916 : memref<1x1280x32xf32, #tpu.memory_space<vmem>> -> memref<1280x32xf32, #tpu.memory_space<vmem>>
    tpu.wait_dma2 semaphore(%dma_wait3A_911 : memref<!tpu.dma_semaphore, #tpu.memory_space<semaphore_mem>>) src(%dma_wait3A_917 : memref<1280x32xf32, #tpu.memory_space<vmem>>) dst(%dma_wait3A_913 : memref<1280x32xf32, #tpu.memory_space<hbm>>)
    %dma_start3A_918 = arith.constant 0 : i32
    %dma_start3A_919 = arith.constant 0 : i32
    %dma_start3A_920 = arith.constant 0 : i32
    %dma_start3A_921 = arith.constant 0 : i32
    %dma_start3A_922 = tpu.memref_slice %arg6[%dma_start3A_918, %dma_start3A_920, %dma_start3A_921] : memref<2x1280x32xf32, #tpu.memory_space<vmem>> -> memref<1x1280x32xf32, #tpu.memory_space<vmem>>
    %dma_start3A_923 = tpu.memref_squeeze %dma_start3A_922 : memref<1x1280x32xf32, #tpu.memory_space<vmem>> -> memref<1280x32xf32, #tpu.memory_space<vmem>>
    %dma_start3A_924 = arith.constant 20480 : i32
    %dma_start3A_925 = tpu.memref_slice %arg5[%dma_start3A_924] : memref<25600xi32, #tpu.memory_space<vmem>> -> memref<1280xi32, #tpu.memory_space<vmem>>
    %dma_start3A_926 = arith.constant 0 : i32
    %dma_start3A_927 = arith.constant 0 : i32
    %dma_start3A_928 = tpu.memref_slice %arg2[%dma_start3A_926, %dma_start3A_927] : memref<1000000x32xf32, #tpu.memory_space<hbm>> -> memref<1000000x32xf32, #tpu.memory_space<hbm>>
    %dma_start3A_929 = tpu.memref_slice %arg8[%dma_start3A_919] : memref<2x!tpu.dma_semaphore, #tpu.memory_space<semaphore_mem>> -> memref<1x!tpu.dma_semaphore, #tpu.memory_space<semaphore_mem>>
    %dma_start3A_930 = tpu.memref_squeeze %dma_start3A_929 : memref<1x!tpu.dma_semaphore, #tpu.memory_space<semaphore_mem>> -> memref<!tpu.dma_semaphore, #tpu.memory_space<semaphore_mem>>
    tpu.enqueue_indirect_dma source(%dma_start3A_928 : memref<1000000x32xf32, #tpu.memory_space<hbm>>) target(%dma_start3A_923 : memref<1280x32xf32, #tpu.memory_space<vmem>>) offsets(%dma_start3A_925 : memref<1280xi32, #tpu.memory_space<vmem>>) semaphore(%dma_start3A_930 : memref<!tpu.dma_semaphore, #tpu.memory_space<semaphore_mem>>)
    %dma_wait3A_931 = arith.constant 1 : i32
    %dma_wait3A_932 = arith.constant 1 : i32
    %dma_wait3A_933 = arith.constant 0 : i32
    %dma_wait3A_934 = arith.constant 0 : i32
    %dma_wait3A_935 = tpu.memref_slice %arg6[%dma_wait3A_931, %dma_wait3A_933, %dma_wait3A_934] : memref<2x1280x32xf32, #tpu.memory_space<vmem>> -> memref<1x1280x32xf32, #tpu.memory_space<vmem>>
    %dma_wait3A_936 = tpu.memref_squeeze %dma_wait3A_935 : memref<1x1280x32xf32, #tpu.memory_space<vmem>> -> memref<1280x32xf32, #tpu.memory_space<vmem>>
    %dma_wait3A_937 = arith.constant 19200 : i32
    %dma_wait3A_938 = tpu.memref_slice %arg5[%dma_wait3A_937] : memref<25600xi32, #tpu.memory_space<vmem>> -> memref<1280xi32, #tpu.memory_space<vmem>>
    %dma_wait3A_939 = arith.constant 0 : i32
    %dma_wait3A_940 = arith.constant 0 : i32
    %dma_wait3A_941 = tpu.memref_slice %arg2[%dma_wait3A_939, %dma_wait3A_940] : memref<1000000x32xf32, #tpu.memory_space<hbm>> -> memref<1000000x32xf32, #tpu.memory_space<hbm>>
    %dma_wait3A_942 = tpu.memref_slice %arg8[%dma_wait3A_932] : memref<2x!tpu.dma_semaphore, #tpu.memory_space<semaphore_mem>> -> memref<1x!tpu.dma_semaphore, #tpu.memory_space<semaphore_mem>>
    %dma_wait3A_943 = tpu.memref_squeeze %dma_wait3A_942 : memref<1x!tpu.dma_semaphore, #tpu.memory_space<semaphore_mem>> -> memref<!tpu.dma_semaphore, #tpu.memory_space<semaphore_mem>>
    tpu.wait_indirect_dma semaphore(%dma_wait3A_943 : memref<!tpu.dma_semaphore, #tpu.memory_space<semaphore_mem>>) src(%dma_wait3A_941 : memref<1000000x32xf32, #tpu.memory_space<hbm>>) dst(%dma_wait3A_936 : memref<1280x32xf32, #tpu.memory_space<vmem>>)
    %add3A_944 = arith.constant 19200 : i32
    %add3A_945 = arith.addi %mul3A_2, %add3A_944 : i32
    %dma_start3A_946 = arith.constant 1 : i32
    %dma_start3A_947 = arith.constant 1 : i32
    %dma_start3A_948 = arith.constant 0 : i32
    %dma_start3A_949 = arith.constant 0 : i32
    %dma_start3A_950 = tpu.memref_slice %arg6[%dma_start3A_946, %dma_start3A_948, %dma_start3A_949] : memref<2x1280x32xf32, #tpu.memory_space<vmem>> -> memref<1x1280x32xf32, #tpu.memory_space<vmem>>
    %dma_start3A_951 = tpu.memref_squeeze %dma_start3A_950 : memref<1x1280x32xf32, #tpu.memory_space<vmem>> -> memref<1280x32xf32, #tpu.memory_space<vmem>>
    %dma_start3A_952 = arith.constant 0 : i32
    %dma_start3A_953 = tpu.memref_slice %arg4[%add3A_945, %dma_start3A_952] : memref<819200x32xf32, #tpu.memory_space<hbm>> -> memref<1280x32xf32, #tpu.memory_space<hbm>>
    %dma_start3A_954 = tpu.memref_slice %arg9[%dma_start3A_947] : memref<2x!tpu.dma_semaphore, #tpu.memory_space<semaphore_mem>> -> memref<1x!tpu.dma_semaphore, #tpu.memory_space<semaphore_mem>>
    %dma_start3A_955 = tpu.memref_squeeze %dma_start3A_954 : memref<1x!tpu.dma_semaphore, #tpu.memory_space<semaphore_mem>> -> memref<!tpu.dma_semaphore, #tpu.memory_space<semaphore_mem>>
    %dma_start3A_956 = arith.constant 0 : i32
    %dma_start3A_957 = tpu.memref_slice %arg4[%add3A_945, %dma_start3A_956] : memref<819200x32xf32, #tpu.memory_space<hbm>> -> memref<1280x32xf32, #tpu.memory_space<hbm>>
    %dma_start3A_958 = arith.constant 0 : i32
    %dma_start3A_959 = arith.constant 0 : i32
    %dma_start3A_960 = tpu.memref_slice %arg6[%dma_start3A_946, %dma_start3A_958, %dma_start3A_959] : memref<2x1280x32xf32, #tpu.memory_space<vmem>> -> memref<1x1280x32xf32, #tpu.memory_space<vmem>>
    %dma_start3A_961 = tpu.memref_squeeze %dma_start3A_960 : memref<1x1280x32xf32, #tpu.memory_space<vmem>> -> memref<1280x32xf32, #tpu.memory_space<vmem>>
    tpu.enqueue_dma source(%dma_start3A_961 : memref<1280x32xf32, #tpu.memory_space<vmem>>) target(%dma_start3A_957 : memref<1280x32xf32, #tpu.memory_space<hbm>>) target_semaphore(%dma_start3A_955 : memref<!tpu.dma_semaphore, #tpu.memory_space<semaphore_mem>>)
    %dma_wait3A_962 = arith.constant 1 : i32
    %dma_wait3A_963 = arith.constant 1 : i32
    %dma_wait3A_964 = arith.constant 0 : i32
    %dma_wait3A_965 = arith.constant 0 : i32
    %dma_wait3A_966 = tpu.memref_slice %arg6[%dma_wait3A_962, %dma_wait3A_964, %dma_wait3A_965] : memref<2x1280x32xf32, #tpu.memory_space<vmem>> -> memref<1x1280x32xf32, #tpu.memory_space<vmem>>
    %dma_wait3A_967 = tpu.memref_squeeze %dma_wait3A_966 : memref<1x1280x32xf32, #tpu.memory_space<vmem>> -> memref<1280x32xf32, #tpu.memory_space<vmem>>
    %dma_wait3A_968 = arith.constant 0 : i32
    %dma_wait3A_969 = tpu.memref_slice %arg4[%add3A_945, %dma_wait3A_968] : memref<819200x32xf32, #tpu.memory_space<hbm>> -> memref<1280x32xf32, #tpu.memory_space<hbm>>
    %dma_wait3A_970 = tpu.memref_slice %arg9[%dma_wait3A_963] : memref<2x!tpu.dma_semaphore, #tpu.memory_space<semaphore_mem>> -> memref<1x!tpu.dma_semaphore, #tpu.memory_space<semaphore_mem>>
    %dma_wait3A_971 = tpu.memref_squeeze %dma_wait3A_970 : memref<1x!tpu.dma_semaphore, #tpu.memory_space<semaphore_mem>> -> memref<!tpu.dma_semaphore, #tpu.memory_space<semaphore_mem>>
    %dma_wait3A_972 = arith.constant 0 : i32
    %dma_wait3A_973 = tpu.memref_slice %arg4[%add3A_945, %dma_wait3A_972] : memref<819200x32xf32, #tpu.memory_space<hbm>> -> memref<1280x32xf32, #tpu.memory_space<hbm>>
    %dma_wait3A_974 = arith.constant 0 : i32
    %dma_wait3A_975 = arith.constant 0 : i32
    %dma_wait3A_976 = tpu.memref_slice %arg6[%dma_wait3A_962, %dma_wait3A_974, %dma_wait3A_975] : memref<2x1280x32xf32, #tpu.memory_space<vmem>> -> memref<1x1280x32xf32, #tpu.memory_space<vmem>>
    %dma_wait3A_977 = tpu.memref_squeeze %dma_wait3A_976 : memref<1x1280x32xf32, #tpu.memory_space<vmem>> -> memref<1280x32xf32, #tpu.memory_space<vmem>>
    tpu.wait_dma2 semaphore(%dma_wait3A_971 : memref<!tpu.dma_semaphore, #tpu.memory_space<semaphore_mem>>) src(%dma_wait3A_977 : memref<1280x32xf32, #tpu.memory_space<vmem>>) dst(%dma_wait3A_973 : memref<1280x32xf32, #tpu.memory_space<hbm>>)
    %dma_start3A_978 = arith.constant 1 : i32
    %dma_start3A_979 = arith.constant 1 : i32
    %dma_start3A_980 = arith.constant 0 : i32
    %dma_start3A_981 = arith.constant 0 : i32
    %dma_start3A_982 = tpu.memref_slice %arg6[%dma_start3A_978, %dma_start3A_980, %dma_start3A_981] : memref<2x1280x32xf32, #tpu.memory_space<vmem>> -> memref<1x1280x32xf32, #tpu.memory_space<vmem>>
    %dma_start3A_983 = tpu.memref_squeeze %dma_start3A_982 : memref<1x1280x32xf32, #tpu.memory_space<vmem>> -> memref<1280x32xf32, #tpu.memory_space<vmem>>
    %dma_start3A_984 = arith.constant 21760 : i32
    %dma_start3A_985 = tpu.memref_slice %arg5[%dma_start3A_984] : memref<25600xi32, #tpu.memory_space<vmem>> -> memref<1280xi32, #tpu.memory_space<vmem>>
    %dma_start3A_986 = arith.constant 0 : i32
    %dma_start3A_987 = arith.constant 0 : i32
    %dma_start3A_988 = tpu.memref_slice %arg2[%dma_start3A_986, %dma_start3A_987] : memref<1000000x32xf32, #tpu.memory_space<hbm>> -> memref<1000000x32xf32, #tpu.memory_space<hbm>>
    %dma_start3A_989 = tpu.memref_slice %arg8[%dma_start3A_979] : memref<2x!tpu.dma_semaphore, #tpu.memory_space<semaphore_mem>> -> memref<1x!tpu.dma_semaphore, #tpu.memory_space<semaphore_mem>>
    %dma_start3A_990 = tpu.memref_squeeze %dma_start3A_989 : memref<1x!tpu.dma_semaphore, #tpu.memory_space<semaphore_mem>> -> memref<!tpu.dma_semaphore, #tpu.memory_space<semaphore_mem>>
    tpu.enqueue_indirect_dma source(%dma_start3A_988 : memref<1000000x32xf32, #tpu.memory_space<hbm>>) target(%dma_start3A_983 : memref<1280x32xf32, #tpu.memory_space<vmem>>) offsets(%dma_start3A_985 : memref<1280xi32, #tpu.memory_space<vmem>>) semaphore(%dma_start3A_990 : memref<!tpu.dma_semaphore, #tpu.memory_space<semaphore_mem>>)
    %dma_wait3A_991 = arith.constant 0 : i32
    %dma_wait3A_992 = arith.constant 0 : i32
    %dma_wait3A_993 = arith.constant 0 : i32
    %dma_wait3A_994 = arith.constant 0 : i32
    %dma_wait3A_995 = tpu.memref_slice %arg6[%dma_wait3A_991, %dma_wait3A_993, %dma_wait3A_994] : memref<2x1280x32xf32, #tpu.memory_space<vmem>> -> memref<1x1280x32xf32, #tpu.memory_space<vmem>>
    %dma_wait3A_996 = tpu.memref_squeeze %dma_wait3A_995 : memref<1x1280x32xf32, #tpu.memory_space<vmem>> -> memref<1280x32xf32, #tpu.memory_space<vmem>>
    %dma_wait3A_997 = arith.constant 20480 : i32
    %dma_wait3A_998 = tpu.memref_slice %arg5[%dma_wait3A_997] : memref<25600xi32, #tpu.memory_space<vmem>> -> memref<1280xi32, #tpu.memory_space<vmem>>
    %dma_wait3A_999 = arith.constant 0 : i32
    %dma_wait3A_1000 = arith.constant 0 : i32
    %dma_wait3A_1001 = tpu.memref_slice %arg2[%dma_wait3A_999, %dma_wait3A_1000] : memref<1000000x32xf32, #tpu.memory_space<hbm>> -> memref<1000000x32xf32, #tpu.memory_space<hbm>>
    %dma_wait3A_1002 = tpu.memref_slice %arg8[%dma_wait3A_992] : memref<2x!tpu.dma_semaphore, #tpu.memory_space<semaphore_mem>> -> memref<1x!tpu.dma_semaphore, #tpu.memory_space<semaphore_mem>>
    %dma_wait3A_1003 = tpu.memref_squeeze %dma_wait3A_1002 : memref<1x!tpu.dma_semaphore, #tpu.memory_space<semaphore_mem>> -> memref<!tpu.dma_semaphore, #tpu.memory_space<semaphore_mem>>
    tpu.wait_indirect_dma semaphore(%dma_wait3A_1003 : memref<!tpu.dma_semaphore, #tpu.memory_space<semaphore_mem>>) src(%dma_wait3A_1001 : memref<1000000x32xf32, #tpu.memory_space<hbm>>) dst(%dma_wait3A_996 : memref<1280x32xf32, #tpu.memory_space<vmem>>)
    %add3A_1004 = arith.constant 20480 : i32
    %add3A_1005 = arith.addi %mul3A_2, %add3A_1004 : i32
    %dma_start3A_1006 = arith.constant 0 : i32
    %dma_start3A_1007 = arith.constant 0 : i32
    %dma_start3A_1008 = arith.constant 0 : i32
    %dma_start3A_1009 = arith.constant 0 : i32
    %dma_start3A_1010 = tpu.memref_slice %arg6[%dma_start3A_1006, %dma_start3A_1008, %dma_start3A_1009] : memref<2x1280x32xf32, #tpu.memory_space<vmem>> -> memref<1x1280x32xf32, #tpu.memory_space<vmem>>
    %dma_start3A_1011 = tpu.memref_squeeze %dma_start3A_1010 : memref<1x1280x32xf32, #tpu.memory_space<vmem>> -> memref<1280x32xf32, #tpu.memory_space<vmem>>
    %dma_start3A_1012 = arith.constant 0 : i32
    %dma_start3A_1013 = tpu.memref_slice %arg4[%add3A_1005, %dma_start3A_1012] : memref<819200x32xf32, #tpu.memory_space<hbm>> -> memref<1280x32xf32, #tpu.memory_space<hbm>>
    %dma_start3A_1014 = tpu.memref_slice %arg9[%dma_start3A_1007] : memref<2x!tpu.dma_semaphore, #tpu.memory_space<semaphore_mem>> -> memref<1x!tpu.dma_semaphore, #tpu.memory_space<semaphore_mem>>
    %dma_start3A_1015 = tpu.memref_squeeze %dma_start3A_1014 : memref<1x!tpu.dma_semaphore, #tpu.memory_space<semaphore_mem>> -> memref<!tpu.dma_semaphore, #tpu.memory_space<semaphore_mem>>
    %dma_start3A_1016 = arith.constant 0 : i32
    %dma_start3A_1017 = tpu.memref_slice %arg4[%add3A_1005, %dma_start3A_1016] : memref<819200x32xf32, #tpu.memory_space<hbm>> -> memref<1280x32xf32, #tpu.memory_space<hbm>>
    %dma_start3A_1018 = arith.constant 0 : i32
    %dma_start3A_1019 = arith.constant 0 : i32
    %dma_start3A_1020 = tpu.memref_slice %arg6[%dma_start3A_1006, %dma_start3A_1018, %dma_start3A_1019] : memref<2x1280x32xf32, #tpu.memory_space<vmem>> -> memref<1x1280x32xf32, #tpu.memory_space<vmem>>
    %dma_start3A_1021 = tpu.memref_squeeze %dma_start3A_1020 : memref<1x1280x32xf32, #tpu.memory_space<vmem>> -> memref<1280x32xf32, #tpu.memory_space<vmem>>
    tpu.enqueue_dma source(%dma_start3A_1021 : memref<1280x32xf32, #tpu.memory_space<vmem>>) target(%dma_start3A_1017 : memref<1280x32xf32, #tpu.memory_space<hbm>>) target_semaphore(%dma_start3A_1015 : memref<!tpu.dma_semaphore, #tpu.memory_space<semaphore_mem>>)
    %dma_wait3A_1022 = arith.constant 0 : i32
    %dma_wait3A_1023 = arith.constant 0 : i32
    %dma_wait3A_1024 = arith.constant 0 : i32
    %dma_wait3A_1025 = arith.constant 0 : i32
    %dma_wait3A_1026 = tpu.memref_slice %arg6[%dma_wait3A_1022, %dma_wait3A_1024, %dma_wait3A_1025] : memref<2x1280x32xf32, #tpu.memory_space<vmem>> -> memref<1x1280x32xf32, #tpu.memory_space<vmem>>
    %dma_wait3A_1027 = tpu.memref_squeeze %dma_wait3A_1026 : memref<1x1280x32xf32, #tpu.memory_space<vmem>> -> memref<1280x32xf32, #tpu.memory_space<vmem>>
    %dma_wait3A_1028 = arith.constant 0 : i32
    %dma_wait3A_1029 = tpu.memref_slice %arg4[%add3A_1005, %dma_wait3A_1028] : memref<819200x32xf32, #tpu.memory_space<hbm>> -> memref<1280x32xf32, #tpu.memory_space<hbm>>
    %dma_wait3A_1030 = tpu.memref_slice %arg9[%dma_wait3A_1023] : memref<2x!tpu.dma_semaphore, #tpu.memory_space<semaphore_mem>> -> memref<1x!tpu.dma_semaphore, #tpu.memory_space<semaphore_mem>>
    %dma_wait3A_1031 = tpu.memref_squeeze %dma_wait3A_1030 : memref<1x!tpu.dma_semaphore, #tpu.memory_space<semaphore_mem>> -> memref<!tpu.dma_semaphore, #tpu.memory_space<semaphore_mem>>
    %dma_wait3A_1032 = arith.constant 0 : i32
    %dma_wait3A_1033 = tpu.memref_slice %arg4[%add3A_1005, %dma_wait3A_1032] : memref<819200x32xf32, #tpu.memory_space<hbm>> -> memref<1280x32xf32, #tpu.memory_space<hbm>>
    %dma_wait3A_1034 = arith.constant 0 : i32
    %dma_wait3A_1035 = arith.constant 0 : i32
    %dma_wait3A_1036 = tpu.memref_slice %arg6[%dma_wait3A_1022, %dma_wait3A_1034, %dma_wait3A_1035] : memref<2x1280x32xf32, #tpu.memory_space<vmem>> -> memref<1x1280x32xf32, #tpu.memory_space<vmem>>
    %dma_wait3A_1037 = tpu.memref_squeeze %dma_wait3A_1036 : memref<1x1280x32xf32, #tpu.memory_space<vmem>> -> memref<1280x32xf32, #tpu.memory_space<vmem>>
    tpu.wait_dma2 semaphore(%dma_wait3A_1031 : memref<!tpu.dma_semaphore, #tpu.memory_space<semaphore_mem>>) src(%dma_wait3A_1037 : memref<1280x32xf32, #tpu.memory_space<vmem>>) dst(%dma_wait3A_1033 : memref<1280x32xf32, #tpu.memory_space<hbm>>)
    %dma_start3A_1038 = arith.constant 0 : i32
    %dma_start3A_1039 = arith.constant 0 : i32
    %dma_start3A_1040 = arith.constant 0 : i32
    %dma_start3A_1041 = arith.constant 0 : i32
    %dma_start3A_1042 = tpu.memref_slice %arg6[%dma_start3A_1038, %dma_start3A_1040, %dma_start3A_1041] : memref<2x1280x32xf32, #tpu.memory_space<vmem>> -> memref<1x1280x32xf32, #tpu.memory_space<vmem>>
    %dma_start3A_1043 = tpu.memref_squeeze %dma_start3A_1042 : memref<1x1280x32xf32, #tpu.memory_space<vmem>> -> memref<1280x32xf32, #tpu.memory_space<vmem>>
    %dma_start3A_1044 = arith.constant 23040 : i32
    %dma_start3A_1045 = tpu.memref_slice %arg5[%dma_start3A_1044] : memref<25600xi32, #tpu.memory_space<vmem>> -> memref<1280xi32, #tpu.memory_space<vmem>>
    %dma_start3A_1046 = arith.constant 0 : i32
    %dma_start3A_1047 = arith.constant 0 : i32
    %dma_start3A_1048 = tpu.memref_slice %arg2[%dma_start3A_1046, %dma_start3A_1047] : memref<1000000x32xf32, #tpu.memory_space<hbm>> -> memref<1000000x32xf32, #tpu.memory_space<hbm>>
    %dma_start3A_1049 = tpu.memref_slice %arg8[%dma_start3A_1039] : memref<2x!tpu.dma_semaphore, #tpu.memory_space<semaphore_mem>> -> memref<1x!tpu.dma_semaphore, #tpu.memory_space<semaphore_mem>>
    %dma_start3A_1050 = tpu.memref_squeeze %dma_start3A_1049 : memref<1x!tpu.dma_semaphore, #tpu.memory_space<semaphore_mem>> -> memref<!tpu.dma_semaphore, #tpu.memory_space<semaphore_mem>>
    tpu.enqueue_indirect_dma source(%dma_start3A_1048 : memref<1000000x32xf32, #tpu.memory_space<hbm>>) target(%dma_start3A_1043 : memref<1280x32xf32, #tpu.memory_space<vmem>>) offsets(%dma_start3A_1045 : memref<1280xi32, #tpu.memory_space<vmem>>) semaphore(%dma_start3A_1050 : memref<!tpu.dma_semaphore, #tpu.memory_space<semaphore_mem>>)
    %dma_wait3A_1051 = arith.constant 1 : i32
    %dma_wait3A_1052 = arith.constant 1 : i32
    %dma_wait3A_1053 = arith.constant 0 : i32
    %dma_wait3A_1054 = arith.constant 0 : i32
    %dma_wait3A_1055 = tpu.memref_slice %arg6[%dma_wait3A_1051, %dma_wait3A_1053, %dma_wait3A_1054] : memref<2x1280x32xf32, #tpu.memory_space<vmem>> -> memref<1x1280x32xf32, #tpu.memory_space<vmem>>
    %dma_wait3A_1056 = tpu.memref_squeeze %dma_wait3A_1055 : memref<1x1280x32xf32, #tpu.memory_space<vmem>> -> memref<1280x32xf32, #tpu.memory_space<vmem>>
    %dma_wait3A_1057 = arith.constant 21760 : i32
    %dma_wait3A_1058 = tpu.memref_slice %arg5[%dma_wait3A_1057] : memref<25600xi32, #tpu.memory_space<vmem>> -> memref<1280xi32, #tpu.memory_space<vmem>>
    %dma_wait3A_1059 = arith.constant 0 : i32
    %dma_wait3A_1060 = arith.constant 0 : i32
    %dma_wait3A_1061 = tpu.memref_slice %arg2[%dma_wait3A_1059, %dma_wait3A_1060] : memref<1000000x32xf32, #tpu.memory_space<hbm>> -> memref<1000000x32xf32, #tpu.memory_space<hbm>>
    %dma_wait3A_1062 = tpu.memref_slice %arg8[%dma_wait3A_1052] : memref<2x!tpu.dma_semaphore, #tpu.memory_space<semaphore_mem>> -> memref<1x!tpu.dma_semaphore, #tpu.memory_space<semaphore_mem>>
    %dma_wait3A_1063 = tpu.memref_squeeze %dma_wait3A_1062 : memref<1x!tpu.dma_semaphore, #tpu.memory_space<semaphore_mem>> -> memref<!tpu.dma_semaphore, #tpu.memory_space<semaphore_mem>>
    tpu.wait_indirect_dma semaphore(%dma_wait3A_1063 : memref<!tpu.dma_semaphore, #tpu.memory_space<semaphore_mem>>) src(%dma_wait3A_1061 : memref<1000000x32xf32, #tpu.memory_space<hbm>>) dst(%dma_wait3A_1056 : memref<1280x32xf32, #tpu.memory_space<vmem>>)
    %add3A_1064 = arith.constant 21760 : i32
    %add3A_1065 = arith.addi %mul3A_2, %add3A_1064 : i32
    %dma_start3A_1066 = arith.constant 1 : i32
    %dma_start3A_1067 = arith.constant 1 : i32
    %dma_start3A_1068 = arith.constant 0 : i32
    %dma_start3A_1069 = arith.constant 0 : i32
    %dma_start3A_1070 = tpu.memref_slice %arg6[%dma_start3A_1066, %dma_start3A_1068, %dma_start3A_1069] : memref<2x1280x32xf32, #tpu.memory_space<vmem>> -> memref<1x1280x32xf32, #tpu.memory_space<vmem>>
    %dma_start3A_1071 = tpu.memref_squeeze %dma_start3A_1070 : memref<1x1280x32xf32, #tpu.memory_space<vmem>> -> memref<1280x32xf32, #tpu.memory_space<vmem>>
    %dma_start3A_1072 = arith.constant 0 : i32
    %dma_start3A_1073 = tpu.memref_slice %arg4[%add3A_1065, %dma_start3A_1072] : memref<819200x32xf32, #tpu.memory_space<hbm>> -> memref<1280x32xf32, #tpu.memory_space<hbm>>
    %dma_start3A_1074 = tpu.memref_slice %arg9[%dma_start3A_1067] : memref<2x!tpu.dma_semaphore, #tpu.memory_space<semaphore_mem>> -> memref<1x!tpu.dma_semaphore, #tpu.memory_space<semaphore_mem>>
    %dma_start3A_1075 = tpu.memref_squeeze %dma_start3A_1074 : memref<1x!tpu.dma_semaphore, #tpu.memory_space<semaphore_mem>> -> memref<!tpu.dma_semaphore, #tpu.memory_space<semaphore_mem>>
    %dma_start3A_1076 = arith.constant 0 : i32
    %dma_start3A_1077 = tpu.memref_slice %arg4[%add3A_1065, %dma_start3A_1076] : memref<819200x32xf32, #tpu.memory_space<hbm>> -> memref<1280x32xf32, #tpu.memory_space<hbm>>
    %dma_start3A_1078 = arith.constant 0 : i32
    %dma_start3A_1079 = arith.constant 0 : i32
    %dma_start3A_1080 = tpu.memref_slice %arg6[%dma_start3A_1066, %dma_start3A_1078, %dma_start3A_1079] : memref<2x1280x32xf32, #tpu.memory_space<vmem>> -> memref<1x1280x32xf32, #tpu.memory_space<vmem>>
    %dma_start3A_1081 = tpu.memref_squeeze %dma_start3A_1080 : memref<1x1280x32xf32, #tpu.memory_space<vmem>> -> memref<1280x32xf32, #tpu.memory_space<vmem>>
    tpu.enqueue_dma source(%dma_start3A_1081 : memref<1280x32xf32, #tpu.memory_space<vmem>>) target(%dma_start3A_1077 : memref<1280x32xf32, #tpu.memory_space<hbm>>) target_semaphore(%dma_start3A_1075 : memref<!tpu.dma_semaphore, #tpu.memory_space<semaphore_mem>>)
    %dma_wait3A_1082 = arith.constant 1 : i32
    %dma_wait3A_1083 = arith.constant 1 : i32
    %dma_wait3A_1084 = arith.constant 0 : i32
    %dma_wait3A_1085 = arith.constant 0 : i32
    %dma_wait3A_1086 = tpu.memref_slice %arg6[%dma_wait3A_1082, %dma_wait3A_1084, %dma_wait3A_1085] : memref<2x1280x32xf32, #tpu.memory_space<vmem>> -> memref<1x1280x32xf32, #tpu.memory_space<vmem>>
    %dma_wait3A_1087 = tpu.memref_squeeze %dma_wait3A_1086 : memref<1x1280x32xf32, #tpu.memory_space<vmem>> -> memref<1280x32xf32, #tpu.memory_space<vmem>>
    %dma_wait3A_1088 = arith.constant 0 : i32
    %dma_wait3A_1089 = tpu.memref_slice %arg4[%add3A_1065, %dma_wait3A_1088] : memref<819200x32xf32, #tpu.memory_space<hbm>> -> memref<1280x32xf32, #tpu.memory_space<hbm>>
    %dma_wait3A_1090 = tpu.memref_slice %arg9[%dma_wait3A_1083] : memref<2x!tpu.dma_semaphore, #tpu.memory_space<semaphore_mem>> -> memref<1x!tpu.dma_semaphore, #tpu.memory_space<semaphore_mem>>
    %dma_wait3A_1091 = tpu.memref_squeeze %dma_wait3A_1090 : memref<1x!tpu.dma_semaphore, #tpu.memory_space<semaphore_mem>> -> memref<!tpu.dma_semaphore, #tpu.memory_space<semaphore_mem>>
    %dma_wait3A_1092 = arith.constant 0 : i32
    %dma_wait3A_1093 = tpu.memref_slice %arg4[%add3A_1065, %dma_wait3A_1092] : memref<819200x32xf32, #tpu.memory_space<hbm>> -> memref<1280x32xf32, #tpu.memory_space<hbm>>
    %dma_wait3A_1094 = arith.constant 0 : i32
    %dma_wait3A_1095 = arith.constant 0 : i32
    %dma_wait3A_1096 = tpu.memref_slice %arg6[%dma_wait3A_1082, %dma_wait3A_1094, %dma_wait3A_1095] : memref<2x1280x32xf32, #tpu.memory_space<vmem>> -> memref<1x1280x32xf32, #tpu.memory_space<vmem>>
    %dma_wait3A_1097 = tpu.memref_squeeze %dma_wait3A_1096 : memref<1x1280x32xf32, #tpu.memory_space<vmem>> -> memref<1280x32xf32, #tpu.memory_space<vmem>>
    tpu.wait_dma2 semaphore(%dma_wait3A_1091 : memref<!tpu.dma_semaphore, #tpu.memory_space<semaphore_mem>>) src(%dma_wait3A_1097 : memref<1280x32xf32, #tpu.memory_space<vmem>>) dst(%dma_wait3A_1093 : memref<1280x32xf32, #tpu.memory_space<hbm>>)
    %dma_start3A_1098 = arith.constant 1 : i32
    %dma_start3A_1099 = arith.constant 1 : i32
    %dma_start3A_1100 = arith.constant 0 : i32
    %dma_start3A_1101 = arith.constant 0 : i32
    %dma_start3A_1102 = tpu.memref_slice %arg6[%dma_start3A_1098, %dma_start3A_1100, %dma_start3A_1101] : memref<2x1280x32xf32, #tpu.memory_space<vmem>> -> memref<1x320x32xf32, #tpu.memory_space<vmem>>
    %dma_start3A_1103 = tpu.memref_squeeze %dma_start3A_1102 : memref<1x320x32xf32, #tpu.memory_space<vmem>> -> memref<320x32xf32, #tpu.memory_space<vmem>>
    %dma_start3A_1104 = arith.constant 24320 : i32
    %dma_start3A_1105 = tpu.memref_slice %arg5[%dma_start3A_1104] : memref<25600xi32, #tpu.memory_space<vmem>> -> memref<320xi32, #tpu.memory_space<vmem>>
    %dma_start3A_1106 = arith.constant 0 : i32
    %dma_start3A_1107 = arith.constant 0 : i32
    %dma_start3A_1108 = tpu.memref_slice %arg2[%dma_start3A_1106, %dma_start3A_1107] : memref<1000000x32xf32, #tpu.memory_space<hbm>> -> memref<1000000x32xf32, #tpu.memory_space<hbm>>
    %dma_start3A_1109 = tpu.memref_slice %arg8[%dma_start3A_1099] : memref<2x!tpu.dma_semaphore, #tpu.memory_space<semaphore_mem>> -> memref<1x!tpu.dma_semaphore, #tpu.memory_space<semaphore_mem>>
    %dma_start3A_1110 = tpu.memref_squeeze %dma_start3A_1109 : memref<1x!tpu.dma_semaphore, #tpu.memory_space<semaphore_mem>> -> memref<!tpu.dma_semaphore, #tpu.memory_space<semaphore_mem>>
    tpu.enqueue_indirect_dma source(%dma_start3A_1108 : memref<1000000x32xf32, #tpu.memory_space<hbm>>) target(%dma_start3A_1103 : memref<320x32xf32, #tpu.memory_space<vmem>>) offsets(%dma_start3A_1105 : memref<320xi32, #tpu.memory_space<vmem>>) semaphore(%dma_start3A_1110 : memref<!tpu.dma_semaphore, #tpu.memory_space<semaphore_mem>>)
    %dma_wait3A_1111 = arith.constant 0 : i32
    %dma_wait3A_1112 = arith.constant 0 : i32
    %dma_wait3A_1113 = arith.constant 0 : i32
    %dma_wait3A_1114 = arith.constant 0 : i32
    %dma_wait3A_1115 = tpu.memref_slice %arg6[%dma_wait3A_1111, %dma_wait3A_1113, %dma_wait3A_1114] : memref<2x1280x32xf32, #tpu.memory_space<vmem>> -> memref<1x1280x32xf32, #tpu.memory_space<vmem>>
    %dma_wait3A_1116 = tpu.memref_squeeze %dma_wait3A_1115 : memref<1x1280x32xf32, #tpu.memory_space<vmem>> -> memref<1280x32xf32, #tpu.memory_space<vmem>>
    %dma_wait3A_1117 = arith.constant 23040 : i32
    %dma_wait3A_1118 = tpu.memref_slice %arg5[%dma_wait3A_1117] : memref<25600xi32, #tpu.memory_space<vmem>> -> memref<1280xi32, #tpu.memory_space<vmem>>
    %dma_wait3A_1119 = arith.constant 0 : i32
    %dma_wait3A_1120 = arith.constant 0 : i32
    %dma_wait3A_1121 = tpu.memref_slice %arg2[%dma_wait3A_1119, %dma_wait3A_1120] : memref<1000000x32xf32, #tpu.memory_space<hbm>> -> memref<1000000x32xf32, #tpu.memory_space<hbm>>
    %dma_wait3A_1122 = tpu.memref_slice %arg8[%dma_wait3A_1112] : memref<2x!tpu.dma_semaphore, #tpu.memory_space<semaphore_mem>> -> memref<1x!tpu.dma_semaphore, #tpu.memory_space<semaphore_mem>>
    %dma_wait3A_1123 = tpu.memref_squeeze %dma_wait3A_1122 : memref<1x!tpu.dma_semaphore, #tpu.memory_space<semaphore_mem>> -> memref<!tpu.dma_semaphore, #tpu.memory_space<semaphore_mem>>
    tpu.wait_indirect_dma semaphore(%dma_wait3A_1123 : memref<!tpu.dma_semaphore, #tpu.memory_space<semaphore_mem>>) src(%dma_wait3A_1121 : memref<1000000x32xf32, #tpu.memory_space<hbm>>) dst(%dma_wait3A_1116 : memref<1280x32xf32, #tpu.memory_space<vmem>>)
    %add3A_1124 = arith.constant 23040 : i32
    %add3A_1125 = arith.addi %mul3A_2, %add3A_1124 : i32
    %dma_start3A_1126 = arith.constant 0 : i32
    %dma_start3A_1127 = arith.constant 0 : i32
    %dma_start3A_1128 = arith.constant 0 : i32
    %dma_start3A_1129 = arith.constant 0 : i32
    %dma_start3A_1130 = tpu.memref_slice %arg6[%dma_start3A_1126, %dma_start3A_1128, %dma_start3A_1129] : memref<2x1280x32xf32, #tpu.memory_space<vmem>> -> memref<1x1280x32xf32, #tpu.memory_space<vmem>>
    %dma_start3A_1131 = tpu.memref_squeeze %dma_start3A_1130 : memref<1x1280x32xf32, #tpu.memory_space<vmem>> -> memref<1280x32xf32, #tpu.memory_space<vmem>>
    %dma_start3A_1132 = arith.constant 0 : i32
    %dma_start3A_1133 = tpu.memref_slice %arg4[%add3A_1125, %dma_start3A_1132] : memref<819200x32xf32, #tpu.memory_space<hbm>> -> memref<1280x32xf32, #tpu.memory_space<hbm>>
    %dma_start3A_1134 = tpu.memref_slice %arg9[%dma_start3A_1127] : memref<2x!tpu.dma_semaphore, #tpu.memory_space<semaphore_mem>> -> memref<1x!tpu.dma_semaphore, #tpu.memory_space<semaphore_mem>>
    %dma_start3A_1135 = tpu.memref_squeeze %dma_start3A_1134 : memref<1x!tpu.dma_semaphore, #tpu.memory_space<semaphore_mem>> -> memref<!tpu.dma_semaphore, #tpu.memory_space<semaphore_mem>>
    %dma_start3A_1136 = arith.constant 0 : i32
    %dma_start3A_1137 = tpu.memref_slice %arg4[%add3A_1125, %dma_start3A_1136] : memref<819200x32xf32, #tpu.memory_space<hbm>> -> memref<1280x32xf32, #tpu.memory_space<hbm>>
    %dma_start3A_1138 = arith.constant 0 : i32
    %dma_start3A_1139 = arith.constant 0 : i32
    %dma_start3A_1140 = tpu.memref_slice %arg6[%dma_start3A_1126, %dma_start3A_1138, %dma_start3A_1139] : memref<2x1280x32xf32, #tpu.memory_space<vmem>> -> memref<1x1280x32xf32, #tpu.memory_space<vmem>>
    %dma_start3A_1141 = tpu.memref_squeeze %dma_start3A_1140 : memref<1x1280x32xf32, #tpu.memory_space<vmem>> -> memref<1280x32xf32, #tpu.memory_space<vmem>>
    tpu.enqueue_dma source(%dma_start3A_1141 : memref<1280x32xf32, #tpu.memory_space<vmem>>) target(%dma_start3A_1137 : memref<1280x32xf32, #tpu.memory_space<hbm>>) target_semaphore(%dma_start3A_1135 : memref<!tpu.dma_semaphore, #tpu.memory_space<semaphore_mem>>)
    %dma_wait3A_1142 = arith.constant 0 : i32
    %dma_wait3A_1143 = arith.constant 0 : i32
    %dma_wait3A_1144 = arith.constant 0 : i32
    %dma_wait3A_1145 = arith.constant 0 : i32
    %dma_wait3A_1146 = tpu.memref_slice %arg6[%dma_wait3A_1142, %dma_wait3A_1144, %dma_wait3A_1145] : memref<2x1280x32xf32, #tpu.memory_space<vmem>> -> memref<1x1280x32xf32, #tpu.memory_space<vmem>>
    %dma_wait3A_1147 = tpu.memref_squeeze %dma_wait3A_1146 : memref<1x1280x32xf32, #tpu.memory_space<vmem>> -> memref<1280x32xf32, #tpu.memory_space<vmem>>
    %dma_wait3A_1148 = arith.constant 0 : i32
    %dma_wait3A_1149 = tpu.memref_slice %arg4[%add3A_1125, %dma_wait3A_1148] : memref<819200x32xf32, #tpu.memory_space<hbm>> -> memref<1280x32xf32, #tpu.memory_space<hbm>>
    %dma_wait3A_1150 = tpu.memref_slice %arg9[%dma_wait3A_1143] : memref<2x!tpu.dma_semaphore, #tpu.memory_space<semaphore_mem>> -> memref<1x!tpu.dma_semaphore, #tpu.memory_space<semaphore_mem>>
    %dma_wait3A_1151 = tpu.memref_squeeze %dma_wait3A_1150 : memref<1x!tpu.dma_semaphore, #tpu.memory_space<semaphore_mem>> -> memref<!tpu.dma_semaphore, #tpu.memory_space<semaphore_mem>>
    %dma_wait3A_1152 = arith.constant 0 : i32
    %dma_wait3A_1153 = tpu.memref_slice %arg4[%add3A_1125, %dma_wait3A_1152] : memref<819200x32xf32, #tpu.memory_space<hbm>> -> memref<1280x32xf32, #tpu.memory_space<hbm>>
    %dma_wait3A_1154 = arith.constant 0 : i32
    %dma_wait3A_1155 = arith.constant 0 : i32
    %dma_wait3A_1156 = tpu.memref_slice %arg6[%dma_wait3A_1142, %dma_wait3A_1154, %dma_wait3A_1155] : memref<2x1280x32xf32, #tpu.memory_space<vmem>> -> memref<1x1280x32xf32, #tpu.memory_space<vmem>>
    %dma_wait3A_1157 = tpu.memref_squeeze %dma_wait3A_1156 : memref<1x1280x32xf32, #tpu.memory_space<vmem>> -> memref<1280x32xf32, #tpu.memory_space<vmem>>
    tpu.wait_dma2 semaphore(%dma_wait3A_1151 : memref<!tpu.dma_semaphore, #tpu.memory_space<semaphore_mem>>) src(%dma_wait3A_1157 : memref<1280x32xf32, #tpu.memory_space<vmem>>) dst(%dma_wait3A_1153 : memref<1280x32xf32, #tpu.memory_space<hbm>>)
    %dma_start3A_1158 = arith.constant 0 : i32
    %dma_start3A_1159 = arith.constant 0 : i32
    %dma_start3A_1160 = arith.constant 0 : i32
    %dma_start3A_1161 = arith.constant 0 : i32
    %dma_start3A_1162 = tpu.memref_slice %arg6[%dma_start3A_1158, %dma_start3A_1160, %dma_start3A_1161] : memref<2x1280x32xf32, #tpu.memory_space<vmem>> -> memref<1x320x32xf32, #tpu.memory_space<vmem>>
    %dma_start3A_1163 = tpu.memref_squeeze %dma_start3A_1162 : memref<1x320x32xf32, #tpu.memory_space<vmem>> -> memref<320x32xf32, #tpu.memory_space<vmem>>
    %dma_start3A_1164 = arith.constant 24640 : i32
    %dma_start3A_1165 = tpu.memref_slice %arg5[%dma_start3A_1164] : memref<25600xi32, #tpu.memory_space<vmem>> -> memref<320xi32, #tpu.memory_space<vmem>>
    %dma_start3A_1166 = arith.constant 0 : i32
    %dma_start3A_1167 = arith.constant 0 : i32
    %dma_start3A_1168 = tpu.memref_slice %arg2[%dma_start3A_1166, %dma_start3A_1167] : memref<1000000x32xf32, #tpu.memory_space<hbm>> -> memref<1000000x32xf32, #tpu.memory_space<hbm>>
    %dma_start3A_1169 = tpu.memref_slice %arg8[%dma_start3A_1159] : memref<2x!tpu.dma_semaphore, #tpu.memory_space<semaphore_mem>> -> memref<1x!tpu.dma_semaphore, #tpu.memory_space<semaphore_mem>>
    %dma_start3A_1170 = tpu.memref_squeeze %dma_start3A_1169 : memref<1x!tpu.dma_semaphore, #tpu.memory_space<semaphore_mem>> -> memref<!tpu.dma_semaphore, #tpu.memory_space<semaphore_mem>>
    tpu.enqueue_indirect_dma source(%dma_start3A_1168 : memref<1000000x32xf32, #tpu.memory_space<hbm>>) target(%dma_start3A_1163 : memref<320x32xf32, #tpu.memory_space<vmem>>) offsets(%dma_start3A_1165 : memref<320xi32, #tpu.memory_space<vmem>>) semaphore(%dma_start3A_1170 : memref<!tpu.dma_semaphore, #tpu.memory_space<semaphore_mem>>)
    %dma_wait3A_1171 = arith.constant 1 : i32
    %dma_wait3A_1172 = arith.constant 1 : i32
    %dma_wait3A_1173 = arith.constant 0 : i32
    %dma_wait3A_1174 = arith.constant 0 : i32
    %dma_wait3A_1175 = tpu.memref_slice %arg6[%dma_wait3A_1171, %dma_wait3A_1173, %dma_wait3A_1174] : memref<2x1280x32xf32, #tpu.memory_space<vmem>> -> memref<1x320x32xf32, #tpu.memory_space<vmem>>
    %dma_wait3A_1176 = tpu.memref_squeeze %dma_wait3A_1175 : memref<1x320x32xf32, #tpu.memory_space<vmem>> -> memref<320x32xf32, #tpu.memory_space<vmem>>
    %dma_wait3A_1177 = arith.constant 24320 : i32
    %dma_wait3A_1178 = tpu.memref_slice %arg5[%dma_wait3A_1177] : memref<25600xi32, #tpu.memory_space<vmem>> -> memref<320xi32, #tpu.memory_space<vmem>>
    %dma_wait3A_1179 = arith.constant 0 : i32
    %dma_wait3A_1180 = arith.constant 0 : i32
    %dma_wait3A_1181 = tpu.memref_slice %arg2[%dma_wait3A_1179, %dma_wait3A_1180] : memref<1000000x32xf32, #tpu.memory_space<hbm>> -> memref<1000000x32xf32, #tpu.memory_space<hbm>>
    %dma_wait3A_1182 = tpu.memref_slice %arg8[%dma_wait3A_1172] : memref<2x!tpu.dma_semaphore, #tpu.memory_space<semaphore_mem>> -> memref<1x!tpu.dma_semaphore, #tpu.memory_space<semaphore_mem>>
    %dma_wait3A_1183 = tpu.memref_squeeze %dma_wait3A_1182 : memref<1x!tpu.dma_semaphore, #tpu.memory_space<semaphore_mem>> -> memref<!tpu.dma_semaphore, #tpu.memory_space<semaphore_mem>>
    tpu.wait_indirect_dma semaphore(%dma_wait3A_1183 : memref<!tpu.dma_semaphore, #tpu.memory_space<semaphore_mem>>) src(%dma_wait3A_1181 : memref<1000000x32xf32, #tpu.memory_space<hbm>>) dst(%dma_wait3A_1176 : memref<320x32xf32, #tpu.memory_space<vmem>>)
    %add3A_1184 = arith.constant 24320 : i32
    %add3A_1185 = arith.addi %mul3A_2, %add3A_1184 : i32
    %dma_start3A_1186 = arith.constant 1 : i32
    %dma_start3A_1187 = arith.constant 1 : i32
    %dma_start3A_1188 = arith.constant 0 : i32
    %dma_start3A_1189 = arith.constant 0 : i32
    %dma_start3A_1190 = tpu.memref_slice %arg6[%dma_start3A_1186, %dma_start3A_1188, %dma_start3A_1189] : memref<2x1280x32xf32, #tpu.memory_space<vmem>> -> memref<1x320x32xf32, #tpu.memory_space<vmem>>
    %dma_start3A_1191 = tpu.memref_squeeze %dma_start3A_1190 : memref<1x320x32xf32, #tpu.memory_space<vmem>> -> memref<320x32xf32, #tpu.memory_space<vmem>>
    %dma_start3A_1192 = arith.constant 0 : i32
    %dma_start3A_1193 = tpu.memref_slice %arg4[%add3A_1185, %dma_start3A_1192] : memref<819200x32xf32, #tpu.memory_space<hbm>> -> memref<320x32xf32, #tpu.memory_space<hbm>>
    %dma_start3A_1194 = tpu.memref_slice %arg9[%dma_start3A_1187] : memref<2x!tpu.dma_semaphore, #tpu.memory_space<semaphore_mem>> -> memref<1x!tpu.dma_semaphore, #tpu.memory_space<semaphore_mem>>
    %dma_start3A_1195 = tpu.memref_squeeze %dma_start3A_1194 : memref<1x!tpu.dma_semaphore, #tpu.memory_space<semaphore_mem>> -> memref<!tpu.dma_semaphore, #tpu.memory_space<semaphore_mem>>
    %dma_start3A_1196 = arith.constant 0 : i32
    %dma_start3A_1197 = tpu.memref_slice %arg4[%add3A_1185, %dma_start3A_1196] : memref<819200x32xf32, #tpu.memory_space<hbm>> -> memref<320x32xf32, #tpu.memory_space<hbm>>
    %dma_start3A_1198 = arith.constant 0 : i32
    %dma_start3A_1199 = arith.constant 0 : i32
    %dma_start3A_1200 = tpu.memref_slice %arg6[%dma_start3A_1186, %dma_start3A_1198, %dma_start3A_1199] : memref<2x1280x32xf32, #tpu.memory_space<vmem>> -> memref<1x320x32xf32, #tpu.memory_space<vmem>>
    %dma_start3A_1201 = tpu.memref_squeeze %dma_start3A_1200 : memref<1x320x32xf32, #tpu.memory_space<vmem>> -> memref<320x32xf32, #tpu.memory_space<vmem>>
    tpu.enqueue_dma source(%dma_start3A_1201 : memref<320x32xf32, #tpu.memory_space<vmem>>) target(%dma_start3A_1197 : memref<320x32xf32, #tpu.memory_space<hbm>>) target_semaphore(%dma_start3A_1195 : memref<!tpu.dma_semaphore, #tpu.memory_space<semaphore_mem>>)
    %dma_wait3A_1202 = arith.constant 1 : i32
    %dma_wait3A_1203 = arith.constant 1 : i32
    %dma_wait3A_1204 = arith.constant 0 : i32
    %dma_wait3A_1205 = arith.constant 0 : i32
    %dma_wait3A_1206 = tpu.memref_slice %arg6[%dma_wait3A_1202, %dma_wait3A_1204, %dma_wait3A_1205] : memref<2x1280x32xf32, #tpu.memory_space<vmem>> -> memref<1x320x32xf32, #tpu.memory_space<vmem>>
    %dma_wait3A_1207 = tpu.memref_squeeze %dma_wait3A_1206 : memref<1x320x32xf32, #tpu.memory_space<vmem>> -> memref<320x32xf32, #tpu.memory_space<vmem>>
    %dma_wait3A_1208 = arith.constant 0 : i32
    %dma_wait3A_1209 = tpu.memref_slice %arg4[%add3A_1185, %dma_wait3A_1208] : memref<819200x32xf32, #tpu.memory_space<hbm>> -> memref<320x32xf32, #tpu.memory_space<hbm>>
    %dma_wait3A_1210 = tpu.memref_slice %arg9[%dma_wait3A_1203] : memref<2x!tpu.dma_semaphore, #tpu.memory_space<semaphore_mem>> -> memref<1x!tpu.dma_semaphore, #tpu.memory_space<semaphore_mem>>
    %dma_wait3A_1211 = tpu.memref_squeeze %dma_wait3A_1210 : memref<1x!tpu.dma_semaphore, #tpu.memory_space<semaphore_mem>> -> memref<!tpu.dma_semaphore, #tpu.memory_space<semaphore_mem>>
    %dma_wait3A_1212 = arith.constant 0 : i32
    %dma_wait3A_1213 = tpu.memref_slice %arg4[%add3A_1185, %dma_wait3A_1212] : memref<819200x32xf32, #tpu.memory_space<hbm>> -> memref<320x32xf32, #tpu.memory_space<hbm>>
    %dma_wait3A_1214 = arith.constant 0 : i32
    %dma_wait3A_1215 = arith.constant 0 : i32
    %dma_wait3A_1216 = tpu.memref_slice %arg6[%dma_wait3A_1202, %dma_wait3A_1214, %dma_wait3A_1215] : memref<2x1280x32xf32, #tpu.memory_space<vmem>> -> memref<1x320x32xf32, #tpu.memory_space<vmem>>
    %dma_wait3A_1217 = tpu.memref_squeeze %dma_wait3A_1216 : memref<1x320x32xf32, #tpu.memory_space<vmem>> -> memref<320x32xf32, #tpu.memory_space<vmem>>
    tpu.wait_dma2 semaphore(%dma_wait3A_1211 : memref<!tpu.dma_semaphore, #tpu.memory_space<semaphore_mem>>) src(%dma_wait3A_1217 : memref<320x32xf32, #tpu.memory_space<vmem>>) dst(%dma_wait3A_1213 : memref<320x32xf32, #tpu.memory_space<hbm>>)
    %dma_start3A_1218 = arith.constant 1 : i32
    %dma_start3A_1219 = arith.constant 1 : i32
    %dma_start3A_1220 = arith.constant 0 : i32
    %dma_start3A_1221 = arith.constant 0 : i32
    %dma_start3A_1222 = tpu.memref_slice %arg6[%dma_start3A_1218, %dma_start3A_1220, %dma_start3A_1221] : memref<2x1280x32xf32, #tpu.memory_space<vmem>> -> memref<1x320x32xf32, #tpu.memory_space<vmem>>
    %dma_start3A_1223 = tpu.memref_squeeze %dma_start3A_1222 : memref<1x320x32xf32, #tpu.memory_space<vmem>> -> memref<320x32xf32, #tpu.memory_space<vmem>>
    %dma_start3A_1224 = arith.constant 24960 : i32
    %dma_start3A_1225 = tpu.memref_slice %arg5[%dma_start3A_1224] : memref<25600xi32, #tpu.memory_space<vmem>> -> memref<320xi32, #tpu.memory_space<vmem>>
    %dma_start3A_1226 = arith.constant 0 : i32
    %dma_start3A_1227 = arith.constant 0 : i32
    %dma_start3A_1228 = tpu.memref_slice %arg2[%dma_start3A_1226, %dma_start3A_1227] : memref<1000000x32xf32, #tpu.memory_space<hbm>> -> memref<1000000x32xf32, #tpu.memory_space<hbm>>
    %dma_start3A_1229 = tpu.memref_slice %arg8[%dma_start3A_1219] : memref<2x!tpu.dma_semaphore, #tpu.memory_space<semaphore_mem>> -> memref<1x!tpu.dma_semaphore, #tpu.memory_space<semaphore_mem>>
    %dma_start3A_1230 = tpu.memref_squeeze %dma_start3A_1229 : memref<1x!tpu.dma_semaphore, #tpu.memory_space<semaphore_mem>> -> memref<!tpu.dma_semaphore, #tpu.memory_space<semaphore_mem>>
    tpu.enqueue_indirect_dma source(%dma_start3A_1228 : memref<1000000x32xf32, #tpu.memory_space<hbm>>) target(%dma_start3A_1223 : memref<320x32xf32, #tpu.memory_space<vmem>>) offsets(%dma_start3A_1225 : memref<320xi32, #tpu.memory_space<vmem>>) semaphore(%dma_start3A_1230 : memref<!tpu.dma_semaphore, #tpu.memory_space<semaphore_mem>>)
    %dma_wait3A_1231 = arith.constant 0 : i32
    %dma_wait3A_1232 = arith.constant 0 : i32
    %dma_wait3A_1233 = arith.constant 0 : i32
    %dma_wait3A_1234 = arith.constant 0 : i32
    %dma_wait3A_1235 = tpu.memref_slice %arg6[%dma_wait3A_1231, %dma_wait3A_1233, %dma_wait3A_1234] : memref<2x1280x32xf32, #tpu.memory_space<vmem>> -> memref<1x320x32xf32, #tpu.memory_space<vmem>>
    %dma_wait3A_1236 = tpu.memref_squeeze %dma_wait3A_1235 : memref<1x320x32xf32, #tpu.memory_space<vmem>> -> memref<320x32xf32, #tpu.memory_space<vmem>>
    %dma_wait3A_1237 = arith.constant 24640 : i32
    %dma_wait3A_1238 = tpu.memref_slice %arg5[%dma_wait3A_1237] : memref<25600xi32, #tpu.memory_space<vmem>> -> memref<320xi32, #tpu.memory_space<vmem>>
    %dma_wait3A_1239 = arith.constant 0 : i32
    %dma_wait3A_1240 = arith.constant 0 : i32
    %dma_wait3A_1241 = tpu.memref_slice %arg2[%dma_wait3A_1239, %dma_wait3A_1240] : memref<1000000x32xf32, #tpu.memory_space<hbm>> -> memref<1000000x32xf32, #tpu.memory_space<hbm>>
    %dma_wait3A_1242 = tpu.memref_slice %arg8[%dma_wait3A_1232] : memref<2x!tpu.dma_semaphore, #tpu.memory_space<semaphore_mem>> -> memref<1x!tpu.dma_semaphore, #tpu.memory_space<semaphore_mem>>
    %dma_wait3A_1243 = tpu.memref_squeeze %dma_wait3A_1242 : memref<1x!tpu.dma_semaphore, #tpu.memory_space<semaphore_mem>> -> memref<!tpu.dma_semaphore, #tpu.memory_space<semaphore_mem>>
    tpu.wait_indirect_dma semaphore(%dma_wait3A_1243 : memref<!tpu.dma_semaphore, #tpu.memory_space<semaphore_mem>>) src(%dma_wait3A_1241 : memref<1000000x32xf32, #tpu.memory_space<hbm>>) dst(%dma_wait3A_1236 : memref<320x32xf32, #tpu.memory_space<vmem>>)
    %add3A_1244 = arith.constant 24640 : i32
    %add3A_1245 = arith.addi %mul3A_2, %add3A_1244 : i32
    %dma_start3A_1246 = arith.constant 0 : i32
    %dma_start3A_1247 = arith.constant 0 : i32
    %dma_start3A_1248 = arith.constant 0 : i32
    %dma_start3A_1249 = arith.constant 0 : i32
    %dma_start3A_1250 = tpu.memref_slice %arg6[%dma_start3A_1246, %dma_start3A_1248, %dma_start3A_1249] : memref<2x1280x32xf32, #tpu.memory_space<vmem>> -> memref<1x320x32xf32, #tpu.memory_space<vmem>>
    %dma_start3A_1251 = tpu.memref_squeeze %dma_start3A_1250 : memref<1x320x32xf32, #tpu.memory_space<vmem>> -> memref<320x32xf32, #tpu.memory_space<vmem>>
    %dma_start3A_1252 = arith.constant 0 : i32
    %dma_start3A_1253 = tpu.memref_slice %arg4[%add3A_1245, %dma_start3A_1252] : memref<819200x32xf32, #tpu.memory_space<hbm>> -> memref<320x32xf32, #tpu.memory_space<hbm>>
    %dma_start3A_1254 = tpu.memref_slice %arg9[%dma_start3A_1247] : memref<2x!tpu.dma_semaphore, #tpu.memory_space<semaphore_mem>> -> memref<1x!tpu.dma_semaphore, #tpu.memory_space<semaphore_mem>>
    %dma_start3A_1255 = tpu.memref_squeeze %dma_start3A_1254 : memref<1x!tpu.dma_semaphore, #tpu.memory_space<semaphore_mem>> -> memref<!tpu.dma_semaphore, #tpu.memory_space<semaphore_mem>>
    %dma_start3A_1256 = arith.constant 0 : i32
    %dma_start3A_1257 = tpu.memref_slice %arg4[%add3A_1245, %dma_start3A_1256] : memref<819200x32xf32, #tpu.memory_space<hbm>> -> memref<320x32xf32, #tpu.memory_space<hbm>>
    %dma_start3A_1258 = arith.constant 0 : i32
    %dma_start3A_1259 = arith.constant 0 : i32
    %dma_start3A_1260 = tpu.memref_slice %arg6[%dma_start3A_1246, %dma_start3A_1258, %dma_start3A_1259] : memref<2x1280x32xf32, #tpu.memory_space<vmem>> -> memref<1x320x32xf32, #tpu.memory_space<vmem>>
    %dma_start3A_1261 = tpu.memref_squeeze %dma_start3A_1260 : memref<1x320x32xf32, #tpu.memory_space<vmem>> -> memref<320x32xf32, #tpu.memory_space<vmem>>
    tpu.enqueue_dma source(%dma_start3A_1261 : memref<320x32xf32, #tpu.memory_space<vmem>>) target(%dma_start3A_1257 : memref<320x32xf32, #tpu.memory_space<hbm>>) target_semaphore(%dma_start3A_1255 : memref<!tpu.dma_semaphore, #tpu.memory_space<semaphore_mem>>)
    %dma_wait3A_1262 = arith.constant 0 : i32
    %dma_wait3A_1263 = arith.constant 0 : i32
    %dma_wait3A_1264 = arith.constant 0 : i32
    %dma_wait3A_1265 = arith.constant 0 : i32
    %dma_wait3A_1266 = tpu.memref_slice %arg6[%dma_wait3A_1262, %dma_wait3A_1264, %dma_wait3A_1265] : memref<2x1280x32xf32, #tpu.memory_space<vmem>> -> memref<1x320x32xf32, #tpu.memory_space<vmem>>
    %dma_wait3A_1267 = tpu.memref_squeeze %dma_wait3A_1266 : memref<1x320x32xf32, #tpu.memory_space<vmem>> -> memref<320x32xf32, #tpu.memory_space<vmem>>
    %dma_wait3A_1268 = arith.constant 0 : i32
    %dma_wait3A_1269 = tpu.memref_slice %arg4[%add3A_1245, %dma_wait3A_1268] : memref<819200x32xf32, #tpu.memory_space<hbm>> -> memref<320x32xf32, #tpu.memory_space<hbm>>
    %dma_wait3A_1270 = tpu.memref_slice %arg9[%dma_wait3A_1263] : memref<2x!tpu.dma_semaphore, #tpu.memory_space<semaphore_mem>> -> memref<1x!tpu.dma_semaphore, #tpu.memory_space<semaphore_mem>>
    %dma_wait3A_1271 = tpu.memref_squeeze %dma_wait3A_1270 : memref<1x!tpu.dma_semaphore, #tpu.memory_space<semaphore_mem>> -> memref<!tpu.dma_semaphore, #tpu.memory_space<semaphore_mem>>
    %dma_wait3A_1272 = arith.constant 0 : i32
    %dma_wait3A_1273 = tpu.memref_slice %arg4[%add3A_1245, %dma_wait3A_1272] : memref<819200x32xf32, #tpu.memory_space<hbm>> -> memref<320x32xf32, #tpu.memory_space<hbm>>
    %dma_wait3A_1274 = arith.constant 0 : i32
    %dma_wait3A_1275 = arith.constant 0 : i32
    %dma_wait3A_1276 = tpu.memref_slice %arg6[%dma_wait3A_1262, %dma_wait3A_1274, %dma_wait3A_1275] : memref<2x1280x32xf32, #tpu.memory_space<vmem>> -> memref<1x320x32xf32, #tpu.memory_space<vmem>>
    %dma_wait3A_1277 = tpu.memref_squeeze %dma_wait3A_1276 : memref<1x320x32xf32, #tpu.memory_space<vmem>> -> memref<320x32xf32, #tpu.memory_space<vmem>>
    tpu.wait_dma2 semaphore(%dma_wait3A_1271 : memref<!tpu.dma_semaphore, #tpu.memory_space<semaphore_mem>>) src(%dma_wait3A_1277 : memref<320x32xf32, #tpu.memory_space<vmem>>) dst(%dma_wait3A_1273 : memref<320x32xf32, #tpu.memory_space<hbm>>)
    %dma_start3A_1278 = arith.constant 0 : i32
    %dma_start3A_1279 = arith.constant 0 : i32
    %dma_start3A_1280 = arith.constant 0 : i32
    %dma_start3A_1281 = arith.constant 0 : i32
    %dma_start3A_1282 = tpu.memref_slice %arg6[%dma_start3A_1278, %dma_start3A_1280, %dma_start3A_1281] : memref<2x1280x32xf32, #tpu.memory_space<vmem>> -> memref<1x320x32xf32, #tpu.memory_space<vmem>>
    %dma_start3A_1283 = tpu.memref_squeeze %dma_start3A_1282 : memref<1x320x32xf32, #tpu.memory_space<vmem>> -> memref<320x32xf32, #tpu.memory_space<vmem>>
    %dma_start3A_1284 = arith.constant 25280 : i32
    %dma_start3A_1285 = tpu.memref_slice %arg5[%dma_start3A_1284] : memref<25600xi32, #tpu.memory_space<vmem>> -> memref<320xi32, #tpu.memory_space<vmem>>
    %dma_start3A_1286 = arith.constant 0 : i32
    %dma_start3A_1287 = arith.constant 0 : i32
    %dma_start3A_1288 = tpu.memref_slice %arg2[%dma_start3A_1286, %dma_start3A_1287] : memref<1000000x32xf32, #tpu.memory_space<hbm>> -> memref<1000000x32xf32, #tpu.memory_space<hbm>>
    %dma_start3A_1289 = tpu.memref_slice %arg8[%dma_start3A_1279] : memref<2x!tpu.dma_semaphore, #tpu.memory_space<semaphore_mem>> -> memref<1x!tpu.dma_semaphore, #tpu.memory_space<semaphore_mem>>
    %dma_start3A_1290 = tpu.memref_squeeze %dma_start3A_1289 : memref<1x!tpu.dma_semaphore, #tpu.memory_space<semaphore_mem>> -> memref<!tpu.dma_semaphore, #tpu.memory_space<semaphore_mem>>
    tpu.enqueue_indirect_dma source(%dma_start3A_1288 : memref<1000000x32xf32, #tpu.memory_space<hbm>>) target(%dma_start3A_1283 : memref<320x32xf32, #tpu.memory_space<vmem>>) offsets(%dma_start3A_1285 : memref<320xi32, #tpu.memory_space<vmem>>) semaphore(%dma_start3A_1290 : memref<!tpu.dma_semaphore, #tpu.memory_space<semaphore_mem>>)
    %dma_wait3A_1291 = arith.constant 1 : i32
    %dma_wait3A_1292 = arith.constant 1 : i32
    %dma_wait3A_1293 = arith.constant 0 : i32
    %dma_wait3A_1294 = arith.constant 0 : i32
    %dma_wait3A_1295 = tpu.memref_slice %arg6[%dma_wait3A_1291, %dma_wait3A_1293, %dma_wait3A_1294] : memref<2x1280x32xf32, #tpu.memory_space<vmem>> -> memref<1x320x32xf32, #tpu.memory_space<vmem>>
    %dma_wait3A_1296 = tpu.memref_squeeze %dma_wait3A_1295 : memref<1x320x32xf32, #tpu.memory_space<vmem>> -> memref<320x32xf32, #tpu.memory_space<vmem>>
    %dma_wait3A_1297 = arith.constant 24960 : i32
    %dma_wait3A_1298 = tpu.memref_slice %arg5[%dma_wait3A_1297] : memref<25600xi32, #tpu.memory_space<vmem>> -> memref<320xi32, #tpu.memory_space<vmem>>
    %dma_wait3A_1299 = arith.constant 0 : i32
    %dma_wait3A_1300 = arith.constant 0 : i32
    %dma_wait3A_1301 = tpu.memref_slice %arg2[%dma_wait3A_1299, %dma_wait3A_1300] : memref<1000000x32xf32, #tpu.memory_space<hbm>> -> memref<1000000x32xf32, #tpu.memory_space<hbm>>
    %dma_wait3A_1302 = tpu.memref_slice %arg8[%dma_wait3A_1292] : memref<2x!tpu.dma_semaphore, #tpu.memory_space<semaphore_mem>> -> memref<1x!tpu.dma_semaphore, #tpu.memory_space<semaphore_mem>>
    %dma_wait3A_1303 = tpu.memref_squeeze %dma_wait3A_1302 : memref<1x!tpu.dma_semaphore, #tpu.memory_space<semaphore_mem>> -> memref<!tpu.dma_semaphore, #tpu.memory_space<semaphore_mem>>
    tpu.wait_indirect_dma semaphore(%dma_wait3A_1303 : memref<!tpu.dma_semaphore, #tpu.memory_space<semaphore_mem>>) src(%dma_wait3A_1301 : memref<1000000x32xf32, #tpu.memory_space<hbm>>) dst(%dma_wait3A_1296 : memref<320x32xf32, #tpu.memory_space<vmem>>)
    %add3A_1304 = arith.constant 24960 : i32
    %add3A_1305 = arith.addi %mul3A_2, %add3A_1304 : i32
    %dma_start3A_1306 = arith.constant 1 : i32
    %dma_start3A_1307 = arith.constant 1 : i32
    %dma_start3A_1308 = arith.constant 0 : i32
    %dma_start3A_1309 = arith.constant 0 : i32
    %dma_start3A_1310 = tpu.memref_slice %arg6[%dma_start3A_1306, %dma_start3A_1308, %dma_start3A_1309] : memref<2x1280x32xf32, #tpu.memory_space<vmem>> -> memref<1x320x32xf32, #tpu.memory_space<vmem>>
    %dma_start3A_1311 = tpu.memref_squeeze %dma_start3A_1310 : memref<1x320x32xf32, #tpu.memory_space<vmem>> -> memref<320x32xf32, #tpu.memory_space<vmem>>
    %dma_start3A_1312 = arith.constant 0 : i32
    %dma_start3A_1313 = tpu.memref_slice %arg4[%add3A_1305, %dma_start3A_1312] : memref<819200x32xf32, #tpu.memory_space<hbm>> -> memref<320x32xf32, #tpu.memory_space<hbm>>
    %dma_start3A_1314 = tpu.memref_slice %arg9[%dma_start3A_1307] : memref<2x!tpu.dma_semaphore, #tpu.memory_space<semaphore_mem>> -> memref<1x!tpu.dma_semaphore, #tpu.memory_space<semaphore_mem>>
    %dma_start3A_1315 = tpu.memref_squeeze %dma_start3A_1314 : memref<1x!tpu.dma_semaphore, #tpu.memory_space<semaphore_mem>> -> memref<!tpu.dma_semaphore, #tpu.memory_space<semaphore_mem>>
    %dma_start3A_1316 = arith.constant 0 : i32
    %dma_start3A_1317 = tpu.memref_slice %arg4[%add3A_1305, %dma_start3A_1316] : memref<819200x32xf32, #tpu.memory_space<hbm>> -> memref<320x32xf32, #tpu.memory_space<hbm>>
    %dma_start3A_1318 = arith.constant 0 : i32
    %dma_start3A_1319 = arith.constant 0 : i32
    %dma_start3A_1320 = tpu.memref_slice %arg6[%dma_start3A_1306, %dma_start3A_1318, %dma_start3A_1319] : memref<2x1280x32xf32, #tpu.memory_space<vmem>> -> memref<1x320x32xf32, #tpu.memory_space<vmem>>
    %dma_start3A_1321 = tpu.memref_squeeze %dma_start3A_1320 : memref<1x320x32xf32, #tpu.memory_space<vmem>> -> memref<320x32xf32, #tpu.memory_space<vmem>>
    tpu.enqueue_dma source(%dma_start3A_1321 : memref<320x32xf32, #tpu.memory_space<vmem>>) target(%dma_start3A_1317 : memref<320x32xf32, #tpu.memory_space<hbm>>) target_semaphore(%dma_start3A_1315 : memref<!tpu.dma_semaphore, #tpu.memory_space<semaphore_mem>>)
    %dma_wait3A_1322 = arith.constant 0 : i32
    %dma_wait3A_1323 = arith.constant 0 : i32
    %dma_wait3A_1324 = arith.constant 0 : i32
    %dma_wait3A_1325 = arith.constant 0 : i32
    %dma_wait3A_1326 = tpu.memref_slice %arg6[%dma_wait3A_1322, %dma_wait3A_1324, %dma_wait3A_1325] : memref<2x1280x32xf32, #tpu.memory_space<vmem>> -> memref<1x320x32xf32, #tpu.memory_space<vmem>>
    %dma_wait3A_1327 = tpu.memref_squeeze %dma_wait3A_1326 : memref<1x320x32xf32, #tpu.memory_space<vmem>> -> memref<320x32xf32, #tpu.memory_space<vmem>>
    %dma_wait3A_1328 = arith.constant 25280 : i32
    %dma_wait3A_1329 = tpu.memref_slice %arg5[%dma_wait3A_1328] : memref<25600xi32, #tpu.memory_space<vmem>> -> memref<320xi32, #tpu.memory_space<vmem>>
    %dma_wait3A_1330 = arith.constant 0 : i32
    %dma_wait3A_1331 = arith.constant 0 : i32
    %dma_wait3A_1332 = tpu.memref_slice %arg2[%dma_wait3A_1330, %dma_wait3A_1331] : memref<1000000x32xf32, #tpu.memory_space<hbm>> -> memref<1000000x32xf32, #tpu.memory_space<hbm>>
    %dma_wait3A_1333 = tpu.memref_slice %arg8[%dma_wait3A_1323] : memref<2x!tpu.dma_semaphore, #tpu.memory_space<semaphore_mem>> -> memref<1x!tpu.dma_semaphore, #tpu.memory_space<semaphore_mem>>
    %dma_wait3A_1334 = tpu.memref_squeeze %dma_wait3A_1333 : memref<1x!tpu.dma_semaphore, #tpu.memory_space<semaphore_mem>> -> memref<!tpu.dma_semaphore, #tpu.memory_space<semaphore_mem>>
    tpu.wait_indirect_dma semaphore(%dma_wait3A_1334 : memref<!tpu.dma_semaphore, #tpu.memory_space<semaphore_mem>>) src(%dma_wait3A_1332 : memref<1000000x32xf32, #tpu.memory_space<hbm>>) dst(%dma_wait3A_1327 : memref<320x32xf32, #tpu.memory_space<vmem>>)
    %add3A_1335 = arith.constant 25280 : i32
    %add3A_1336 = arith.addi %mul3A_2, %add3A_1335 : i32
    %dma_start3A_1337 = arith.constant 0 : i32
    %dma_start3A_1338 = arith.constant 0 : i32
    %dma_start3A_1339 = arith.constant 0 : i32
    %dma_start3A_1340 = arith.constant 0 : i32
    %dma_start3A_1341 = tpu.memref_slice %arg6[%dma_start3A_1337, %dma_start3A_1339, %dma_start3A_1340] : memref<2x1280x32xf32, #tpu.memory_space<vmem>> -> memref<1x320x32xf32, #tpu.memory_space<vmem>>
    %dma_start3A_1342 = tpu.memref_squeeze %dma_start3A_1341 : memref<1x320x32xf32, #tpu.memory_space<vmem>> -> memref<320x32xf32, #tpu.memory_space<vmem>>
    %dma_start3A_1343 = arith.constant 0 : i32
    %dma_start3A_1344 = tpu.memref_slice %arg4[%add3A_1336, %dma_start3A_1343] : memref<819200x32xf32, #tpu.memory_space<hbm>> -> memref<320x32xf32, #tpu.memory_space<hbm>>
    %dma_start3A_1345 = tpu.memref_slice %arg9[%dma_start3A_1338] : memref<2x!tpu.dma_semaphore, #tpu.memory_space<semaphore_mem>> -> memref<1x!tpu.dma_semaphore, #tpu.memory_space<semaphore_mem>>
    %dma_start3A_1346 = tpu.memref_squeeze %dma_start3A_1345 : memref<1x!tpu.dma_semaphore, #tpu.memory_space<semaphore_mem>> -> memref<!tpu.dma_semaphore, #tpu.memory_space<semaphore_mem>>
    %dma_start3A_1347 = arith.constant 0 : i32
    %dma_start3A_1348 = tpu.memref_slice %arg4[%add3A_1336, %dma_start3A_1347] : memref<819200x32xf32, #tpu.memory_space<hbm>> -> memref<320x32xf32, #tpu.memory_space<hbm>>
    %dma_start3A_1349 = arith.constant 0 : i32
    %dma_start3A_1350 = arith.constant 0 : i32
    %dma_start3A_1351 = tpu.memref_slice %arg6[%dma_start3A_1337, %dma_start3A_1349, %dma_start3A_1350] : memref<2x1280x32xf32, #tpu.memory_space<vmem>> -> memref<1x320x32xf32, #tpu.memory_space<vmem>>
    %dma_start3A_1352 = tpu.memref_squeeze %dma_start3A_1351 : memref<1x320x32xf32, #tpu.memory_space<vmem>> -> memref<320x32xf32, #tpu.memory_space<vmem>>
    tpu.enqueue_dma source(%dma_start3A_1352 : memref<320x32xf32, #tpu.memory_space<vmem>>) target(%dma_start3A_1348 : memref<320x32xf32, #tpu.memory_space<hbm>>) target_semaphore(%dma_start3A_1346 : memref<!tpu.dma_semaphore, #tpu.memory_space<semaphore_mem>>)
    %dma_wait3A_1353 = arith.constant 1 : i32
    %dma_wait3A_1354 = arith.constant 1 : i32
    %dma_wait3A_1355 = arith.constant 0 : i32
    %dma_wait3A_1356 = arith.constant 0 : i32
    %dma_wait3A_1357 = tpu.memref_slice %arg6[%dma_wait3A_1353, %dma_wait3A_1355, %dma_wait3A_1356] : memref<2x1280x32xf32, #tpu.memory_space<vmem>> -> memref<1x320x32xf32, #tpu.memory_space<vmem>>
    %dma_wait3A_1358 = tpu.memref_squeeze %dma_wait3A_1357 : memref<1x320x32xf32, #tpu.memory_space<vmem>> -> memref<320x32xf32, #tpu.memory_space<vmem>>
    %dma_wait3A_1359 = arith.constant 0 : i32
    %dma_wait3A_1360 = tpu.memref_slice %arg4[%add3A_1305, %dma_wait3A_1359] : memref<819200x32xf32, #tpu.memory_space<hbm>> -> memref<320x32xf32, #tpu.memory_space<hbm>>
    %dma_wait3A_1361 = tpu.memref_slice %arg9[%dma_wait3A_1354] : memref<2x!tpu.dma_semaphore, #tpu.memory_space<semaphore_mem>> -> memref<1x!tpu.dma_semaphore, #tpu.memory_space<semaphore_mem>>
    %dma_wait3A_1362 = tpu.memref_squeeze %dma_wait3A_1361 : memref<1x!tpu.dma_semaphore, #tpu.memory_space<semaphore_mem>> -> memref<!tpu.dma_semaphore, #tpu.memory_space<semaphore_mem>>
    %dma_wait3A_1363 = arith.constant 0 : i32
    %dma_wait3A_1364 = tpu.memref_slice %arg4[%add3A_1305, %dma_wait3A_1363] : memref<819200x32xf32, #tpu.memory_space<hbm>> -> memref<320x32xf32, #tpu.memory_space<hbm>>
    %dma_wait3A_1365 = arith.constant 0 : i32
    %dma_wait3A_1366 = arith.constant 0 : i32
    %dma_wait3A_1367 = tpu.memref_slice %arg6[%dma_wait3A_1353, %dma_wait3A_1365, %dma_wait3A_1366] : memref<2x1280x32xf32, #tpu.memory_space<vmem>> -> memref<1x320x32xf32, #tpu.memory_space<vmem>>
    %dma_wait3A_1368 = tpu.memref_squeeze %dma_wait3A_1367 : memref<1x320x32xf32, #tpu.memory_space<vmem>> -> memref<320x32xf32, #tpu.memory_space<vmem>>
    tpu.wait_dma2 semaphore(%dma_wait3A_1362 : memref<!tpu.dma_semaphore, #tpu.memory_space<semaphore_mem>>) src(%dma_wait3A_1368 : memref<320x32xf32, #tpu.memory_space<vmem>>) dst(%dma_wait3A_1364 : memref<320x32xf32, #tpu.memory_space<hbm>>)
    %dma_wait3A_1369 = arith.constant 0 : i32
    %dma_wait3A_1370 = arith.constant 0 : i32
    %dma_wait3A_1371 = arith.constant 0 : i32
    %dma_wait3A_1372 = arith.constant 0 : i32
    %dma_wait3A_1373 = tpu.memref_slice %arg6[%dma_wait3A_1369, %dma_wait3A_1371, %dma_wait3A_1372] : memref<2x1280x32xf32, #tpu.memory_space<vmem>> -> memref<1x320x32xf32, #tpu.memory_space<vmem>>
    %dma_wait3A_1374 = tpu.memref_squeeze %dma_wait3A_1373 : memref<1x320x32xf32, #tpu.memory_space<vmem>> -> memref<320x32xf32, #tpu.memory_space<vmem>>
    %dma_wait3A_1375 = arith.constant 0 : i32
    %dma_wait3A_1376 = tpu.memref_slice %arg4[%add3A_1336, %dma_wait3A_1375] : memref<819200x32xf32, #tpu.memory_space<hbm>> -> memref<320x32xf32, #tpu.memory_space<hbm>>
    %dma_wait3A_1377 = tpu.memref_slice %arg9[%dma_wait3A_1370] : memref<2x!tpu.dma_semaphore, #tpu.memory_space<semaphore_mem>> -> memref<1x!tpu.dma_semaphore, #tpu.memory_space<semaphore_mem>>
    %dma_wait3A_1378 = tpu.memref_squeeze %dma_wait3A_1377 : memref<1x!tpu.dma_semaphore, #tpu.memory_space<semaphore_mem>> -> memref<!tpu.dma_semaphore, #tpu.memory_space<semaphore_mem>>
    %dma_wait3A_1379 = arith.constant 0 : i32
    %dma_wait3A_1380 = tpu.memref_slice %arg4[%add3A_1336, %dma_wait3A_1379] : memref<819200x32xf32, #tpu.memory_space<hbm>> -> memref<320x32xf32, #tpu.memory_space<hbm>>
    %dma_wait3A_1381 = arith.constant 0 : i32
    %dma_wait3A_1382 = arith.constant 0 : i32
    %dma_wait3A_1383 = tpu.memref_slice %arg6[%dma_wait3A_1369, %dma_wait3A_1381, %dma_wait3A_1382] : memref<2x1280x32xf32, #tpu.memory_space<vmem>> -> memref<1x320x32xf32, #tpu.memory_space<vmem>>
    %dma_wait3A_1384 = tpu.memref_squeeze %dma_wait3A_1383 : memref<1x320x32xf32, #tpu.memory_space<vmem>> -> memref<320x32xf32, #tpu.memory_space<vmem>>
    tpu.wait_dma2 semaphore(%dma_wait3A_1378 : memref<!tpu.dma_semaphore, #tpu.memory_space<semaphore_mem>>) src(%dma_wait3A_1384 : memref<320x32xf32, #tpu.memory_space<vmem>>) dst(%dma_wait3A_1380 : memref<320x32xf32, #tpu.memory_space<hbm>>)
    return
  }
}

</mosaic_0001>

<sc_bundles>
// kernel: kernel.3.cloned.1.call-start
scs
__scs_entry_jumppad:
0x0: {  	(pc) =	sbr.rel $0x88, $3  }
0x1: {  	(tag) =	ssettag $0x0;
	lr =	simm.s32 $0x1  }
0x2: {  	[smem:$0x3F9F] =	sst lr;
	_ =	strace $0xD0000000  }
0x3: {  	_ = 	snop  }
0x4: {  	_ = 	snop  }
0x5: {  	_ = 	snop  }
0x6: {  	_ = 	snop  }
0x7: {  	_ = 	snop  }
__scs_overlays_trampoline_lowered:
0x8: {  	[smem:$0x3FAE] =	sst s0  }
0x9: {  	[smem:$0x3FAF] =	sst s1  }
0xa: {  	[smem:$0x3FB0] =	sst s2  }
0xb: {  	[smem:$0x3FB1] =	sst s3  }
0xc: {  	[smem:$0x3FB2] =	sst s4  }
0xd: {  	[smem:$0x3FB3] =	sst s5  }
0xe: {  	[smem:$0x3FB4] =	sst s6  }
0xf: {  	[smem:$0x3FB5] =	sst s7  }
0x10: {  	[smem:$0x3FB6] =	sst s8  }
0x11: {  	[smem:$0x3FB7] =	sst s9;
	s0 =	simm.s32 @!p0 $0x0  }
0x12: {  	s1 =	sld [smem:$0x3F9D];
	s0 =	simm.s32 @p0 $0x1  }
0x13: {  	[smem:$0x3FB8] =	sst s0;
	s0 =	simm.s32 @!p1 $0x0  }
0x14: {  	s2 =	sld [smem:$0x3F9C];
	s0 =	simm.s32 @p1 $0x1  }
0x15: {  	[smem:$0x3FB9] =	sst s0;
	s0 =	simm.s32 @!p2 $0x0  }
0x16: {  	s3 =	sld [smem:$0x3FDB];
	s0 =	simm.s32 @p2 $0x1  }
0x17: {  	s4 =	simm.s32 $0x1BF5;
	[smem:$0x3FBB] =	sst s0  }
0x18: {  	s0 =	sld [smem:$0x3F9E];
	_ =	swait.ge [sflag:s4], $0x0  }
0x19: {  	s7 =	sld [smem:$0x3F9F]  }
0x1a: {  	s8 =	sadd.s32 $0xFFFFE003, lr  }
0x1b: {  	s9 =	sadd.s32 $0xFFFFFEF7, lr;
	s5 =	simm.s32 $0xFFFFFFFF;
	p2 =	slt.u32 s8, $0xFFFFF086  }
0x1c: {  	p1 =	slt.u32 s9, $0xF7A;
	s5 =	simm.s32 @!p2 $0x0  }
0x1d: {  	s5 =	simm.s32 @p1 $0x1;
	p0 =	seq.s32 s7, s2  }
0x1e: {  	s7 =	smul.u32 @!p0 $0xF7A, s2;
	p2 =	seq.s32 @!p0 s5, $0x0  }
0x1f: {  	s9 =	smul.u32 $0xF7A, s1;
	s8 =	simm.s32 @!p0 $0x1BF5;
	p2 =	por !p2, p0  }
0x20: {  	[sflag:s8] =	ssyncset.s32 @!p0 $0xFFFFF086;
	s6 =	sadd.s32 @!p0 s3, s7;
	s7 =	simm.s32 @!p0 $0x108  }
0x21: {  	s3 =	sadd.s32 s3, s9;
	s6 =	sadd.s32 @!p0 $0x88, s6;
	s7 =	simm.s32 @p2 $0x1082  }
0x22: {  	[simem:s7], [sflag:s8] =	dma.local @!p0 [hbm:s6], $0xF7A  }
0x23: {  	s9 =	sor.u32 $0xD0000000, s2;
	s6 =	simm.s32 $0x108;
	_ =	swait.ge @!p0 [sflag:s8], $0x0  }
0x24: {  	s3 =	sadd.s32 $0x88, s3;
	s6 =	simm.s32 @!p1 $0x1082;
	[sflag:s4] =	ssyncset.s32 $0xFFFFF086  }
0x25: {  	[simem:s6], [sflag:s4] =	dma.local [hbm:s3], $0xF7A  }
0x26: {  	[smem:$0x3F9F] =	sst s1;
	(tag) =	ssettag s2;
	_ =	strace s9  }
0x27: {  	s1 =	sld [smem:$0x3FAF]  }
0x28: {  	s2 =	sld [smem:$0x3FB0]  }
0x29: {  	s4 =	sld [smem:$0x3FB2]  }
0x2a: {  	p0 =	seq.s32 s5, $0x0;
	s5 =	sld [smem:$0x3FB3]  }
0x2b: {  	s6 =	sld [smem:$0x3FB4]  }
0x2c: {  	s7 =	sld [smem:$0x3FB5]  }
0x2d: {  	s3 =	simm.s32 $0x108;
	s8 =	sld [smem:$0x3FB6]  }
0x2e: {  	s3 =	simm.s32 @!p0 $0x1082;
	s9 =	sld [smem:$0x3FB7]  }
0x2f: {  	lr =	sadd.s32 s0, s3;
	s0 =	sld [smem:$0x3FAE]  }
0x30: {  	s3 =	sld [smem:$0x3FB1]  }
0x31: {  	[smem:$0x3FBA] =	sst s10  }
0x32: {  	s10 =	sld [smem:$0x3FB8];
	_ =	sdelay $0x3  }
0x33: {  	p0 =	seq.s32 s10, $0x1;
	s10 =	sld [smem:$0x3FBA];
	_ =	sdelay $0x3  }
0x34: {  	[smem:$0x3FBA] =	sst s10  }
0x35: {  	s10 =	sld [smem:$0x3FB9];
	_ =	sdelay $0x3  }
0x36: {  	p1 =	seq.s32 s10, $0x1;
	s10 =	sld [smem:$0x3FBA];
	_ =	sdelay $0x3  }
0x37: {  	[smem:$0x3FBA] =	sst s10  }
0x38: {  	s10 =	sld [smem:$0x3FBB]  }
0x39: {  	_ = 	snop;
	(pc) =	sbr.ind lr, $3  }
0x3a: {  	_ = 	snop  }
0x3b: {  	_ = 	snop  }
0x3c: {  	p2 =	seq.s32 s10, $0x1;
	s10 =	sld [smem:$0x3FBA]  }
0x3d: {  	_ =	shalt  }
0x3e: {  	_ =	shalt  }
0x3f: {  	_ =	shalt  }
0x40: {  	_ =	shalt  }
0x41: {  	_ =	shalt  }
0x42: {  	_ =	shalt  }
0x43: {  	_ =	shalt  }
0x44: {  	_ =	shalt  }
0x45: {  	_ =	shalt  }
0x46: {  	_ =	shalt  }
0x47: {  	_ =	shalt  }
0x48: {  	_ =	shalt  }
0x49: {  	_ =	shalt  }
0x4a: {  	_ =	shalt  }
0x4b: {  	_ =	shalt  }
0x4c: {  	_ =	shalt  }
0x4d: {  	_ =	shalt  }
0x4e: {  	_ =	shalt  }
0x4f: {  	_ =	shalt  }
0x50: {  	_ =	shalt  }
0x51: {  	_ =	shalt  }
0x52: {  	_ =	shalt  }
0x53: {  	_ =	shalt  }
0x54: {  	_ =	shalt  }
0x55: {  	_ =	shalt  }
0x56: {  	_ =	shalt  }
0x57: {  	_ =	shalt  }
0x58: {  	_ =	shalt  }
0x59: {  	_ =	shalt  }
0x5a: {  	_ =	shalt  }
0x5b: {  	_ =	shalt  }
0x5c: {  	_ =	shalt  }
0x5d: {  	_ =	shalt  }
0x5e: {  	_ =	shalt  }
0x5f: {  	_ =	shalt  }
0x60: {  	_ =	shalt  }
0x61: {  	_ =	shalt  }
0x62: {  	_ =	shalt  }
0x63: {  	_ =	shalt  }
0x64: {  	_ =	shalt  }
0x65: {  	_ =	shalt  }
0x66: {  	_ =	shalt  }
0x67: {  	_ =	shalt  }
0x68: {  	_ =	shalt  }
0x69: {  	_ =	shalt  }
0x6a: {  	_ =	shalt  }
0x6b: {  	_ =	shalt  }
0x6c: {  	_ =	shalt  }
0x6d: {  	_ =	shalt  }
0x6e: {  	_ =	shalt  }
0x6f: {  	_ =	shalt  }
0x70: {  	_ =	shalt  }
0x71: {  	_ =	shalt  }
0x72: {  	_ =	shalt  }
0x73: {  	_ =	shalt  }
0x74: {  	_ =	shalt  }
0x75: {  	_ =	shalt  }
0x76: {  	_ =	shalt  }
0x77: {  	_ =	shalt  }
0x78: {  	_ =	shalt  }
0x79: {  	_ =	shalt  }
0x7a: {  	_ =	shalt  }
0x7b: {  	_ =	shalt  }
0x7c: {  	_ =	shalt  }
0x7d: {  	_ =	shalt  }
0x7e: {  	_ =	shalt  }
0x7f: {  	_ =	shalt  }
0x80: {  	_ =	shalt  }
0x81: {  	_ =	shalt  }
0x82: {  	_ =	shalt  }
0x83: {  	_ =	shalt  }
0x84: {  	_ =	shalt  }
0x85: {  	_ =	shalt  }
0x86: {  	_ =	shalt  }
0x87: {  	_ =	shalt  }
.Lfunc_end0:
.L_simem_size_0:
called_computation.1_lowered:
.L_overlay_start_0:
0x88: {  	s2 =	sld [smem:$0x3FD9]  }
0x89: {  	s3 =	sld [smem:$0x3FFE];
	_ =	sdelay $0x1  }
0x8a: {  	s1 =	srdreg.scid  }
0x8b: {  	s0 =	sand.u32 $0x1, s1  }
0x8c: {  	s17 =	sshll.u32 s0, $0xA;
	s2 =	sadd.s32 s3, s2  }
0x8d: {  	s2 =	sadd.s32 s2, s17  }
0x8e: {  	[smem:$0x3FC6] =	sst s2  }
0x8f: {  	_ = 	snop  }
0x90: {  	s2 =	sld [smem:$0x3FD0];
	(tm) =	ssettm $0x1  }
0x91: {  	s18 =	sld [smem:$0x3FFB];
	_ =	sdelay $0x3  }
0x92: {  	_ =	strace s18  }
0x93: {  	s3 =	sld [smem:$0x3FFC];
	_ =	sdelay $0x3  }
0x94: {  	_ =	strace s3  }
0x95: {  	s3 =	sld [smem:$0x3FFD];
	_ =	sdelay $0x3  }
0x96: {  	_ =	strace s3  }
0x97: {  	_ =	strace $0x8FFFFFFF  }
0x98: {  	s19 =	sld [smem:$0x3FDB];
	_ =	sdelay $0x1  }
0x99: {  	s4 =	simm.s32 $_scs_section_size  }
0x9a: {  	s5 =	simm.s32 $_size__tile_overlayer_lowered;
	s6 =	simm.s32 $_tile_overlayer_lowered  }
0x9b: {  	s22 =	simm.s32 $0x1BFF;
	s21 =	sshll.u32 s6, $0x1;
	s3 =	sadd.s32 s4, s19  }
0x9c: {  	s7 =	simm.s32 $0x0;
	s20 =	sshll.u32 s5, $0x1;
	s5 =	sadd.s32 s21, s3  }
0x9d: {  	[timem:s7], [sflag:s22] =	dma.local [hbm:s5], s20  }
0x9e: {  	_ =	swait.ge [sflag:s22], s20  }
0x9f: {  	s4 =	ssub.s32 $0x0, s20;
	[sflag:s22] =	ssyncset.done $0x0  }
0xa0: {  	[sflag:s22] =	ssyncadd.s32 s4;
	_ =	sdelay $0x1  }
0xa1: {  	s23 =	simm.s32 $0x1B8B  }
0xa2: {  	_ =	swait.ge [sflag:s23], $0x1  }
0xa3: {  	[sflag:s23] =	ssyncset.done $0x0  }
0xa4: {  	s25 =	simm.s32 $0x1B8E;
	s24 =	sld [smem:$0x3FFE];
	[sflag:s23] =	ssyncadd.s32 $0xFFFFFFFF  }
0xa5: {  	s26 =	simm.s32 $execute0_lowered;
	[smem:$0x3FD2] =	sst s25  }
0xa6: {  	s5 =	sshll.u32 s26, $0x1;
	_ =	strace $0x80000046;
	[dreg:$0x1] =	wrdreg $0xFFFFFFFF  }
0xa7: {  	s28 =	simm.s32 $_size_execute0_lowered;
	s3 =	sadd.s32 s3, s5;
	[dreg:$0x0] =	wrdreg $0x0  }
0xa8: {  	s5 =	sshll.u32 s28, $0x1;
	[dreg:$0x2] =	wrdreg s3  }
0xa9: {  	[dreg:$0x3] =	wrdreg s5  }
0xaa: {  	[dreg:$0x4] =	wrdreg $0xC0  }
0xab: {  	_ =	task [dreg:s7], $0x5FFFF  }
0xac: {  	[dreg:$0x1] =	wrdreg $0xFFFFFFFF  }
0xad: {  	[dreg:$0x0] =	wrdreg $0x60  }
0xae: {  	[dreg:$0x2] =	wrdreg s24  }
0xaf: {  	[dreg:$0x3] =	wrdreg s2  }
0xb0: {  	[dreg:$0x4] =	wrdreg $0x9  }
0xb1: {  	_ =	task.clear_ibuf [dreg:s7], $0x5FFFF;
	_ =	strace $0x90000046  }
0xb2: {  	s29 =	simm.s32 $0x9;
	_ =	strace $0x80000048  }
0xb3: {  	_ =	swait.ge [sflag:s29], $0x1  }
0xb4: {  	[sflag:s29] =	ssyncadd.s32 $0xFFFFFFFF  }
0xb5: {  	_ =	strace $0x90000048  }
0xb6: {  	_ =	sfence  }
0xb7: {  	s30 =	sld [smem:$0x0];
	_ =	sdelay $0x2  }
0xb8: {  	s31 =	sshll.u32 s1, $0xD;
	s1 =	sshrl.u32 s1, $0x2  }
0xb9: {  	s3 =	sand.u32 $0x4000, s31;
	s1 =	sadd.s32 s1, s30  }
0xba: {  	s0 =	sor.u32 s3, s0;
	s1 =	sshll.u32 s1, $0x11  }
0xbb: {  	s0 =	sor.u32 s1, s0  }
0xbc: {  	s0 =	sadd.s32 $0x8F2B, s0  }
0xbd: {  	[sflag:s0] =	ssyncadd.remote.s32 $0x1  }
0xbe: {  	_ =	sfence.sel $0xFFFF  }
0xbf: {  	[dreg:$0x0] =	wrdreg $0xFFFFFFFF;
	(pc) =	sbr.abs _section_cstart, $3  }
0xc0: {  	[dreg:$0x1] =	wrdreg $0xFFFFFFFF  }
0xc1: {  	_ =	task.clear_ibuf [dreg:s7], $0x2FFFF;
	_ =	strace $0x9FFFFFFF  }
0xc2: {  	(tm) =	ssettm $0x7FFFFFFF  }
0xc3: {  	_ =	shalt  }
tec
execute0_lowered:
.L_overlay_start_1:
0x0: {  	(tag) =	ssettag $0x1  }
0x1: {  	s0 =	srdreg.scid;
	s1 =	stileid.u32  }
0x2: {  	s0 =	sand.u32 $0x1, s0;
	s1 =	sshll.u32 s1, $0x1  }
0x3: {  	s1 =	sor.u32 s0, s1  }
0x4: {  	s5 =	smul.u32 $0xC80, s1  }
0x5: {  	s3 =	rddreg [dreg:$0x0];
	s2 =	simm.s32 $0x0;
	s6 =	smul.u32 $0xC8000, s1  }
0x6: {  	[smem:$0x7FF] =	sst s2;
	s1 =	smul.u32 $0x19000, s1  }
0x7: {  	s4 =	rddreg [dreg:$0x1];
	_ =	strace $0x80000047  }
0x8: {  	s5 =	sadd.s32 s5, s3;
	s6 =	sshrl.u32 s6, $0x3;
	s1 =	sadd.s32 s4, s1  }
0x9: {  	s5 =	sadd.s32 $0xA00, s5;
	s4 =	sadd.s32 s4, s6;
	[dreg:$0x4] =	wrdreg s1  }
0xa: {  	[dreg:$0x3] =	wrdreg s5;
	s23 =	sadd.s32 $0x1400, s4  }
0xb: {  	s24 =	sadd.s32 $0x2800, s4;
	[dreg:$0x5] =	wrdreg s23  }
0xc: {  	s25 =	sadd.s32 $0x3C00, s4;
	[dreg:$0x6] =	wrdreg s24  }
0xd: {  	s26 =	sadd.s32 $0x5000, s4;
	[dreg:$0x7] =	wrdreg s25  }
0xe: {  	s5 =	sadd.s32 $0x6400, s4;
	[dreg:$0x8] =	wrdreg s26  }
0xf: {  	s6 =	sadd.s32 $0x7800, s4;
	[dreg:$0x9] =	wrdreg s5  }
0x10: {  	s7 =	sadd.s32 $0x8C00, s4;
	[dreg:$0xa] =	wrdreg s6  }
0x11: {  	s8 =	sadd.s32 $0xA000, s4;
	[dreg:$0xb] =	wrdreg s7  }
0x12: {  	s31 =	simm.s32 $0x1;
	s9 =	sadd.s32 $0xB400, s4;
	[dreg:$0xc] =	wrdreg s8  }
0x13: {  	s30 =	simm.s32 $0x1900;
	s10 =	sadd.s32 $0xC800, s4;
	[dreg:$0xd] =	wrdreg s9  }
0x14: {  	s29 =	simm.s32 $0x1E00;
	s11 =	sadd.s32 $0xDC00, s4;
	[dreg:$0xe] =	wrdreg s10  }
0x15: {  	s28 =	simm.s32 $0x2300;
	s12 =	sadd.s32 $0xF000, s4;
	[dreg:$0xf] =	wrdreg s11  }
0x16: {  	p0 =	por $0x0, $0x0;
	s13 =	sadd.s32 $0x10400, s4;
	[dreg:$0x10] =	wrdreg s12  }
0x17: {  	s0 =	ssub.s32 $0x2, s0;
	s14 =	sadd.s32 $0x11800, s4;
	[dreg:$0x11] =	wrdreg s13  }
0x18: {  	s21 =	sshrl.u32 s0, $0x1;
	s15 =	sadd.s32 $0x12C00, s4;
	[dreg:$0x12] =	wrdreg s14  }
0x19: {  	s0 =	ssub.s32 s0, s21;
	s16 =	sadd.s32 $0x14000, s4;
	[dreg:$0x13] =	wrdreg s15  }
0x1a: {  	s21 =	simm.s32 $0x4100;
	s17 =	sadd.s32 $0x15400, s4;
	[dreg:$0x14] =	wrdreg s16  }
0x1b: {  	s3 =	sadd.s32 $0xF42E00, s3;
	s18 =	sadd.s32 $0x16800, s4;
	[dreg:$0x15] =	wrdreg s17  }
0x1c: {  	s0 =	smax.u32 s0, $0x1;
	s19 =	sadd.s32 $0x17C00, s4;
	[dreg:$0x16] =	wrdreg s18  }
0x1d: {  	p1 =	sne.s32 s0, $0x1;
	s20 =	sadd.s32 $0x18100, s4;
	[dreg:$0x17] =	wrdreg s19  }
0x1e: {  	s1 =	sadd.s32 $0xFFFFFFFF, s0;
	s22 =	sadd.s32 $0x18600, s4;
	[dreg:$0x18] =	wrdreg s20  }
0x1f: {  	[dreg:$0x19] =	wrdreg s22;
	s23 =	sadd.s32 $0x18B00, s4;
	s12 =	simm.s32 $0x500  }
0x20: {  	s5 =	simm.s32 $0x6400;
	s8 =	simm.s32 $0x10400;
	s6 =	simm.s32 $0x2  }
0x21: {  	s4 =	simm.s32 $0x4;
	s24 =	simm.s32 $0xA00;
	s9 =	simm.s32 $0x3  }
0x22: {  	s25 =	simm.s32 $0xF00;
	s7 =	simm.s32 $0x5;
	s26 =	simm.s32 $0x1400  }
0x23: {  	s22 =	simm.s32 $0x3C00;
	s20 =	simm.s32 $0x4600;
	s19 =	simm.s32 $0x4B00  }
0x24: {  	s18 =	simm.s32 $0x5000;
	s17 =	simm.s32 $0x5500;
	s0 =	rddreg [dreg:$0x3]  }
.Ltmp0:
0x25: {  	s16 =	simm.s32 $0x5A00;
	[dreg:$0x1a] =	wrdreg s23;
	(pc) =	sbr.rel @!p1 .LBB2_3-.Ltmp0, $4  }
0x26: {  	s10 =	simm.s32 $0x140;
	s15 =	simm.s32 $0x5F00;
	[dreg:$0x1b] =	wrdreg s24  }
0x27: {  	s14 =	simm.s32 $0x6040;
	s13 =	simm.s32 $0x6180;
	[dreg:$0x1c] =	wrdreg s25  }
0x28: {  	s11 =	simm.s32 $0x62C0;
	[dreg:$0x1d] =	wrdreg s26;
	s26 =	simm.s32 $0x2800  }
0x29: {  	s25 =	simm.s32 $0x2D00;
	s24 =	simm.s32 $0x3200;
	s23 =	simm.s32 $0x3700  }
0x2a: {  	[tilespmem:s2], [sflag:$0x1] =	stream.linear.gather [hbm4b:s0+s2], $0x6400, $0x38;
	[tilespmem:$0x1A400] =	vst v63  }
0x2b: {  	_ =	swait.ge [sflag:s31], $0x6400  }
0x2c: {  	[sflag:s31] =	ssyncset.done $0x0  }
0x2d: {  	[sflag:s31] =	ssyncadd.s32 $0xFFFF9C00  }
0x2e: {  	[tilespmem:s5], [sflag:$0x2] =	stream.indirect.gather [hbm4b:s3+s12], $0x20, s2, s12, $0xb8;
	[tilespmem:$0x1A400] =	vst v63  }
0x2f: {  	_ = 	snop  }
0x30: {  	[tilespmem:s8], [sflag:$0x3] =	stream.indirect.gather [hbm4b:s3+s12], $0x20, s12, s12, $0xb8;
	[tilespmem:$0x1A400] =	vst v63  }
0x31: {  	_ =	swait.ge [sflag:s6], $0xA000  }
0x32: {  	[sflag:s6] =	ssyncset.done $0x0  }
0x33: {  	s0 =	rddreg [dreg:$0x4];
	[sflag:s6] =	ssyncadd.s32 $0xFFFF6000  }
0x34: {  	[hbm4b:s0+s2] =	stream.linear.scatter [tilespmem:s5], [sflag:$0x4], $0xA000, $0x38;
	[tilespmem:$0x1A400] =	vst v63  }
0x35: {  	_ =	swait.ge [sflag:s4], $0xA000  }
0x36: {  	[sflag:s4] =	ssyncset.done $0x0  }
0x37: {  	s0 =	rddreg [dreg:$0x1b];
	[sflag:s4] =	ssyncadd.s32 $0xFFFF6000  }
0x38: {  	[tilespmem:s5], [sflag:$0x2] =	stream.indirect.gather [hbm4b:s3+s12], $0x20, s0, s12, $0xb8;
	[tilespmem:$0x1A400] =	vst v63  }
0x39: {  	_ =	swait.ge [sflag:s9], $0xA000  }
0x3a: {  	[sflag:s9] =	ssyncset.done $0x0  }
0x3b: {  	s0 =	rddreg [dreg:$0x5];
	[sflag:s9] =	ssyncadd.s32 $0xFFFF6000  }
0x3c: {  	[hbm4b:s0+s2] =	stream.linear.scatter [tilespmem:s8], [sflag:$0x5], $0xA000, $0x38;
	[tilespmem:$0x1A400] =	vst v63  }
0x3d: {  	_ =	swait.ge [sflag:s7], $0xA000  }
0x3e: {  	[sflag:s7] =	ssyncset.done $0x0  }
0x3f: {  	s0 =	rddreg [dreg:$0x1c];
	[sflag:s7] =	ssyncadd.s32 $0xFFFF6000  }
0x40: {  	[tilespmem:s8], [sflag:$0x3] =	stream.indirect.gather [hbm4b:s3+s12], $0x20, s0, s12, $0xb8;
	[tilespmem:$0x1A400] =	vst v63  }
0x41: {  	_ =	swait.ge [sflag:s6], $0xA000  }
0x42: {  	[sflag:s6] =	ssyncset.done $0x0  }
0x43: {  	s0 =	rddreg [dreg:$0x6];
	[sflag:s6] =	ssyncadd.s32 $0xFFFF6000  }
0x44: {  	[hbm4b:s0+s2] =	stream.linear.scatter [tilespmem:s5], [sflag:$0x4], $0xA000, $0x38;
	[tilespmem:$0x1A400] =	vst v63  }
0x45: {  	_ =	swait.ge [sflag:s4], $0xA000  }
0x46: {  	[sflag:s4] =	ssyncset.done $0x0  }
0x47: {  	s0 =	rddreg [dreg:$0x1d];
	[sflag:s4] =	ssyncadd.s32 $0xFFFF6000  }
0x48: {  	[tilespmem:s5], [sflag:$0x2] =	stream.indirect.gather [hbm4b:s3+s12], $0x20, s0, s12, $0xb8;
	[tilespmem:$0x1A400] =	vst v63  }
0x49: {  	_ =	swait.ge [sflag:s9], $0xA000  }
0x4a: {  	[sflag:s9] =	ssyncset.done $0x0  }
0x4b: {  	s0 =	rddreg [dreg:$0x7];
	[sflag:s9] =	ssyncadd.s32 $0xFFFF6000  }
0x4c: {  	[hbm4b:s0+s2] =	stream.linear.scatter [tilespmem:s8], [sflag:$0x5], $0xA000, $0x38;
	[tilespmem:$0x1A400] =	vst v63  }
0x4d: {  	_ =	swait.ge [sflag:s7], $0xA000  }
0x4e: {  	[sflag:s7] =	ssyncset.done $0x0  }
0x4f: {  	[sflag:s7] =	ssyncadd.s32 $0xFFFF6000  }
0x50: {  	[tilespmem:s8], [sflag:$0x3] =	stream.indirect.gather [hbm4b:s3+s12], $0x20, s30, s12, $0xb8;
	[tilespmem:$0x1A400] =	vst v63  }
0x51: {  	_ =	swait.ge [sflag:s6], $0xA000  }
0x52: {  	[sflag:s6] =	ssyncset.done $0x0  }
0x53: {  	s0 =	rddreg [dreg:$0x8];
	[sflag:s6] =	ssyncadd.s32 $0xFFFF6000  }
0x54: {  	[hbm4b:s0+s2] =	stream.linear.scatter [tilespmem:s5], [sflag:$0x4], $0xA000, $0x38;
	[tilespmem:$0x1A400] =	vst v63  }
0x55: {  	_ =	swait.ge [sflag:s4], $0xA000  }
0x56: {  	[sflag:s4] =	ssyncset.done $0x0  }
0x57: {  	[sflag:s4] =	ssyncadd.s32 $0xFFFF6000  }
0x58: {  	[tilespmem:s5], [sflag:$0x2] =	stream.indirect.gather [hbm4b:s3+s12], $0x20, s29, s12, $0xb8;
	[tilespmem:$0x1A400] =	vst v63  }
0x59: {  	_ =	swait.ge [sflag:s9], $0xA000  }
0x5a: {  	[sflag:s9] =	ssyncset.done $0x0  }
0x5b: {  	s0 =	rddreg [dreg:$0x9];
	[sflag:s9] =	ssyncadd.s32 $0xFFFF6000  }
0x5c: {  	[hbm4b:s0+s2] =	stream.linear.scatter [tilespmem:s8], [sflag:$0x5], $0xA000, $0x38;
	[tilespmem:$0x1A400] =	vst v63  }
0x5d: {  	_ =	swait.ge [sflag:s7], $0xA000  }
0x5e: {  	[sflag:s7] =	ssyncset.done $0x0  }
0x5f: {  	[sflag:s7] =	ssyncadd.s32 $0xFFFF6000  }
0x60: {  	[tilespmem:s8], [sflag:$0x3] =	stream.indirect.gather [hbm4b:s3+s12], $0x20, s28, s12, $0xb8;
	[tilespmem:$0x1A400] =	vst v63  }
0x61: {  	_ =	swait.ge [sflag:s6], $0xA000  }
0x62: {  	[sflag:s6] =	ssyncset.done $0x0  }
0x63: {  	s0 =	rddreg [dreg:$0xa];
	[sflag:s6] =	ssyncadd.s32 $0xFFFF6000  }
0x64: {  	[hbm4b:s0+s2] =	stream.linear.scatter [tilespmem:s5], [sflag:$0x4], $0xA000, $0x38;
	[tilespmem:$0x1A400] =	vst v63  }
0x65: {  	_ =	swait.ge [sflag:s4], $0xA000  }
0x66: {  	[sflag:s4] =	ssyncset.done $0x0  }
0x67: {  	[sflag:s4] =	ssyncadd.s32 $0xFFFF6000  }
0x68: {  	[tilespmem:s5], [sflag:$0x2] =	stream.indirect.gather [hbm4b:s3+s12], $0x20, s26, s12, $0xb8;
	[tilespmem:$0x1A400] =	vst v63  }
0x69: {  	_ =	swait.ge [sflag:s9], $0xA000  }
0x6a: {  	[sflag:s9] =	ssyncset.done $0x0  }
0x6b: {  	s0 =	rddreg [dreg:$0xb];
	[sflag:s9] =	ssyncadd.s32 $0xFFFF6000  }
0x6c: {  	[hbm4b:s0+s2] =	stream.linear.scatter [tilespmem:s8], [sflag:$0x5], $0xA000, $0x38;
	[tilespmem:$0x1A400] =	vst v63  }
0x6d: {  	_ =	swait.ge [sflag:s7], $0xA000  }
0x6e: {  	[sflag:s7] =	ssyncset.done $0x0  }
0x6f: {  	[sflag:s7] =	ssyncadd.s32 $0xFFFF6000  }
0x70: {  	[tilespmem:s8], [sflag:$0x3] =	stream.indirect.gather [hbm4b:s3+s12], $0x20, s25, s12, $0xb8;
	[tilespmem:$0x1A400] =	vst v63  }
0x71: {  	_ =	swait.ge [sflag:s6], $0xA000  }
0x72: {  	[sflag:s6] =	ssyncset.done $0x0  }
0x73: {  	s0 =	rddreg [dreg:$0xc];
	[sflag:s6] =	ssyncadd.s32 $0xFFFF6000  }
0x74: {  	[hbm4b:s0+s2] =	stream.linear.scatter [tilespmem:s5], [sflag:$0x4], $0xA000, $0x38;
	[tilespmem:$0x1A400] =	vst v63  }
0x75: {  	_ =	swait.ge [sflag:s4], $0xA000  }
0x76: {  	[sflag:s4] =	ssyncset.done $0x0  }
0x77: {  	[sflag:s4] =	ssyncadd.s32 $0xFFFF6000  }
0x78: {  	[tilespmem:s5], [sflag:$0x2] =	stream.indirect.gather [hbm4b:s3+s12], $0x20, s24, s12, $0xb8;
	[tilespmem:$0x1A400] =	vst v63  }
0x79: {  	_ =	swait.ge [sflag:s9], $0xA000  }
0x7a: {  	[sflag:s9] =	ssyncset.done $0x0  }
0x7b: {  	s0 =	rddreg [dreg:$0xd];
	[sflag:s9] =	ssyncadd.s32 $0xFFFF6000  }
0x7c: {  	[hbm4b:s0+s2] =	stream.linear.scatter [tilespmem:s8], [sflag:$0x5], $0xA000, $0x38;
	[tilespmem:$0x1A400] =	vst v63  }
0x7d: {  	_ =	swait.ge [sflag:s7], $0xA000  }
0x7e: {  	[sflag:s7] =	ssyncset.done $0x0  }
0x7f: {  	[sflag:s7] =	ssyncadd.s32 $0xFFFF6000  }
0x80: {  	[tilespmem:s8], [sflag:$0x3] =	stream.indirect.gather [hbm4b:s3+s12], $0x20, s23, s12, $0xb8;
	[tilespmem:$0x1A400] =	vst v63  }
0x81: {  	_ =	swait.ge [sflag:s6], $0xA000  }
0x82: {  	[sflag:s6] =	ssyncset.done $0x0  }
0x83: {  	s0 =	rddreg [dreg:$0xe];
	[sflag:s6] =	ssyncadd.s32 $0xFFFF6000  }
0x84: {  	[hbm4b:s0+s2] =	stream.linear.scatter [tilespmem:s5], [sflag:$0x4], $0xA000, $0x38;
	[tilespmem:$0x1A400] =	vst v63  }
0x85: {  	_ =	swait.ge [sflag:s4], $0xA000  }
0x86: {  	[sflag:s4] =	ssyncset.done $0x0  }
0x87: {  	[sflag:s4] =	ssyncadd.s32 $0xFFFF6000  }
0x88: {  	[tilespmem:s5], [sflag:$0x2] =	stream.indirect.gather [hbm4b:s3+s12], $0x20, s22, s12, $0xb8;
	[tilespmem:$0x1A400] =	vst v63  }
0x89: {  	_ =	swait.ge [sflag:s9], $0xA000  }
0x8a: {  	[sflag:s9] =	ssyncset.done $0x0  }
0x8b: {  	s0 =	rddreg [dreg:$0xf];
	[sflag:s9] =	ssyncadd.s32 $0xFFFF6000  }
0x8c: {  	[hbm4b:s0+s2] =	stream.linear.scatter [tilespmem:s8], [sflag:$0x5], $0xA000, $0x38;
	[tilespmem:$0x1A400] =	vst v63  }
0x8d: {  	_ =	swait.ge [sflag:s7], $0xA000  }
0x8e: {  	[sflag:s7] =	ssyncset.done $0x0  }
0x8f: {  	[sflag:s7] =	ssyncadd.s32 $0xFFFF6000  }
0x90: {  	[tilespmem:s8], [sflag:$0x3] =	stream.indirect.gather [hbm4b:s3+s12], $0x20, s21, s12, $0xb8;
	[tilespmem:$0x1A400] =	vst v63  }
0x91: {  	_ =	swait.ge [sflag:s6], $0xA000  }
0x92: {  	[sflag:s6] =	ssyncset.done $0x0  }
0x93: {  	s0 =	rddreg [dreg:$0x10];
	[sflag:s6] =	ssyncadd.s32 $0xFFFF6000  }
0x94: {  	[hbm4b:s0+s2] =	stream.linear.scatter [tilespmem:s5], [sflag:$0x4], $0xA000, $0x38;
	[tilespmem:$0x1A400] =	vst v63  }
0x95: {  	_ =	swait.ge [sflag:s4], $0xA000  }
0x96: {  	[sflag:s4] =	ssyncset.done $0x0  }
0x97: {  	[sflag:s4] =	ssyncadd.s32 $0xFFFF6000  }
0x98: {  	[tilespmem:s5], [sflag:$0x2] =	stream.indirect.gather [hbm4b:s3+s12], $0x20, s20, s12, $0xb8;
	[tilespmem:$0x1A400] =	vst v63  }
0x99: {  	_ =	swait.ge [sflag:s9], $0xA000  }
0x9a: {  	[sflag:s9] =	ssyncset.done $0x0  }
0x9b: {  	s0 =	rddreg [dreg:$0x11];
	[sflag:s9] =	ssyncadd.s32 $0xFFFF6000  }
0x9c: {  	[hbm4b:s0+s2] =	stream.linear.scatter [tilespmem:s8], [sflag:$0x5], $0xA000, $0x38;
	[tilespmem:$0x1A400] =	vst v63  }
0x9d: {  	_ =	swait.ge [sflag:s7], $0xA000  }
0x9e: {  	[sflag:s7] =	ssyncset.done $0x0  }
0x9f: {  	[sflag:s7] =	ssyncadd.s32 $0xFFFF6000  }
0xa0: {  	[tilespmem:s8], [sflag:$0x3] =	stream.indirect.gather [hbm4b:s3+s12], $0x20, s19, s12, $0xb8;
	[tilespmem:$0x1A400] =	vst v63  }
0xa1: {  	_ =	swait.ge [sflag:s6], $0xA000  }
0xa2: {  	[sflag:s6] =	ssyncset.done $0x0  }
0xa3: {  	s0 =	rddreg [dreg:$0x12];
	[sflag:s6] =	ssyncadd.s32 $0xFFFF6000  }
0xa4: {  	[hbm4b:s0+s2] =	stream.linear.scatter [tilespmem:s5], [sflag:$0x4], $0xA000, $0x38;
	[tilespmem:$0x1A400] =	vst v63  }
0xa5: {  	_ =	swait.ge [sflag:s4], $0xA000  }
0xa6: {  	[sflag:s4] =	ssyncset.done $0x0  }
0xa7: {  	[sflag:s4] =	ssyncadd.s32 $0xFFFF6000  }
0xa8: {  	[tilespmem:s5], [sflag:$0x2] =	stream.indirect.gather [hbm4b:s3+s12], $0x20, s18, s12, $0xb8;
	[tilespmem:$0x1A400] =	vst v63  }
0xa9: {  	_ =	swait.ge [sflag:s9], $0xA000  }
0xaa: {  	[sflag:s9] =	ssyncset.done $0x0  }
0xab: {  	s0 =	rddreg [dreg:$0x13];
	[sflag:s9] =	ssyncadd.s32 $0xFFFF6000  }
0xac: {  	[hbm4b:s0+s2] =	stream.linear.scatter [tilespmem:s8], [sflag:$0x5], $0xA000, $0x38;
	[tilespmem:$0x1A400] =	vst v63  }
0xad: {  	_ =	swait.ge [sflag:s7], $0xA000  }
0xae: {  	[sflag:s7] =	ssyncset.done $0x0  }
0xaf: {  	[sflag:s7] =	ssyncadd.s32 $0xFFFF6000  }
0xb0: {  	[tilespmem:s8], [sflag:$0x3] =	stream.indirect.gather [hbm4b:s3+s12], $0x20, s17, s12, $0xb8;
	[tilespmem:$0x1A400] =	vst v63  }
0xb1: {  	_ =	swait.ge [sflag:s6], $0xA000  }
0xb2: {  	[sflag:s6] =	ssyncset.done $0x0  }
0xb3: {  	s0 =	rddreg [dreg:$0x14];
	[sflag:s6] =	ssyncadd.s32 $0xFFFF6000  }
0xb4: {  	[hbm4b:s0+s2] =	stream.linear.scatter [tilespmem:s5], [sflag:$0x4], $0xA000, $0x38;
	[tilespmem:$0x1A400] =	vst v63  }
0xb5: {  	_ =	swait.ge [sflag:s4], $0xA000  }
0xb6: {  	[sflag:s4] =	ssyncset.done $0x0  }
0xb7: {  	[sflag:s4] =	ssyncadd.s32 $0xFFFF6000  }
0xb8: {  	[tilespmem:s5], [sflag:$0x2] =	stream.indirect.gather [hbm4b:s3+s12], $0x20, s16, s12, $0xb8;
	[tilespmem:$0x1A400] =	vst v63  }
0xb9: {  	_ =	swait.ge [sflag:s9], $0xA000  }
0xba: {  	[sflag:s9] =	ssyncset.done $0x0  }
0xbb: {  	s0 =	rddreg [dreg:$0x15];
	[sflag:s9] =	ssyncadd.s32 $0xFFFF6000  }
0xbc: {  	[hbm4b:s0+s2] =	stream.linear.scatter [tilespmem:s8], [sflag:$0x5], $0xA000, $0x38;
	[tilespmem:$0x1A400] =	vst v63  }
0xbd: {  	_ =	swait.ge [sflag:s7], $0xA000  }
0xbe: {  	[sflag:s7] =	ssyncset.done $0x0  }
0xbf: {  	[sflag:s7] =	ssyncadd.s32 $0xFFFF6000  }
0xc0: {  	[tilespmem:s8], [sflag:$0x3] =	stream.indirect.gather [hbm4b:s3+s10], $0x20, s15, s10, $0xb8;
	[tilespmem:$0x1A400] =	vst v63  }
0xc1: {  	_ =	swait.ge [sflag:s6], $0xA000  }
0xc2: {  	[sflag:s6] =	ssyncset.done $0x0  }
0xc3: {  	s0 =	rddreg [dreg:$0x16];
	[sflag:s6] =	ssyncadd.s32 $0xFFFF6000  }
0xc4: {  	[hbm4b:s0+s2] =	stream.linear.scatter [tilespmem:s5], [sflag:$0x4], $0xA000, $0x38;
	[tilespmem:$0x1A400] =	vst v63  }
0xc5: {  	_ =	swait.ge [sflag:s4], $0xA000  }
0xc6: {  	[sflag:s4] =	ssyncset.done $0x0  }
0xc7: {  	[sflag:s4] =	ssyncadd.s32 $0xFFFF6000  }
0xc8: {  	[tilespmem:s5], [sflag:$0x2] =	stream.indirect.gather [hbm4b:s3+s10], $0x20, s14, s10, $0xb8;
	[tilespmem:$0x1A400] =	vst v63  }
0xc9: {  	_ =	swait.ge [sflag:s9], $0x2800  }
0xca: {  	[sflag:s9] =	ssyncset.done $0x0  }
0xcb: {  	s0 =	rddreg [dreg:$0x17];
	[sflag:s9] =	ssyncadd.s32 $0xFFFFD800  }
0xcc: {  	[hbm4b:s0+s2] =	stream.linear.scatter [tilespmem:s8], [sflag:$0x5], $0x2800, $0x38;
	[tilespmem:$0x1A400] =	vst v63  }
0xcd: {  	_ =	swait.ge [sflag:s7], $0x2800  }
0xce: {  	[sflag:s7] =	ssyncset.done $0x0  }
0xcf: {  	[sflag:s7] =	ssyncadd.s32 $0xFFFFD800  }
0xd0: {  	[tilespmem:s8], [sflag:$0x3] =	stream.indirect.gather [hbm4b:s3+s10], $0x20, s13, s10, $0xb8;
	[tilespmem:$0x1A400] =	vst v63  }
0xd1: {  	_ =	swait.ge [sflag:s6], $0x2800  }
0xd2: {  	[sflag:s6] =	ssyncset.done $0x0  }
0xd3: {  	s0 =	rddreg [dreg:$0x18];
	[sflag:s6] =	ssyncadd.s32 $0xFFFFD800  }
0xd4: {  	[hbm4b:s0+s2] =	stream.linear.scatter [tilespmem:s5], [sflag:$0x4], $0x2800, $0x38;
	[tilespmem:$0x1A400] =	vst v63  }
0xd5: {  	_ =	swait.ge [sflag:s4], $0x2800  }
0xd6: {  	[sflag:s4] =	ssyncset.done $0x0  }
0xd7: {  	[sflag:s4] =	ssyncadd.s32 $0xFFFFD800  }
0xd8: {  	[tilespmem:s5], [sflag:$0x2] =	stream.indirect.gather [hbm4b:s3+s10], $0x20, s11, s10, $0xb8;
	[tilespmem:$0x1A400] =	vst v63  }
0xd9: {  	_ =	swait.ge [sflag:s9], $0x2800  }
0xda: {  	[sflag:s9] =	ssyncset.done $0x0  }
0xdb: {  	s0 =	rddreg [dreg:$0x19];
	[sflag:s9] =	ssyncadd.s32 $0xFFFFD800  }
0xdc: {  	[hbm4b:s0+s2] =	stream.linear.scatter [tilespmem:s8], [sflag:$0x5], $0x2800, $0x38;
	[tilespmem:$0x1A400] =	vst v63  }
0xdd: {  	_ =	swait.ge [sflag:s6], $0x2800  }
0xde: {  	[sflag:s6] =	ssyncset.done $0x0  }
0xdf: {  	p1 =	sne.s32 s1, $0x1;
	s0 =	rddreg [dreg:$0x1a];
	[sflag:s6] =	ssyncadd.s32 $0xFFFFD800  }
0xe0: {  	[hbm4b:s0+s2] =	stream.linear.scatter [tilespmem:s5], [sflag:$0x4], $0x2800, $0x38;
	[tilespmem:$0x1A400] =	vst v63  }
.Ltmp1:
0xe1: {  	_ =	swait.ge [sflag:s7], $0x2800;
	(pc) =	sbr.rel @!p1 .LBB2_3-.Ltmp1, $4  }
0xe2: {  	[sflag:s7] =	ssyncset.done $0x0  }
0xe3: {  	[sflag:s7] =	ssyncadd.s32 $0xFFFFD800  }
0xe4: {  	s1 =	sadd.s32 $0xFFFFFFFF, s1;
	_ =	swait.ge [sflag:s4], $0x2800  }
0xe5: {  	p0 =	por $0x1, $0x1;
	s0 =	rddreg [dreg:$0x3];
	[sflag:s4] =	ssyncset.done $0x0  }
.LBB2_2:
0xe6: {  	[sflag:s4] =	ssyncadd.s32 $0xFFFFD800  }
0xe7: {  	[tilespmem:s2], [sflag:$0x1] =	stream.linear.gather [hbm4b:s0+s2], $0x6400, $0x38;
	[tilespmem:$0x1A400] =	vst v63  }
0xe8: {  	_ =	swait.ge [sflag:s31], $0x6400  }
0xe9: {  	[sflag:s31] =	ssyncset.done $0x0  }
0xea: {  	[sflag:s31] =	ssyncadd.s32 $0xFFFF9C00  }
0xeb: {  	[tilespmem:s5], [sflag:$0x2] =	stream.indirect.gather [hbm4b:s3+s12], $0x20, s2, s12, $0xb8;
	[tilespmem:$0x1A400] =	vst v63  }
0xec: {  	_ = 	snop  }
0xed: {  	[tilespmem:s8], [sflag:$0x3] =	stream.indirect.gather [hbm4b:s3+s12], $0x20, s12, s12, $0xb8;
	[tilespmem:$0x1A400] =	vst v63  }
0xee: {  	_ =	swait.ge [sflag:s6], $0xA000  }
0xef: {  	[sflag:s6] =	ssyncset.done $0x0  }
0xf0: {  	s0 =	rddreg [dreg:$0x4];
	[sflag:s6] =	ssyncadd.s32 $0xFFFF6000  }
0xf1: {  	[hbm4b:s0+s2] =	stream.linear.scatter [tilespmem:s5], [sflag:$0x4], $0xA000, $0x38;
	[tilespmem:$0x1A400] =	vst v63  }
0xf2: {  	_ =	swait.ge [sflag:s4], $0xA000  }
0xf3: {  	[sflag:s4] =	ssyncset.done $0x0  }
0xf4: {  	s0 =	rddreg [dreg:$0x1b];
	[sflag:s4] =	ssyncadd.s32 $0xFFFF6000  }
0xf5: {  	[tilespmem:s5], [sflag:$0x2] =	stream.indirect.gather [hbm4b:s3+s12], $0x20, s0, s12, $0xb8;
	[tilespmem:$0x1A400] =	vst v63  }
0xf6: {  	_ =	swait.ge [sflag:s9], $0xA000  }
0xf7: {  	[sflag:s9] =	ssyncset.done $0x0  }
0xf8: {  	s0 =	rddreg [dreg:$0x5];
	[sflag:s9] =	ssyncadd.s32 $0xFFFF6000  }
0xf9: {  	[hbm4b:s0+s2] =	stream.linear.scatter [tilespmem:s8], [sflag:$0x5], $0xA000, $0x38;
	[tilespmem:$0x1A400] =	vst v63  }
0xfa: {  	_ =	swait.ge [sflag:s7], $0xA000  }
0xfb: {  	[sflag:s7] =	ssyncset.done $0x0  }
0xfc: {  	s0 =	rddreg [dreg:$0x1c];
	[sflag:s7] =	ssyncadd.s32 $0xFFFF6000  }
0xfd: {  	[tilespmem:s8], [sflag:$0x3] =	stream.indirect.gather [hbm4b:s3+s12], $0x20, s0, s12, $0xb8;
	[tilespmem:$0x1A400] =	vst v63  }
0xfe: {  	_ =	swait.ge [sflag:s6], $0xA000  }
0xff: {  	[sflag:s6] =	ssyncset.done $0x0  }
0x100: {  	s0 =	rddreg [dreg:$0x6];
	[sflag:s6] =	ssyncadd.s32 $0xFFFF6000  }
0x101: {  	[hbm4b:s0+s2] =	stream.linear.scatter [tilespmem:s5], [sflag:$0x4], $0xA000, $0x38;
	[tilespmem:$0x1A400] =	vst v63  }
0x102: {  	_ =	swait.ge [sflag:s4], $0xA000  }
0x103: {  	[sflag:s4] =	ssyncset.done $0x0  }
0x104: {  	s0 =	rddreg [dreg:$0x1d];
	[sflag:s4] =	ssyncadd.s32 $0xFFFF6000  }
0x105: {  	[tilespmem:s5], [sflag:$0x2] =	stream.indirect.gather [hbm4b:s3+s12], $0x20, s0, s12, $0xb8;
	[tilespmem:$0x1A400] =	vst v63  }
0x106: {  	_ =	swait.ge [sflag:s9], $0xA000  }
0x107: {  	[sflag:s9] =	ssyncset.done $0x0  }
0x108: {  	s0 =	rddreg [dreg:$0x7];
	[sflag:s9] =	ssyncadd.s32 $0xFFFF6000  }
0x109: {  	[hbm4b:s0+s2] =	stream.linear.scatter [tilespmem:s8], [sflag:$0x5], $0xA000, $0x38;
	[tilespmem:$0x1A400] =	vst v63  }
0x10a: {  	_ =	swait.ge [sflag:s7], $0xA000  }
0x10b: {  	[sflag:s7] =	ssyncset.done $0x0  }
0x10c: {  	[sflag:s7] =	ssyncadd.s32 $0xFFFF6000  }
0x10d: {  	[tilespmem:s8], [sflag:$0x3] =	stream.indirect.gather [hbm4b:s3+s12], $0x20, s30, s12, $0xb8;
	[tilespmem:$0x1A400] =	vst v63  }
0x10e: {  	_ =	swait.ge [sflag:s6], $0xA000  }
0x10f: {  	[sflag:s6] =	ssyncset.done $0x0  }
0x110: {  	s0 =	rddreg [dreg:$0x8];
	[sflag:s6] =	ssyncadd.s32 $0xFFFF6000  }
0x111: {  	[hbm4b:s0+s2] =	stream.linear.scatter [tilespmem:s5], [sflag:$0x4], $0xA000, $0x38;
	[tilespmem:$0x1A400] =	vst v63  }
0x112: {  	_ =	swait.ge [sflag:s4], $0xA000  }
0x113: {  	[sflag:s4] =	ssyncset.done $0x0  }
0x114: {  	[sflag:s4] =	ssyncadd.s32 $0xFFFF6000  }
0x115: {  	[tilespmem:s5], [sflag:$0x2] =	stream.indirect.gather [hbm4b:s3+s12], $0x20, s29, s12, $0xb8;
	[tilespmem:$0x1A400] =	vst v63  }
0x116: {  	_ =	swait.ge [sflag:s9], $0xA000  }
0x117: {  	[sflag:s9] =	ssyncset.done $0x0  }
0x118: {  	s0 =	rddreg [dreg:$0x9];
	[sflag:s9] =	ssyncadd.s32 $0xFFFF6000  }
0x119: {  	[hbm4b:s0+s2] =	stream.linear.scatter [tilespmem:s8], [sflag:$0x5], $0xA000, $0x38;
	[tilespmem:$0x1A400] =	vst v63  }
0x11a: {  	_ =	swait.ge [sflag:s7], $0xA000  }
0x11b: {  	[sflag:s7] =	ssyncset.done $0x0  }
0x11c: {  	[sflag:s7] =	ssyncadd.s32 $0xFFFF6000  }
0x11d: {  	[tilespmem:s8], [sflag:$0x3] =	stream.indirect.gather [hbm4b:s3+s12], $0x20, s28, s12, $0xb8;
	[tilespmem:$0x1A400] =	vst v63  }
0x11e: {  	_ =	swait.ge [sflag:s6], $0xA000  }
0x11f: {  	[sflag:s6] =	ssyncset.done $0x0  }
0x120: {  	s0 =	rddreg [dreg:$0xa];
	[sflag:s6] =	ssyncadd.s32 $0xFFFF6000  }
0x121: {  	[hbm4b:s0+s2] =	stream.linear.scatter [tilespmem:s5], [sflag:$0x4], $0xA000, $0x38;
	[tilespmem:$0x1A400] =	vst v63  }
0x122: {  	_ =	swait.ge [sflag:s4], $0xA000  }
0x123: {  	[sflag:s4] =	ssyncset.done $0x0  }
0x124: {  	[sflag:s4] =	ssyncadd.s32 $0xFFFF6000  }
0x125: {  	[tilespmem:s5], [sflag:$0x2] =	stream.indirect.gather [hbm4b:s3+s12], $0x20, s26, s12, $0xb8;
	[tilespmem:$0x1A400] =	vst v63  }
0x126: {  	_ =	swait.ge [sflag:s9], $0xA000  }
0x127: {  	[sflag:s9] =	ssyncset.done $0x0  }
0x128: {  	s0 =	rddreg [dreg:$0xb];
	[sflag:s9] =	ssyncadd.s32 $0xFFFF6000  }
0x129: {  	[hbm4b:s0+s2] =	stream.linear.scatter [tilespmem:s8], [sflag:$0x5], $0xA000, $0x38;
	[tilespmem:$0x1A400] =	vst v63  }
0x12a: {  	_ =	swait.ge [sflag:s7], $0xA000  }
0x12b: {  	[sflag:s7] =	ssyncset.done $0x0  }
0x12c: {  	[sflag:s7] =	ssyncadd.s32 $0xFFFF6000  }
0x12d: {  	[tilespmem:s8], [sflag:$0x3] =	stream.indirect.gather [hbm4b:s3+s12], $0x20, s25, s12, $0xb8;
	[tilespmem:$0x1A400] =	vst v63  }
0x12e: {  	_ =	swait.ge [sflag:s6], $0xA000  }
0x12f: {  	[sflag:s6] =	ssyncset.done $0x0  }
0x130: {  	s0 =	rddreg [dreg:$0xc];
	[sflag:s6] =	ssyncadd.s32 $0xFFFF6000  }
0x131: {  	[hbm4b:s0+s2] =	stream.linear.scatter [tilespmem:s5], [sflag:$0x4], $0xA000, $0x38;
	[tilespmem:$0x1A400] =	vst v63  }
0x132: {  	_ =	swait.ge [sflag:s4], $0xA000  }
0x133: {  	[sflag:s4] =	ssyncset.done $0x0  }
0x134: {  	[sflag:s4] =	ssyncadd.s32 $0xFFFF6000  }
0x135: {  	[tilespmem:s5], [sflag:$0x2] =	stream.indirect.gather [hbm4b:s3+s12], $0x20, s24, s12, $0xb8;
	[tilespmem:$0x1A400] =	vst v63  }
0x136: {  	_ =	swait.ge [sflag:s9], $0xA000  }
0x137: {  	[sflag:s9] =	ssyncset.done $0x0  }
0x138: {  	s0 =	rddreg [dreg:$0xd];
	[sflag:s9] =	ssyncadd.s32 $0xFFFF6000  }
0x139: {  	[hbm4b:s0+s2] =	stream.linear.scatter [tilespmem:s8], [sflag:$0x5], $0xA000, $0x38;
	[tilespmem:$0x1A400] =	vst v63  }
0x13a: {  	_ =	swait.ge [sflag:s7], $0xA000  }
0x13b: {  	[sflag:s7] =	ssyncset.done $0x0  }
0x13c: {  	[sflag:s7] =	ssyncadd.s32 $0xFFFF6000  }
0x13d: {  	[tilespmem:s8], [sflag:$0x3] =	stream.indirect.gather [hbm4b:s3+s12], $0x20, s23, s12, $0xb8;
	[tilespmem:$0x1A400] =	vst v63  }
0x13e: {  	_ =	swait.ge [sflag:s6], $0xA000  }
0x13f: {  	[sflag:s6] =	ssyncset.done $0x0  }
0x140: {  	s0 =	rddreg [dreg:$0xe];
	[sflag:s6] =	ssyncadd.s32 $0xFFFF6000  }
0x141: {  	[hbm4b:s0+s2] =	stream.linear.scatter [tilespmem:s5], [sflag:$0x4], $0xA000, $0x38;
	[tilespmem:$0x1A400] =	vst v63  }
0x142: {  	_ =	swait.ge [sflag:s4], $0xA000  }
0x143: {  	[sflag:s4] =	ssyncset.done $0x0  }
0x144: {  	[sflag:s4] =	ssyncadd.s32 $0xFFFF6000  }
0x145: {  	[tilespmem:s5], [sflag:$0x2] =	stream.indirect.gather [hbm4b:s3+s12], $0x20, s22, s12, $0xb8;
	[tilespmem:$0x1A400] =	vst v63  }
0x146: {  	_ =	swait.ge [sflag:s9], $0xA000  }
0x147: {  	[sflag:s9] =	ssyncset.done $0x0  }
0x148: {  	s0 =	rddreg [dreg:$0xf];
	[sflag:s9] =	ssyncadd.s32 $0xFFFF6000  }
0x149: {  	[hbm4b:s0+s2] =	stream.linear.scatter [tilespmem:s8], [sflag:$0x5], $0xA000, $0x38;
	[tilespmem:$0x1A400] =	vst v63  }
0x14a: {  	_ =	swait.ge [sflag:s7], $0xA000  }
0x14b: {  	[sflag:s7] =	ssyncset.done $0x0  }
0x14c: {  	[sflag:s7] =	ssyncadd.s32 $0xFFFF6000  }
0x14d: {  	[tilespmem:s8], [sflag:$0x3] =	stream.indirect.gather [hbm4b:s3+s12], $0x20, s21, s12, $0xb8;
	[tilespmem:$0x1A400] =	vst v63  }
0x14e: {  	_ =	swait.ge [sflag:s6], $0xA000  }
0x14f: {  	[sflag:s6] =	ssyncset.done $0x0  }
0x150: {  	s0 =	rddreg [dreg:$0x10];
	[sflag:s6] =	ssyncadd.s32 $0xFFFF6000  }
0x151: {  	[hbm4b:s0+s2] =	stream.linear.scatter [tilespmem:s5], [sflag:$0x4], $0xA000, $0x38;
	[tilespmem:$0x1A400] =	vst v63  }
0x152: {  	_ =	swait.ge [sflag:s4], $0xA000  }
0x153: {  	[sflag:s4] =	ssyncset.done $0x0  }
0x154: {  	[sflag:s4] =	ssyncadd.s32 $0xFFFF6000  }
0x155: {  	[tilespmem:s5], [sflag:$0x2] =	stream.indirect.gather [hbm4b:s3+s12], $0x20, s20, s12, $0xb8;
	[tilespmem:$0x1A400] =	vst v63  }
0x156: {  	_ =	swait.ge [sflag:s9], $0xA000  }
0x157: {  	[sflag:s9] =	ssyncset.done $0x0  }
0x158: {  	s0 =	rddreg [dreg:$0x11];
	[sflag:s9] =	ssyncadd.s32 $0xFFFF6000  }
0x159: {  	[hbm4b:s0+s2] =	stream.linear.scatter [tilespmem:s8], [sflag:$0x5], $0xA000, $0x38;
	[tilespmem:$0x1A400] =	vst v63  }
0x15a: {  	_ =	swait.ge [sflag:s7], $0xA000  }
0x15b: {  	[sflag:s7] =	ssyncset.done $0x0  }
0x15c: {  	[sflag:s7] =	ssyncadd.s32 $0xFFFF6000  }
0x15d: {  	[tilespmem:s8], [sflag:$0x3] =	stream.indirect.gather [hbm4b:s3+s12], $0x20, s19, s12, $0xb8;
	[tilespmem:$0x1A400] =	vst v63  }
0x15e: {  	_ =	swait.ge [sflag:s6], $0xA000  }
0x15f: {  	[sflag:s6] =	ssyncset.done $0x0  }
0x160: {  	s0 =	rddreg [dreg:$0x12];
	[sflag:s6] =	ssyncadd.s32 $0xFFFF6000  }
0x161: {  	[hbm4b:s0+s2] =	stream.linear.scatter [tilespmem:s5], [sflag:$0x4], $0xA000, $0x38;
	[tilespmem:$0x1A400] =	vst v63  }
0x162: {  	_ =	swait.ge [sflag:s4], $0xA000  }
0x163: {  	[sflag:s4] =	ssyncset.done $0x0  }
0x164: {  	[sflag:s4] =	ssyncadd.s32 $0xFFFF6000  }
0x165: {  	[tilespmem:s5], [sflag:$0x2] =	stream.indirect.gather [hbm4b:s3+s12], $0x20, s18, s12, $0xb8;
	[tilespmem:$0x1A400] =	vst v63  }
0x166: {  	_ =	swait.ge [sflag:s9], $0xA000  }
0x167: {  	[sflag:s9] =	ssyncset.done $0x0  }
0x168: {  	s0 =	rddreg [dreg:$0x13];
	[sflag:s9] =	ssyncadd.s32 $0xFFFF6000  }
0x169: {  	[hbm4b:s0+s2] =	stream.linear.scatter [tilespmem:s8], [sflag:$0x5], $0xA000, $0x38;
	[tilespmem:$0x1A400] =	vst v63  }
0x16a: {  	_ =	swait.ge [sflag:s7], $0xA000  }
0x16b: {  	[sflag:s7] =	ssyncset.done $0x0  }
0x16c: {  	[sflag:s7] =	ssyncadd.s32 $0xFFFF6000  }
0x16d: {  	[tilespmem:s8], [sflag:$0x3] =	stream.indirect.gather [hbm4b:s3+s12], $0x20, s17, s12, $0xb8;
	[tilespmem:$0x1A400] =	vst v63  }
0x16e: {  	_ =	swait.ge [sflag:s6], $0xA000  }
0x16f: {  	[sflag:s6] =	ssyncset.done $0x0  }
0x170: {  	s0 =	rddreg [dreg:$0x14];
	[sflag:s6] =	ssyncadd.s32 $0xFFFF6000  }
0x171: {  	[hbm4b:s0+s2] =	stream.linear.scatter [tilespmem:s5], [sflag:$0x4], $0xA000, $0x38;
	[tilespmem:$0x1A400] =	vst v63  }
0x172: {  	_ =	swait.ge [sflag:s4], $0xA000  }
0x173: {  	[sflag:s4] =	ssyncset.done $0x0  }
0x174: {  	[sflag:s4] =	ssyncadd.s32 $0xFFFF6000  }
0x175: {  	[tilespmem:s5], [sflag:$0x2] =	stream.indirect.gather [hbm4b:s3+s12], $0x20, s16, s12, $0xb8;
	[tilespmem:$0x1A400] =	vst v63  }
0x176: {  	_ =	swait.ge [sflag:s9], $0xA000  }
0x177: {  	[sflag:s9] =	ssyncset.done $0x0  }
0x178: {  	s0 =	rddreg [dreg:$0x15];
	[sflag:s9] =	ssyncadd.s32 $0xFFFF6000  }
0x179: {  	[hbm4b:s0+s2] =	stream.linear.scatter [tilespmem:s8], [sflag:$0x5], $0xA000, $0x38;
	[tilespmem:$0x1A400] =	vst v63  }
0x17a: {  	_ =	swait.ge [sflag:s7], $0xA000  }
0x17b: {  	[sflag:s7] =	ssyncset.done $0x0  }
0x17c: {  	[sflag:s7] =	ssyncadd.s32 $0xFFFF6000  }
0x17d: {  	[tilespmem:s8], [sflag:$0x3] =	stream.indirect.gather [hbm4b:s3+s10], $0x20, s15, s10, $0xb8;
	[tilespmem:$0x1A400] =	vst v63  }
0x17e: {  	_ =	swait.ge [sflag:s6], $0xA000  }
0x17f: {  	[sflag:s6] =	ssyncset.done $0x0  }
0x180: {  	s0 =	rddreg [dreg:$0x16];
	[sflag:s6] =	ssyncadd.s32 $0xFFFF6000  }
0x181: {  	[hbm4b:s0+s2] =	stream.linear.scatter [tilespmem:s5], [sflag:$0x4], $0xA000, $0x38;
	[tilespmem:$0x1A400] =	vst v63  }
0x182: {  	_ =	swait.ge [sflag:s4], $0xA000  }
0x183: {  	[sflag:s4] =	ssyncset.done $0x0  }
0x184: {  	[sflag:s4] =	ssyncadd.s32 $0xFFFF6000  }
0x185: {  	[tilespmem:s5], [sflag:$0x2] =	stream.indirect.gather [hbm4b:s3+s10], $0x20, s14, s10, $0xb8;
	[tilespmem:$0x1A400] =	vst v63  }
0x186: {  	_ =	swait.ge [sflag:s9], $0x2800  }
0x187: {  	[sflag:s9] =	ssyncset.done $0x0  }
0x188: {  	s0 =	rddreg [dreg:$0x17];
	[sflag:s9] =	ssyncadd.s32 $0xFFFFD800  }
0x189: {  	[hbm4b:s0+s2] =	stream.linear.scatter [tilespmem:s8], [sflag:$0x5], $0x2800, $0x38;
	[tilespmem:$0x1A400] =	vst v63  }
0x18a: {  	_ =	swait.ge [sflag:s7], $0x2800  }
0x18b: {  	[sflag:s7] =	ssyncset.done $0x0  }
0x18c: {  	[sflag:s7] =	ssyncadd.s32 $0xFFFFD800  }
0x18d: {  	[tilespmem:s8], [sflag:$0x3] =	stream.indirect.gather [hbm4b:s3+s10], $0x20, s13, s10, $0xb8;
	[tilespmem:$0x1A400] =	vst v63  }
0x18e: {  	_ =	swait.ge [sflag:s6], $0x2800  }
0x18f: {  	[sflag:s6] =	ssyncset.done $0x0  }
0x190: {  	s0 =	rddreg [dreg:$0x18];
	[sflag:s6] =	ssyncadd.s32 $0xFFFFD800  }
0x191: {  	[hbm4b:s0+s2] =	stream.linear.scatter [tilespmem:s5], [sflag:$0x4], $0x2800, $0x38;
	[tilespmem:$0x1A400] =	vst v63  }
0x192: {  	_ =	swait.ge [sflag:s4], $0x2800  }
0x193: {  	[sflag:s4] =	ssyncset.done $0x0  }
0x194: {  	[sflag:s4] =	ssyncadd.s32 $0xFFFFD800  }
0x195: {  	[tilespmem:s5], [sflag:$0x2] =	stream.indirect.gather [hbm4b:s3+s10], $0x20, s11, s10, $0xb8;
	[tilespmem:$0x1A400] =	vst v63  }
0x196: {  	_ =	swait.ge [sflag:s9], $0x2800  }
0x197: {  	[sflag:s9] =	ssyncset.done $0x0  }
0x198: {  	s0 =	rddreg [dreg:$0x19];
	[sflag:s9] =	ssyncadd.s32 $0xFFFFD800  }
0x199: {  	[hbm4b:s0+s2] =	stream.linear.scatter [tilespmem:s8], [sflag:$0x5], $0x2800, $0x38;
	[tilespmem:$0x1A400] =	vst v63  }
0x19a: {  	_ =	swait.ge [sflag:s6], $0x2800  }
0x19b: {  	[sflag:s6] =	ssyncset.done $0x0  }
0x19c: {  	p1 =	sne.s32 s1, $0x1;
	s0 =	rddreg [dreg:$0x1a];
	[sflag:s6] =	ssyncadd.s32 $0xFFFFD800  }
0x19d: {  	[hbm4b:s0+s2] =	stream.linear.scatter [tilespmem:s5], [sflag:$0x4], $0x2800, $0x38;
	[tilespmem:$0x1A400] =	vst v63  }
.Ltmp2:
0x19e: {  	_ =	swait.ge [sflag:s7], $0x2800;
	(pc) =	sbr.rel @p1 .LBB2_2-.Ltmp2, $4  }
0x19f: {  	[sflag:s7] =	ssyncset.done $0x0  }
0x1a0: {  	[sflag:s7] =	ssyncadd.s32 $0xFFFFD800  }
0x1a1: {  	_ =	swait.ge [sflag:s4], $0x2800  }
0x1a2: {  	s1 =	sadd.s32 $0xFFFFFFFF, s1;
	s0 =	rddreg [dreg:$0x3];
	[sflag:s4] =	ssyncset.done $0x0  }
.LBB2_3:
0x1a3: {  	[sflag:s4] =	ssyncadd.s32 @p0 $0xFFFFD800  }
0x1a4: {  	[tilespmem:s2], [sflag:$0x1] =	stream.linear.gather [hbm4b:s0+s2], $0x6400, $0x38;
	[tilespmem:$0x1A400] =	vst v63  }
0x1a5: {  	_ =	swait.ge [sflag:s31], $0x6400  }
0x1a6: {  	[sflag:s31] =	ssyncset.done $0x0  }
0x1a7: {  	[sflag:s31] =	ssyncadd.s32 $0xFFFF9C00  }
0x1a8: {  	[tilespmem:s5], [sflag:$0x2] =	stream.indirect.gather [hbm4b:s3+s12], $0x20, s2, s12, $0xb8;
	[tilespmem:$0x1A400] =	vst v63  }
0x1a9: {  	_ = 	snop  }
0x1aa: {  	[tilespmem:s8], [sflag:$0x3] =	stream.indirect.gather [hbm4b:s3+s12], $0x20, s12, s12, $0xb8;
	[tilespmem:$0x1A400] =	vst v63  }
0x1ab: {  	_ =	swait.ge [sflag:s6], $0xA000  }
0x1ac: {  	[sflag:s6] =	ssyncset.done $0x0  }
0x1ad: {  	s1 =	rddreg [dreg:$0x4];
	[sflag:s6] =	ssyncadd.s32 $0xFFFF6000  }
0x1ae: {  	[hbm4b:s1+s2] =	stream.linear.scatter [tilespmem:s5], [sflag:$0x4], $0xA000, $0x38;
	[tilespmem:$0x1A400] =	vst v63  }
0x1af: {  	_ =	swait.ge [sflag:s4], $0xA000  }
0x1b0: {  	[sflag:s4] =	ssyncset.done $0x0  }
0x1b1: {  	s31 =	rddreg [dreg:$0x1b];
	[sflag:s4] =	ssyncadd.s32 $0xFFFF6000  }
0x1b2: {  	[tilespmem:s5], [sflag:$0x2] =	stream.indirect.gather [hbm4b:s3+s12], $0x20, s31, s12, $0xb8;
	[tilespmem:$0x1A400] =	vst v63  }
0x1b3: {  	_ =	swait.ge [sflag:s9], $0xA000  }
0x1b4: {  	[sflag:s9] =	ssyncset.done $0x0  }
0x1b5: {  	s1 =	rddreg [dreg:$0x5];
	[sflag:s9] =	ssyncadd.s32 $0xFFFF6000  }
0x1b6: {  	[hbm4b:s1+s2] =	stream.linear.scatter [tilespmem:s8], [sflag:$0x5], $0xA000, $0x38;
	[tilespmem:$0x1A400] =	vst v63  }
0x1b7: {  	_ =	swait.ge [sflag:s7], $0xA000  }
0x1b8: {  	[sflag:s7] =	ssyncset.done $0x0  }
0x1b9: {  	s31 =	rddreg [dreg:$0x1c];
	[sflag:s7] =	ssyncadd.s32 $0xFFFF6000  }
0x1ba: {  	[tilespmem:s8], [sflag:$0x3] =	stream.indirect.gather [hbm4b:s3+s12], $0x20, s31, s12, $0xb8;
	[tilespmem:$0x1A400] =	vst v63  }
0x1bb: {  	_ =	swait.ge [sflag:s6], $0xA000  }
0x1bc: {  	[sflag:s6] =	ssyncset.done $0x0  }
0x1bd: {  	s1 =	rddreg [dreg:$0x6];
	[sflag:s6] =	ssyncadd.s32 $0xFFFF6000  }
0x1be: {  	[hbm4b:s1+s2] =	stream.linear.scatter [tilespmem:s5], [sflag:$0x4], $0xA000, $0x38;
	[tilespmem:$0x1A400] =	vst v63  }
0x1bf: {  	_ =	swait.ge [sflag:s4], $0xA000  }
0x1c0: {  	[sflag:s4] =	ssyncset.done $0x0  }
0x1c1: {  	s31 =	rddreg [dreg:$0x1d];
	[sflag:s4] =	ssyncadd.s32 $0xFFFF6000  }
0x1c2: {  	[tilespmem:s5], [sflag:$0x2] =	stream.indirect.gather [hbm4b:s3+s12], $0x20, s31, s12, $0xb8;
	[tilespmem:$0x1A400] =	vst v63  }
0x1c3: {  	_ =	swait.ge [sflag:s9], $0xA000  }
0x1c4: {  	[sflag:s9] =	ssyncset.done $0x0  }
0x1c5: {  	s1 =	rddreg [dreg:$0x7];
	[sflag:s9] =	ssyncadd.s32 $0xFFFF6000  }
0x1c6: {  	[hbm4b:s1+s2] =	stream.linear.scatter [tilespmem:s8], [sflag:$0x5], $0xA000, $0x38;
	[tilespmem:$0x1A400] =	vst v63  }
0x1c7: {  	_ =	swait.ge [sflag:s7], $0xA000  }
0x1c8: {  	[sflag:s7] =	ssyncset.done $0x0  }
0x1c9: {  	[sflag:s7] =	ssyncadd.s32 $0xFFFF6000  }
0x1ca: {  	[tilespmem:s8], [sflag:$0x3] =	stream.indirect.gather [hbm4b:s3+s12], $0x20, s30, s12, $0xb8;
	[tilespmem:$0x1A400] =	vst v63  }
0x1cb: {  	_ =	swait.ge [sflag:s6], $0xA000  }
0x1cc: {  	[sflag:s6] =	ssyncset.done $0x0  }
0x1cd: {  	s30 =	rddreg [dreg:$0x8];
	[sflag:s6] =	ssyncadd.s32 $0xFFFF6000  }
0x1ce: {  	[hbm4b:s30+s2] =	stream.linear.scatter [tilespmem:s5], [sflag:$0x4], $0xA000, $0x38;
	[tilespmem:$0x1A400] =	vst v63  }
0x1cf: {  	_ =	swait.ge [sflag:s4], $0xA000  }
0x1d0: {  	[sflag:s4] =	ssyncset.done $0x0  }
0x1d1: {  	[sflag:s4] =	ssyncadd.s32 $0xFFFF6000  }
0x1d2: {  	[tilespmem:s5], [sflag:$0x2] =	stream.indirect.gather [hbm4b:s3+s12], $0x20, s29, s12, $0xb8;
	[tilespmem:$0x1A400] =	vst v63  }
0x1d3: {  	_ =	swait.ge [sflag:s9], $0xA000  }
0x1d4: {  	[sflag:s9] =	ssyncset.done $0x0  }
0x1d5: {  	s31 =	rddreg [dreg:$0x9];
	[sflag:s9] =	ssyncadd.s32 $0xFFFF6000  }
0x1d6: {  	[hbm4b:s31+s2] =	stream.linear.scatter [tilespmem:s8], [sflag:$0x5], $0xA000, $0x38;
	[tilespmem:$0x1A400] =	vst v63  }
0x1d7: {  	_ =	swait.ge [sflag:s7], $0xA000  }
0x1d8: {  	[sflag:s7] =	ssyncset.done $0x0  }
0x1d9: {  	[sflag:s7] =	ssyncadd.s32 $0xFFFF6000  }
0x1da: {  	[tilespmem:s8], [sflag:$0x3] =	stream.indirect.gather [hbm4b:s3+s12], $0x20, s28, s12, $0xb8;
	[tilespmem:$0x1A400] =	vst v63  }
0x1db: {  	_ =	swait.ge [sflag:s6], $0xA000  }
0x1dc: {  	[sflag:s6] =	ssyncset.done $0x0  }
0x1dd: {  	s1 =	rddreg [dreg:$0xa];
	[sflag:s6] =	ssyncadd.s32 $0xFFFF6000  }
0x1de: {  	[hbm4b:s1+s2] =	stream.linear.scatter [tilespmem:s5], [sflag:$0x4], $0xA000, $0x38;
	[tilespmem:$0x1A400] =	vst v63  }
0x1df: {  	_ =	swait.ge [sflag:s4], $0xA000  }
0x1e0: {  	[sflag:s4] =	ssyncset.done $0x0  }
0x1e1: {  	[sflag:s4] =	ssyncadd.s32 $0xFFFF6000  }
0x1e2: {  	[tilespmem:s5], [sflag:$0x2] =	stream.indirect.gather [hbm4b:s3+s12], $0x20, s26, s12, $0xb8;
	[tilespmem:$0x1A400] =	vst v63  }
0x1e3: {  	_ =	swait.ge [sflag:s9], $0xA000  }
0x1e4: {  	[sflag:s9] =	ssyncset.done $0x0  }
0x1e5: {  	s26 =	rddreg [dreg:$0xb];
	[sflag:s9] =	ssyncadd.s32 $0xFFFF6000  }
0x1e6: {  	[hbm4b:s26+s2] =	stream.linear.scatter [tilespmem:s8], [sflag:$0x5], $0xA000, $0x38;
	[tilespmem:$0x1A400] =	vst v63  }
0x1e7: {  	_ =	swait.ge [sflag:s7], $0xA000  }
0x1e8: {  	[sflag:s7] =	ssyncset.done $0x0  }
0x1e9: {  	[sflag:s7] =	ssyncadd.s32 $0xFFFF6000  }
0x1ea: {  	[tilespmem:s8], [sflag:$0x3] =	stream.indirect.gather [hbm4b:s3+s12], $0x20, s25, s12, $0xb8;
	[tilespmem:$0x1A400] =	vst v63  }
0x1eb: {  	_ =	swait.ge [sflag:s6], $0xA000  }
0x1ec: {  	[sflag:s6] =	ssyncset.done $0x0  }
0x1ed: {  	s28 =	rddreg [dreg:$0xc];
	[sflag:s6] =	ssyncadd.s32 $0xFFFF6000  }
0x1ee: {  	[hbm4b:s28+s2] =	stream.linear.scatter [tilespmem:s5], [sflag:$0x4], $0xA000, $0x38;
	[tilespmem:$0x1A400] =	vst v63  }
0x1ef: {  	_ =	swait.ge [sflag:s4], $0xA000  }
0x1f0: {  	[sflag:s4] =	ssyncset.done $0x0  }
0x1f1: {  	[sflag:s4] =	ssyncadd.s32 $0xFFFF6000  }
0x1f2: {  	[tilespmem:s5], [sflag:$0x2] =	stream.indirect.gather [hbm4b:s3+s12], $0x20, s24, s12, $0xb8;
	[tilespmem:$0x1A400] =	vst v63  }
0x1f3: {  	_ =	swait.ge [sflag:s9], $0xA000  }
0x1f4: {  	[sflag:s9] =	ssyncset.done $0x0  }
0x1f5: {  	s29 =	rddreg [dreg:$0xd];
	[sflag:s9] =	ssyncadd.s32 $0xFFFF6000  }
0x1f6: {  	[hbm4b:s29+s2] =	stream.linear.scatter [tilespmem:s8], [sflag:$0x5], $0xA000, $0x38;
	[tilespmem:$0x1A400] =	vst v63  }
0x1f7: {  	_ =	swait.ge [sflag:s7], $0xA000  }
0x1f8: {  	[sflag:s7] =	ssyncset.done $0x0  }
0x1f9: {  	[sflag:s7] =	ssyncadd.s32 $0xFFFF6000  }
0x1fa: {  	[tilespmem:s8], [sflag:$0x3] =	stream.indirect.gather [hbm4b:s3+s12], $0x20, s23, s12, $0xb8;
	[tilespmem:$0x1A400] =	vst v63  }
0x1fb: {  	_ =	swait.ge [sflag:s6], $0xA000  }
0x1fc: {  	[sflag:s6] =	ssyncset.done $0x0  }
0x1fd: {  	s30 =	rddreg [dreg:$0xe];
	[sflag:s6] =	ssyncadd.s32 $0xFFFF6000  }
0x1fe: {  	[hbm4b:s30+s2] =	stream.linear.scatter [tilespmem:s5], [sflag:$0x4], $0xA000, $0x38;
	[tilespmem:$0x1A400] =	vst v63  }
0x1ff: {  	_ =	swait.ge [sflag:s4], $0xA000  }
0x200: {  	[sflag:s4] =	ssyncset.done $0x0  }
0x201: {  	[sflag:s4] =	ssyncadd.s32 $0xFFFF6000  }
0x202: {  	[tilespmem:s5], [sflag:$0x2] =	stream.indirect.gather [hbm4b:s3+s12], $0x20, s22, s12, $0xb8;
	[tilespmem:$0x1A400] =	vst v63  }
0x203: {  	_ =	swait.ge [sflag:s9], $0xA000  }
0x204: {  	[sflag:s9] =	ssyncset.done $0x0  }
0x205: {  	s31 =	rddreg [dreg:$0xf];
	[sflag:s9] =	ssyncadd.s32 $0xFFFF6000  }
0x206: {  	[hbm4b:s31+s2] =	stream.linear.scatter [tilespmem:s8], [sflag:$0x5], $0xA000, $0x38;
	[tilespmem:$0x1A400] =	vst v63  }
0x207: {  	_ =	swait.ge [sflag:s7], $0xA000  }
0x208: {  	[sflag:s7] =	ssyncset.done $0x0  }
0x209: {  	[sflag:s7] =	ssyncadd.s32 $0xFFFF6000  }
0x20a: {  	[tilespmem:s8], [sflag:$0x3] =	stream.indirect.gather [hbm4b:s3+s12], $0x20, s21, s12, $0xb8;
	[tilespmem:$0x1A400] =	vst v63  }
0x20b: {  	_ =	swait.ge [sflag:s6], $0xA000  }
0x20c: {  	[sflag:s6] =	ssyncset.done $0x0  }
0x20d: {  	s1 =	rddreg [dreg:$0x10];
	[sflag:s6] =	ssyncadd.s32 $0xFFFF6000  }
0x20e: {  	[hbm4b:s1+s2] =	stream.linear.scatter [tilespmem:s5], [sflag:$0x4], $0xA000, $0x38;
	[tilespmem:$0x1A400] =	vst v63  }
0x20f: {  	_ =	swait.ge [sflag:s4], $0xA000  }
0x210: {  	[sflag:s4] =	ssyncset.done $0x0  }
0x211: {  	[sflag:s4] =	ssyncadd.s32 $0xFFFF6000  }
0x212: {  	[tilespmem:s5], [sflag:$0x2] =	stream.indirect.gather [hbm4b:s3+s12], $0x20, s20, s12, $0xb8;
	[tilespmem:$0x1A400] =	vst v63  }
0x213: {  	_ =	swait.ge [sflag:s9], $0xA000  }
0x214: {  	[sflag:s9] =	ssyncset.done $0x0  }
0x215: {  	s20 =	rddreg [dreg:$0x11];
	[sflag:s9] =	ssyncadd.s32 $0xFFFF6000  }
0x216: {  	[hbm4b:s20+s2] =	stream.linear.scatter [tilespmem:s8], [sflag:$0x5], $0xA000, $0x38;
	[tilespmem:$0x1A400] =	vst v63  }
0x217: {  	_ =	swait.ge [sflag:s7], $0xA000  }
0x218: {  	[sflag:s7] =	ssyncset.done $0x0  }
0x219: {  	[sflag:s7] =	ssyncadd.s32 $0xFFFF6000  }
0x21a: {  	[tilespmem:s8], [sflag:$0x3] =	stream.indirect.gather [hbm4b:s3+s12], $0x20, s19, s12, $0xb8;
	[tilespmem:$0x1A400] =	vst v63  }
0x21b: {  	_ =	swait.ge [sflag:s6], $0xA000  }
0x21c: {  	[sflag:s6] =	ssyncset.done $0x0  }
0x21d: {  	s21 =	rddreg [dreg:$0x12];
	[sflag:s6] =	ssyncadd.s32 $0xFFFF6000  }
0x21e: {  	[hbm4b:s21+s2] =	stream.linear.scatter [tilespmem:s5], [sflag:$0x4], $0xA000, $0x38;
	[tilespmem:$0x1A400] =	vst v63  }
0x21f: {  	_ =	swait.ge [sflag:s4], $0xA000  }
0x220: {  	[sflag:s4] =	ssyncset.done $0x0  }
0x221: {  	[sflag:s4] =	ssyncadd.s32 $0xFFFF6000  }
0x222: {  	[tilespmem:s5], [sflag:$0x2] =	stream.indirect.gather [hbm4b:s3+s12], $0x20, s18, s12, $0xb8;
	[tilespmem:$0x1A400] =	vst v63  }
0x223: {  	_ =	swait.ge [sflag:s9], $0xA000  }
0x224: {  	[sflag:s9] =	ssyncset.done $0x0  }
0x225: {  	s22 =	rddreg [dreg:$0x13];
	[sflag:s9] =	ssyncadd.s32 $0xFFFF6000  }
0x226: {  	[hbm4b:s22+s2] =	stream.linear.scatter [tilespmem:s8], [sflag:$0x5], $0xA000, $0x38;
	[tilespmem:$0x1A400] =	vst v63  }
0x227: {  	_ =	swait.ge [sflag:s7], $0xA000  }
0x228: {  	[sflag:s7] =	ssyncset.done $0x0  }
0x229: {  	[sflag:s7] =	ssyncadd.s32 $0xFFFF6000  }
0x22a: {  	[tilespmem:s8], [sflag:$0x3] =	stream.indirect.gather [hbm4b:s3+s12], $0x20, s17, s12, $0xb8;
	[tilespmem:$0x1A400] =	vst v63  }
0x22b: {  	_ =	swait.ge [sflag:s6], $0xA000  }
0x22c: {  	[sflag:s6] =	ssyncset.done $0x0  }
0x22d: {  	s23 =	rddreg [dreg:$0x14];
	[sflag:s6] =	ssyncadd.s32 $0xFFFF6000  }
0x22e: {  	[hbm4b:s23+s2] =	stream.linear.scatter [tilespmem:s5], [sflag:$0x4], $0xA000, $0x38;
	[tilespmem:$0x1A400] =	vst v63  }
0x22f: {  	_ =	swait.ge [sflag:s4], $0xA000  }
0x230: {  	[sflag:s4] =	ssyncset.done $0x0  }
0x231: {  	[sflag:s4] =	ssyncadd.s32 $0xFFFF6000  }
0x232: {  	[tilespmem:s5], [sflag:$0x2] =	stream.indirect.gather [hbm4b:s3+s12], $0x20, s16, s12, $0xb8;
	[tilespmem:$0x1A400] =	vst v63  }
0x233: {  	_ =	swait.ge [sflag:s9], $0xA000  }
0x234: {  	[sflag:s9] =	ssyncset.done $0x0  }
0x235: {  	s24 =	rddreg [dreg:$0x15];
	[sflag:s9] =	ssyncadd.s32 $0xFFFF6000  }
0x236: {  	[hbm4b:s24+s2] =	stream.linear.scatter [tilespmem:s8], [sflag:$0x5], $0xA000, $0x38;
	[tilespmem:$0x1A400] =	vst v63  }
0x237: {  	_ =	swait.ge [sflag:s7], $0xA000  }
0x238: {  	[sflag:s7] =	ssyncset.done $0x0  }
0x239: {  	[sflag:s7] =	ssyncadd.s32 $0xFFFF6000  }
0x23a: {  	[tilespmem:s8], [sflag:$0x3] =	stream.indirect.gather [hbm4b:s3+s10], $0x20, s15, s10, $0xb8;
	[tilespmem:$0x1A400] =	vst v63  }
0x23b: {  	_ =	swait.ge [sflag:s6], $0xA000  }
0x23c: {  	[sflag:s6] =	ssyncset.done $0x0  }
0x23d: {  	s25 =	rddreg [dreg:$0x16];
	[sflag:s6] =	ssyncadd.s32 $0xFFFF6000  }
0x23e: {  	[hbm4b:s25+s2] =	stream.linear.scatter [tilespmem:s5], [sflag:$0x4], $0xA000, $0x38;
	[tilespmem:$0x1A400] =	vst v63  }
0x23f: {  	_ =	swait.ge [sflag:s4], $0xA000  }
0x240: {  	[sflag:s4] =	ssyncset.done $0x0  }
0x241: {  	[sflag:s4] =	ssyncadd.s32 $0xFFFF6000  }
0x242: {  	[tilespmem:s5], [sflag:$0x2] =	stream.indirect.gather [hbm4b:s3+s10], $0x20, s14, s10, $0xb8;
	[tilespmem:$0x1A400] =	vst v63  }
0x243: {  	_ =	swait.ge [sflag:s9], $0x2800  }
0x244: {  	[sflag:s9] =	ssyncset.done $0x0  }
0x245: {  	s26 =	rddreg [dreg:$0x17];
	[sflag:s9] =	ssyncadd.s32 $0xFFFFD800  }
0x246: {  	[hbm4b:s26+s2] =	stream.linear.scatter [tilespmem:s8], [sflag:$0x5], $0x2800, $0x38;
	[tilespmem:$0x1A400] =	vst v63  }
0x247: {  	_ =	swait.ge [sflag:s7], $0x2800  }
0x248: {  	[sflag:s7] =	ssyncset.done $0x0  }
0x249: {  	[sflag:s7] =	ssyncadd.s32 $0xFFFFD800  }
0x24a: {  	[tilespmem:s8], [sflag:$0x3] =	stream.indirect.gather [hbm4b:s3+s10], $0x20, s13, s10, $0xb8;
	[tilespmem:$0x1A400] =	vst v63  }
0x24b: {  	_ =	swait.ge [sflag:s6], $0x2800  }
0x24c: {  	[sflag:s6] =	ssyncset.done $0x0  }
0x24d: {  	s28 =	rddreg [dreg:$0x18];
	[sflag:s6] =	ssyncadd.s32 $0xFFFFD800  }
0x24e: {  	[hbm4b:s28+s2] =	stream.linear.scatter [tilespmem:s5], [sflag:$0x4], $0x2800, $0x38;
	[tilespmem:$0x1A400] =	vst v63  }
0x24f: {  	_ =	swait.ge [sflag:s4], $0x2800  }
0x250: {  	[sflag:s4] =	ssyncset.done $0x0  }
0x251: {  	[sflag:s4] =	ssyncadd.s32 $0xFFFFD800  }
0x252: {  	[tilespmem:s5], [sflag:$0x2] =	stream.indirect.gather [hbm4b:s3+s10], $0x20, s11, s10, $0xb8;
	[tilespmem:$0x1A400] =	vst v63  }
0x253: {  	_ =	swait.ge [sflag:s9], $0x2800  }
0x254: {  	[sflag:s9] =	ssyncset.done $0x0  }
0x255: {  	s29 =	rddreg [dreg:$0x19];
	[sflag:s9] =	ssyncadd.s32 $0xFFFFD800  }
0x256: {  	[hbm4b:s29+s2] =	stream.linear.scatter [tilespmem:s8], [sflag:$0x5], $0x2800, $0x38;
	[tilespmem:$0x1A400] =	vst v63  }
0x257: {  	_ =	swait.ge [sflag:s6], $0x2800  }
0x258: {  	[sflag:s6] =	ssyncset.done $0x0  }
0x259: {  	s30 =	rddreg [dreg:$0x1a];
	[sflag:s6] =	ssyncadd.s32 $0xFFFFD800  }
0x25a: {  	[hbm4b:s30+s2] =	stream.linear.scatter [tilespmem:s5], [sflag:$0x4], $0x2800, $0x38;
	[tilespmem:$0x1A400] =	vst v63  }
0x25b: {  	_ =	swait.ge [sflag:s7], $0x2800  }
0x25c: {  	[sflag:s7] =	ssyncset.done $0x0  }
0x25d: {  	[sflag:s7] =	ssyncadd.s32 $0xFFFFD800  }
0x25e: {  	_ =	swait.ge [sflag:s4], $0x2800  }
0x25f: {  	[sflag:s4] =	ssyncset.done $0x0  }
0x260: {  	[sflag:s4] =	ssyncadd.s32 $0xFFFFD800  }
0x261: {  	_ =	sfence.sel $0x180000  }
0x262: {  	[bflag:$0x0] =	sbarrier.arrive $0xFFFF  }
0x263: {  	_ =	strace $0x90000047  }
0x264: {  	s31 =	stileid.u32;
	[bflag:$0x2] =	sbarrier.arrive $0xFFFF  }
0x265: {  	p0 =	sne.s32 s31, $0x0;
	s0 =	rddreg [dreg:$0x2]  }
0x266: {  	s0 =	sadd.s32 @!p0 $0x100000, s0  }
0x267: {  	[sflag:s0] =	ssyncadd.tile.s32 @!p0 $0x1;
	_ =	shalt  }
.Lfunc_end2:
_tile_overlayer_lowered:
.L_overlay_start_2:
0x268: {  	(tag) =	ssettag $0x2  }
0x269: {  	s0 =	rddreg [dreg:$0x0];
	s2 =	stileid.u32  }
0x26a: {  	s1 =	rddreg [dreg:$0x1];
	p0 =	sne.s32 s2, $0x0  }
0x26b: {  	s3 =	rddreg [dreg:$0x2];
	[bflag:$0x3] =	sbarrier.arrive $0xFFFF;
	s2 =	simm.s32 @!p0 $0x1C06  }
0x26c: {  	[timem:s3], [sflag:s2] =	dma.local @!p0 [hbm:s0], s1  }
0x26d: {  	s0 =	simm.s32 @!p0 $0x6  }
0x26e: {  	_ =	swait.ge @!p0 [sflag:s0], s1  }
0x26f: {  	s1 =	ssub.s32 @!p0 $0x0, s1;
	[sflag:s0] =	ssyncset.done @!p0 $0x0  }
0x270: {  	[sflag:s0] =	ssyncadd.s32 @!p0 s1  }
0x271: {  	[bflag:$0x3] =	sbarrier.arrive $0xFFFF  }
0x272: {  	_ =	shalt  }

// kernel: sparse-core-data-format-call.cloned.1.call-start
scs
called_computation_lowered:
.L_overlay_start_0:
0x0: {  	s2 =	sld [smem:$0x3FD9]  }
0x1: {  	s3 =	sld [smem:$0x3FFE];
	_ =	sdelay $0x1  }
0x2: {  	s1 =	srdreg.scid  }
0x3: {  	s0 =	sand.u32 $0x1, s1  }
0x4: {  	s18 =	sshll.u32 s0, $0xA;
	s2 =	sadd.s32 s3, s2  }
0x5: {  	s2 =	sadd.s32 s2, s18  }
0x6: {  	[smem:$0x3FC6] =	sst s2  }
0x7: {  	_ = 	snop  }
0x8: {  	s2 =	sld [smem:$0x3FD0];
	(tm) =	ssettm $0x1  }
0x9: {  	s19 =	sld [smem:$0x3FFB];
	_ =	sdelay $0x3  }
0xa: {  	_ =	strace s19  }
0xb: {  	s3 =	sld [smem:$0x3FFC];
	_ =	sdelay $0x3  }
0xc: {  	_ =	strace s3  }
0xd: {  	s3 =	sld [smem:$0x3FFD];
	_ =	sdelay $0x3  }
0xe: {  	_ =	strace s3  }
0xf: {  	_ =	strace $0x8FFFFFFF  }
0x10: {  	s20 =	sld [smem:$0x3FDB];
	_ =	sdelay $0x1  }
0x11: {  	s4 =	simm.s32 $_scs_section_size  }
0x12: {  	s5 =	simm.s32 $_size__tile_overlayer_lowered;
	s6 =	simm.s32 $_tile_overlayer_lowered  }
0x13: {  	s23 =	simm.s32 $0x1BFF;
	s22 =	sshll.u32 s6, $0x1;
	s3 =	sadd.s32 s4, s20  }
0x14: {  	s7 =	simm.s32 $0x0;
	s21 =	sshll.u32 s5, $0x1;
	s5 =	sadd.s32 s22, s3  }
0x15: {  	[timem:s7], [sflag:s23] =	dma.local [hbm:s5], s21  }
0x16: {  	_ =	swait.ge [sflag:s23], s21  }
0x17: {  	s4 =	ssub.s32 $0x0, s21;
	[sflag:s23] =	ssyncset.done $0x0  }
0x18: {  	[sflag:s23] =	ssyncadd.s32 s4;
	_ =	sdelay $0x1  }
0x19: {  	s24 =	simm.s32 $0x1B8B  }
0x1a: {  	_ =	swait.ge [sflag:s24], $0x1  }
0x1b: {  	[sflag:s24] =	ssyncset.done $0x0  }
0x1c: {  	s26 =	simm.s32 $0x1B8E;
	s25 =	sld [smem:$0x3FFE];
	[sflag:s24] =	ssyncadd.s32 $0xFFFFFFFF  }
0x1d: {  	s27 =	simm.s32 $execute0_lowered;
	[smem:$0x3FD2] =	sst s26  }
0x1e: {  	s5 =	sshll.u32 s27, $0x1;
	_ =	strace $0x80000049;
	[dreg:$0x1] =	wrdreg $0xFFFFFFFF  }
0x1f: {  	s28 =	simm.s32 $_size_execute0_lowered;
	s3 =	sadd.s32 s3, s5;
	[dreg:$0x0] =	wrdreg $0x0  }
0x20: {  	s5 =	sshll.u32 s28, $0x1;
	[dreg:$0x2] =	wrdreg s3  }
0x21: {  	[dreg:$0x3] =	wrdreg s5  }
0x22: {  	[dreg:$0x4] =	wrdreg $0xC0  }
0x23: {  	_ =	task [dreg:s7], $0x5FFFF  }
0x24: {  	[dreg:$0x1] =	wrdreg $0xFFFFFFFF  }
0x25: {  	[dreg:$0x0] =	wrdreg $0x60  }
0x26: {  	[dreg:$0x2] =	wrdreg s25  }
0x27: {  	[dreg:$0x3] =	wrdreg s2  }
0x28: {  	[dreg:$0x4] =	wrdreg $0x9  }
0x29: {  	_ =	task.clear_ibuf [dreg:s7], $0x5FFFF;
	_ =	strace $0x90000049  }
0x2a: {  	s29 =	simm.s32 $0x9;
	_ =	strace $0x8000004B  }
0x2b: {  	_ =	swait.ge [sflag:s29], $0x1  }
0x2c: {  	[sflag:s29] =	ssyncadd.s32 $0xFFFFFFFF  }
0x2d: {  	_ =	strace $0x9000004B  }
0x2e: {  	_ =	sfence  }
0x2f: {  	s30 =	sld [smem:$0x0];
	_ =	sdelay $0x2  }
0x30: {  	s31 =	sshll.u32 s1, $0xD;
	s1 =	sshrl.u32 s1, $0x2  }
0x31: {  	s3 =	sand.u32 $0x4000, s31;
	s1 =	sadd.s32 s1, s30  }
0x32: {  	s0 =	sor.u32 s3, s0;
	s1 =	sshll.u32 s1, $0x11  }
0x33: {  	s0 =	sor.u32 s1, s0  }
0x34: {  	s0 =	sadd.s32 $0x8F2B, s0  }
0x35: {  	[sflag:s0] =	ssyncadd.remote.s32 $0x1  }
0x36: {  	_ =	sfence.sel $0xFFFF  }
0x37: {  	[dreg:$0x0] =	wrdreg $0xFFFFFFFF;
	(pc) =	sbr.abs _section_cstart, $3  }
0x38: {  	[dreg:$0x1] =	wrdreg $0xFFFFFFFF  }
0x39: {  	_ =	task.clear_ibuf [dreg:s7], $0x2FFFF;
	_ =	strace $0x9FFFFFFF  }
0x3a: {  	(tm) =	ssettm $0x7FFFFFFF  }
0x3b: {  	_ =	shalt  }
tec
execute0_lowered:
.L_overlay_start_1:
0x0: {  	(tag) =	ssettag $0x1  }
0x1: {  	s0 =	srdreg.scid  }
0x2: {  	s1 =	sshll.u32 s0, $0x4  }
0x3: {  	s0 =	stileid.u32;
	s1 =	sand.u32 $0x10, s1  }
0x4: {  	s1 =	sor.u32 s0, s1  }
0x5: {  	s6 =	rddreg [dreg:$0x0];
	s4 =	simm.s32 $0x1;
	s2 =	sshll.u32 s1, $0x7  }
0x6: {  	s7 =	simm.s32 $0x2;
	s12 =	simm.s32 $0x0;
	s1 =	ssub.s32 $0x1000, s2  }
0x7: {  	s8 =	simm.s32 $0x8000;
	s13 =	simm.s32 $0x0;
	s3 =	sand.u32 $0xF80, s1  }
0x8: {  	s9 =	simm.s32 $0x0;
	s5 =	sshrl.u32 s1, $0xC;
	p0 =	sne.s32 s3, $0x0  }
.Ltmp0:
0x9: {  	s1 =	rddreg [dreg:$0x2];
	s4 =	simm.s32 @!p0 $0x0;
	(pc) =	sbr.rel .LBB1_1-.Ltmp0, $4  }
0xa: {  	s11 =	simm.s32 $0x0;
	s3 =	rddreg [dreg:$0x1];
	s5 =	sadd.s32 s4, s5  }
0xb: {  	_ =	strace $0x8000004A;
	s4 =	simm.s32 $0x1;
	s5 =	smul.u32 $0xC8, s5  }
0xc: {  	s6 =	sadd.s32 $0xA00, s6;
	s10 =	smov.u32 s2;
	[sflag:s4] =	ssyncpa.u1 $0x0  }
0xd: {  	p0 =	por $0x0, $0x0;
	[sflag:s7] =	ssyncpa.u1 $0x0;
	s7 =	sor.u32 $0x1, s5  }
.LBB1_4:
0xe: {  	s16 =	sshll.u32 s13, $0x3;
	s17 =	sand.u32 $0x78, s13  }
0xf: {  	s30 =	sand.u32 $0x3E00, s13;
	s12 =	sshll.u32 s12, $0xE;
	s16 =	sand.u32 $0xC00, s16  }
0x10: {  	s31 =	sand.u32 $0x7, s13;
	s16 =	sor.u32 s17, s16;
	s17 =	sadd.s32 s3, s30  }
0x11: {  	s13 =	sshll.u32 s31, $0x12;
	s16 =	sshrl.u32 s16, $0x3;
	s12 =	sadd.s32 s12, s17  }
0x12: {  	[tilespmem:s15+$0x0 ss:$0x81] =	vst.msk $0xffff, v0;
	s13 =	sor.u32 $0x400, s13;
	s12 =	sadd.s32 s16, s12  }
0x13: {  	[hbm4b:s12+s13] =	stream.strided.scatter [tilespmem:s14], [sflag:$0x2], $0x1000, s8, s13, $0x20;
	[tilespmem:$0x4040] =	vst v63  }
.LBB1_5:
0x14: {  	s14 =	sadd.s32 $0x1, s9  }
0x15: {  	s12 =	sadd.s32 $0x1000, s10;
	s16 =	smov.u32 s10;
	p2 =	sgt.s32 s14, $0xC7  }
0x16: {  	s16 =	smov.u32 @p2 s12  }
0x17: {  	s14 =	simm.s32 @p2 $0x0;
	p2 =	sgt.s32 s16, $0xFFF  }
0x18: {  	s16 =	smov.u32 @p2 s2;
	p2 =	sne.s32 s11, s7  }
.Ltmp1:
0x19: {  	p1 =	slt.u32 s11, $0x2;
	(pc) =	sbr.rel @!p2 .LBB1_6-.Ltmp1, $4  }
0x1a: {  	s15 =	simm.s32 @!p1 $0x2  }
0x1b: {  	s13 =	smov.u32 s10;
	p0 =	por !p0, !p0;
	_ =	swait.ge @!p1 [sflag:s15], $0x1000  }
0x1c: {  	s12 =	smov.u32 s9;
	[sflag:s15] =	ssyncset.done @!p1 $0x0;
	s9 =	smov.u32 s14  }
0x1d: {  	s11 =	sadd.s32 $0x1, s11;
	[sflag:s15] =	ssyncadd.s32 @!p1 $0xFFFFF000;
	s10 =	smov.u32 s16  }
.LBB1_1:
0x1e: {  	p1 =	sge.u32 s11, s5  }
0x1f: {  	s14 =	sand.u32 @!p1 $0x1FFFFFF, s9  }
0x20: {  	s15 =	smulhi.u32 @!p1 $0x147AE15, s14;
	_ =	sdelay $0x1  }
0x21: {  	s15 =	smul.u32 @!p1 $0xC8, s15  }
0x22: {  	s16 =	sxor.u32 @!p1 $0xFFFFFFFF, s11;
	s17 =	smul.u32 @!p1 $0xC80, s10  }
0x23: {  	s31 =	sadd.s32 $0xFFFFFFFF, s11;
	s16 =	sshll.u32 @!p1 s16, $0xC;
	s14 =	ssub.s32 @!p1 s14, s15  }
0x24: {  	s15 =	sand.u32 @!p1 $0x1000, s16;
	s16 =	sadd.s32 @!p1 s6, s17;
	s14 =	sshll.u32 @!p1 s14, $0x4  }
0x25: {  	s17 =	simm.s32 @!p1 $0x6400;
	s14 =	sadd.s32 @!p1 s14, s16;
	s16 =	simm.s32 @!p1 $0x20  }
0x26: {  	[tilespmem:s15], [sflag:$0x1] =	stream.strided.gather @!p1 [hbm4b:s14+s16], $0x1000, s17, s16, $0x38;
	[tilespmem:$0x4040] =	vst v63  }
0x27: {  	p1 =	sge.u32 s31, s5  }
.Ltmp2:
0x28: {  	_ = 	snop;
	(pc) =	sbr.rel @p1 .LBB1_5-.Ltmp2, $1  }
0x29: {  	_ =	sdelay $0x3  }
0x2a: {  	s14 =	simm.s32 $0x1  }
0x2b: {  	_ =	swait.ge [sflag:s4], $0x1000;
	s14 =	simm.s32 @!p0 $0x0  }
0x2c: {  	[sflag:s4] =	ssyncset.done $0x0;
	s15 =	sshll.u32 s14, $0xC  }
0x2d: {  	[sflag:s4] =	ssyncadd.s32 $0xFFFFF000;
	s18 =	sor.u32 $0x10, s15  }
0x2e: {  	s14 =	smul.u32 $0x4080, s14;
	v1 =	vld [tilespmem:s18+$0x0]  }
0x2f: {  	s30 =	sand.u32 $0x1, s11;
	v0 =	vld [tilespmem:s18+$0xFFFFFFF0]  }
0x30: {  	s15 =	smul.u32 $0x4080, s30;
	s14 =	sshrl.u32 s14, $0x2  }
0x31: {  	s16 =	sor.u32 $0x2000, s14  }
0x32: {  	s31 =	sshrl.u32 s15, $0x2;
	s15 =	sadd.s32 $0x0, s16  }
0x33: {  	s17 =	simm.s32 $0x4;
	s18 =	sadd.s32 $0x20, s18;
	s14 =	sor.u32 $0x2000, s31;
	[tilespmem:s15+$0x810 ss:$0x81] =	vst.msk $0xffff, v1  }
.LBB1_3:
0x34: {  	v1 =	vld [tilespmem:s18+$0x0];
	p1 =	sne.s32 s17, $0x1FC;
	[tilespmem:s15+$0x0 ss:$0x81] =	vst.msk $0xffff, v0;
	s15 =	smov.u32 s17;
	s17 =	sadd.s32 $0x4, s17  }
.Ltmp3:
0x35: {  	v0 =	vld [tilespmem:s18+$0xFFFFFFF0];
	(pc) =	sbr.rel @p1 .LBB1_3-.Ltmp3, $4  }
0x36: {  	_ = 	snop  }
0x37: {  	s15 =	sshra.s32 s15, $0x2  }
0x38: {  	s15 =	sadd.s32 s15, s16  }
0x39: {  	s18 =	sadd.s32 $0x20, s18;
	[tilespmem:s15+$0x810 ss:$0x81] =	vst.msk $0xffff, v1  }
.Ltmp4:
0x3a: {  	_ = 	snop;
	(pc) =	sbr.rel .LBB1_4-.Ltmp4, $1  }
0x3b: {  	_ =	sdelay $0x3  }
.LBB1_6:
0x3c: {  	_ =	sfence.sel $0x180000  }
0x3d: {  	s2 =	simm.s32 $0x1;
	[bflag:$0x0] =	sbarrier.arrive $0xFFFF  }
0x3e: {  	s31 =	simm.s32 $0x2;
	[sflag:s2] =	ssyncpa.u1 $0x1  }
0x3f: {  	[sflag:s31] =	ssyncpa.u1 $0x1  }
0x40: {  	p0 =	sne.s32 s0, $0x0;
	_ =	strace $0x9000004A  }
0x41: {  	s0 =	sadd.s32 @!p0 $0x100000, s1;
	[bflag:$0x2] =	sbarrier.arrive $0xFFFF  }
0x42: {  	[sflag:s0] =	ssyncadd.tile.s32 @!p0 $0x1;
	_ =	shalt  }
.Lfunc_end1:
_tile_overlayer_lowered:
.L_overlay_start_2:
0x43: {  	(tag) =	ssettag $0x2  }
0x44: {  	s0 =	rddreg [dreg:$0x0];
	s2 =	stileid.u32  }
0x45: {  	s1 =	rddreg [dreg:$0x1];
	p0 =	sne.s32 s2, $0x0  }
0x46: {  	s3 =	rddreg [dreg:$0x2];
	[bflag:$0x3] =	sbarrier.arrive $0xFFFF;
	s2 =	simm.s32 @!p0 $0x1C01  }
0x47: {  	[timem:s3], [sflag:s2] =	dma.local @!p0 [hbm:s0], s1  }
0x48: {  	s0 =	simm.s32 @!p0 $0x1  }
0x49: {  	_ =	swait.ge @!p0 [sflag:s0], s1  }
0x4a: {  	s1 =	ssub.s32 @!p0 $0x0, s1;
	[sflag:s0] =	ssyncset.done @!p0 $0x0  }
0x4b: {  	[sflag:s0] =	ssyncadd.s32 @!p0 s1  }
0x4c: {  	[bflag:$0x3] =	sbarrier.arrive $0xFFFF  }
0x4d: {  	_ =	shalt  }

</sc_bundles>
